<compile_context>
chip_gen: v7x
topology: tpu7x:2x2x1
jax: 0.10.2.dev20260603
libtpu: 0.0.44.dev20260713+nightly
codegen_flags: <defaults>
</compile_context>

<pallas_src>
import functools

import jax
import jax.numpy as jnp
from jax import lax
from jax.experimental import pallas as pl
from jax.experimental.pallas import tpu as pltpu
from jax.experimental.pallas import tpu_sc as plsc

BATCH = 16384
HIST = 50
EMB_DIM = 64

B = BATCH * HIST
NC, NS = 2, 16
NW = NC * NS
BPW = B // NW
CH = 128
NSTEP = BPW // CH
NBUF = 8
LOOK = 4
NGRP = NSTEP // NBUF

_mesh = plsc.VectorSubcoreMesh(core_axis_name="c", subcore_axis_name="s")


@functools.partial(
    pl.kernel,
    mesh=_mesh,
    out_type=jax.ShapeDtypeStruct((B, EMB_DIM), jnp.float32),
    scratch_types=[
        pltpu.VMEM((NSTEP, CH), jnp.int32),
        pltpu.VMEM((NBUF, CH, EMB_DIM), jnp.float32),
        pltpu.SemaphoreType.DMA((NBUF,)),
        pltpu.SemaphoreType.DMA((NBUF,)),
    ],
    compiler_params=pltpu.CompilerParams(use_tc_tiling_on_sc=False),
)
def _sc_gather(idx_hbm, table_hbm, out_hbm, idx_v, rows_v, gsem, osem):
    wid = lax.axis_index("s") * NC + lax.axis_index("c")
    base = wid * BPW
    pltpu.sync_copy(idx_hbm.at[wid], idx_v)

    def fire_gather(j, b):
        pltpu.async_copy(table_hbm.at[idx_v.at[j]], rows_v.at[b], gsem.at[b])

    def wait_gather(j, b):
        pltpu.make_async_copy(
            table_hbm.at[idx_v.at[j]], rows_v.at[b], gsem.at[b]
        ).wait()

    def fire_out(j, b):
        pltpu.async_copy(
            rows_v.at[b], out_hbm.at[pl.ds(base + j * CH, CH)], osem.at[b]
        )

    def wait_out(j, b):
        pltpu.make_async_copy(
            rows_v.at[b], out_hbm.at[pl.ds(base + j * CH, CH)], osem.at[b]
        ).wait()

    for b in range(LOOK):
        fire_gather(b, b)
    for b in range(NBUF):
        j = b
        wait_gather(j, b)
        fire_out(j, b)
        bn = (b + LOOK) % NBUF
        if j >= LOOK:
            wait_out(j - LOOK, bn)
        fire_gather(j + LOOK, bn)

    def group(gi, carry):
        g = gi * NBUF
        for b in range(NBUF):
            j = g + b
            wait_gather(j, b)
            fire_out(j, b)
            bn = (b + LOOK) % NBUF
            wait_out(j - LOOK, bn)
            fire_gather(j + LOOK, bn)
        return carry

    lax.fori_loop(1, NGRP - 1, group, 0)

    g = (NGRP - 1) * NBUF
    for b in range(NBUF):
        j = g + b
        wait_gather(j, b)
        fire_out(j, b)
        if b < NBUF - LOOK:
            bn = (b + LOOK) % NBUF
            wait_out(j - LOOK, bn)
            fire_gather(j + LOOK, bn)
    for b in range(NBUF):
        wait_out(g + b, b)


def kernel(input_x, table):
    idx = input_x.reshape(NW, NSTEP, CH).astype(jnp.int32)
    out = _sc_gather(idx, table)
    return out.reshape(BATCH, HIST, EMB_DIM)

# --- scband reference (transcript-rebuilt; emitter-appended) ---
"""Pipeline reference for scband-graph-net-v2-15212774162990 (READ-ONLY COPY).

The authoritative reference and input builder live on the scoring server;
editing this copy changes nothing except your own understanding.
"""

import jax, jax.numpy as jnp
import numpy as np

VOCAB = 1000000
EMB_DIM = 64
BATCH = 16384
HIST = 50

def setup_inputs(seed: int = 0) -> dict:
    key = jax.random.key(seed)
    k_idx, k_tab = jax.random.split(key)
    input_x = jax.random.randint(k_idx, (BATCH, HIST), 0, VOCAB, dtype=jnp.int64) if jax.config.jax_enable_x64 else jax.random.randint(k_idx, (BATCH, HIST), 0, VOCAB, dtype=jnp.int32)
    table = jax.random.normal(k_tab, (VOCAB, EMB_DIM), dtype=jnp.float32)
    return {"input_x": input_x, "table": table}

def reference(input_x, table):
    # graph_net_v2.forward: frozen embedding lookup
    x = jnp.take(table, input_x, axis=0)
    return x

if __name__ == "__main__":
    import jax
    _d = setup_inputs()
    print(jax.jit(kernel)(*tuple(_d.values())))

</pallas_src>

<mosaic_0001>
#map = affine_map<(d0, d1) -> (0, 0, 0)>
#map1 = affine_map<(d0, d1) -> (0, 0)>
module attributes {stable_mosaic.version = 14 : i64} {
  func.func @_sc_gather(%arg0: i32, %arg1: i32, %arg2: memref<32x200x128xi32, #tpu.memory_space<hbm>>, %arg3: memref<1000000x64xf32, #tpu.memory_space<hbm>>, %arg4: memref<819200x64xf32, #tpu.memory_space<hbm>>, %arg5: memref<200x128xi32, #tpu.memory_space<vmem>>, %arg6: memref<8x128x64xf32, #tpu.memory_space<vmem>>, %arg7: memref<8x!tpu.dma_semaphore, #tpu.memory_space<semaphore_mem>>, %arg8: memref<8x!tpu.dma_semaphore, #tpu.memory_space<semaphore_mem>>) attributes {dimension_semantics = [#tpu.dimension_semantics<core_parallel>, #tpu.dimension_semantics<subcore_parallel>], iteration_bounds = array<i64: 2, 16>, scalar_prefetch = 0 : i64, scratch_operands = 4 : i64, tpu.core_type = #tpu.core_type<sc_vector_subcore>, window_params = [{transform_indices = #map}, {transform_indices = #map1}, {transform_indices = #map1}]} {
    %mul3A = arith.constant 2 : i32
    %mul3A_0 = arith.muli %arg1, %mul3A : i32
    %add3A = arith.addi %mul3A_0, %arg0 : i32
    %mul3A_1 = arith.constant 25600 : i32
    %mul3A_2 = arith.muli %add3A, %mul3A_1 : i32
    "tpu.region"() ({
      %run_scoped3A = tpu.sem_alloc : memref<!tpu.dma_semaphore, #tpu.memory_space<semaphore_mem>>
      %dma_start3A_1062 = arith.constant 0 : i32
      %dma_start3A_1063 = arith.constant 0 : i32
      %dma_start3A_1064 = tpu.memref_slice %arg2[%add3A, %dma_start3A_1062, %dma_start3A_1063] : memref<32x200x128xi32, #tpu.memory_space<hbm>> -> memref<1x200x128xi32, #tpu.memory_space<hbm>>
      %dma_start3A_1065 = tpu.memref_squeeze %dma_start3A_1064 : memref<1x200x128xi32, #tpu.memory_space<hbm>> -> memref<200x128xi32, #tpu.memory_space<hbm>>
      %dma_start3A_1066 = arith.constant 0 : i32
      %dma_start3A_1067 = arith.constant 0 : i32
      %dma_start3A_1068 = tpu.memref_slice %arg2[%add3A, %dma_start3A_1066, %dma_start3A_1067] : memref<32x200x128xi32, #tpu.memory_space<hbm>> -> memref<1x200x128xi32, #tpu.memory_space<hbm>>
      %dma_start3A_1069 = tpu.memref_squeeze %dma_start3A_1068 : memref<1x200x128xi32, #tpu.memory_space<hbm>> -> memref<200x128xi32, #tpu.memory_space<hbm>>
      tpu.enqueue_dma source(%dma_start3A_1069 : memref<200x128xi32, #tpu.memory_space<hbm>>) target(%arg5 : memref<200x128xi32, #tpu.memory_space<vmem>>) target_semaphore(%run_scoped3A : memref<!tpu.dma_semaphore, #tpu.memory_space<semaphore_mem>>)
      %dma_wait3A_1070 = arith.constant 0 : i32
      %dma_wait3A_1071 = arith.constant 0 : i32
      %dma_wait3A_1072 = tpu.memref_slice %arg2[%add3A, %dma_wait3A_1070, %dma_wait3A_1071] : memref<32x200x128xi32, #tpu.memory_space<hbm>> -> memref<1x200x128xi32, #tpu.memory_space<hbm>>
      %dma_wait3A_1073 = tpu.memref_squeeze %dma_wait3A_1072 : memref<1x200x128xi32, #tpu.memory_space<hbm>> -> memref<200x128xi32, #tpu.memory_space<hbm>>
      %dma_wait3A_1074 = arith.constant 0 : i32
      %dma_wait3A_1075 = arith.constant 0 : i32
      %dma_wait3A_1076 = tpu.memref_slice %arg2[%add3A, %dma_wait3A_1074, %dma_wait3A_1075] : memref<32x200x128xi32, #tpu.memory_space<hbm>> -> memref<1x200x128xi32, #tpu.memory_space<hbm>>
      %dma_wait3A_1077 = tpu.memref_squeeze %dma_wait3A_1076 : memref<1x200x128xi32, #tpu.memory_space<hbm>> -> memref<200x128xi32, #tpu.memory_space<hbm>>
      tpu.wait_dma2 semaphore(%run_scoped3A : memref<!tpu.dma_semaphore, #tpu.memory_space<semaphore_mem>>) src(%dma_wait3A_1077 : memref<200x128xi32, #tpu.memory_space<hbm>>) dst(%arg5 : memref<200x128xi32, #tpu.memory_space<vmem>>)
      tpu.yield
    }) : () -> ()
    %dma_start3A = arith.constant 0 : i32
    %dma_start3A_3 = arith.constant 0 : i32
    %dma_start3A_4 = arith.constant 0 : i32
    %dma_start3A_5 = arith.constant 0 : i32
    %dma_start3A_6 = arith.constant 0 : i32
    %dma_start3A_7 = tpu.memref_slice %arg6[%dma_start3A_3, %dma_start3A_5, %dma_start3A_6] : memref<8x128x64xf32, #tpu.memory_space<vmem>> -> memref<1x128x64xf32, #tpu.memory_space<vmem>>
    %dma_start3A_8 = tpu.memref_squeeze %dma_start3A_7 : memref<1x128x64xf32, #tpu.memory_space<vmem>> -> memref<128x64xf32, #tpu.memory_space<vmem>>
    %dma_start3A_9 = arith.constant 0 : i32
    %dma_start3A_10 = tpu.memref_slice %arg5[%dma_start3A, %dma_start3A_9] : memref<200x128xi32, #tpu.memory_space<vmem>> -> memref<1x128xi32, #tpu.memory_space<vmem>>
    %dma_start3A_11 = tpu.memref_squeeze %dma_start3A_10 : memref<1x128xi32, #tpu.memory_space<vmem>> -> memref<128xi32, #tpu.memory_space<vmem>>
    %dma_start3A_12 = arith.constant 0 : i32
    %dma_start3A_13 = arith.constant 0 : i32
    %dma_start3A_14 = tpu.memref_slice %arg3[%dma_start3A_12, %dma_start3A_13] : memref<1000000x64xf32, #tpu.memory_space<hbm>> -> memref<1000000x64xf32, #tpu.memory_space<hbm>>
    %dma_start3A_15 = tpu.memref_slice %arg7[%dma_start3A_4] : memref<8x!tpu.dma_semaphore, #tpu.memory_space<semaphore_mem>> -> memref<1x!tpu.dma_semaphore, #tpu.memory_space<semaphore_mem>>
    %dma_start3A_16 = tpu.memref_squeeze %dma_start3A_15 : memref<1x!tpu.dma_semaphore, #tpu.memory_space<semaphore_mem>> -> memref<!tpu.dma_semaphore, #tpu.memory_space<semaphore_mem>>
    tpu.enqueue_indirect_dma source(%dma_start3A_14 : memref<1000000x64xf32, #tpu.memory_space<hbm>>) target(%dma_start3A_8 : memref<128x64xf32, #tpu.memory_space<vmem>>) offsets(%dma_start3A_11 : memref<128xi32, #tpu.memory_space<vmem>>) semaphore(%dma_start3A_16 : memref<!tpu.dma_semaphore, #tpu.memory_space<semaphore_mem>>)
    %dma_start3A_17 = arith.constant 1 : i32
    %dma_start3A_18 = arith.constant 1 : i32
    %dma_start3A_19 = arith.constant 1 : i32
    %dma_start3A_20 = arith.constant 0 : i32
    %dma_start3A_21 = arith.constant 0 : i32
    %dma_start3A_22 = tpu.memref_slice %arg6[%dma_start3A_18, %dma_start3A_20, %dma_start3A_21] : memref<8x128x64xf32, #tpu.memory_space<vmem>> -> memref<1x128x64xf32, #tpu.memory_space<vmem>>
    %dma_start3A_23 = tpu.memref_squeeze %dma_start3A_22 : memref<1x128x64xf32, #tpu.memory_space<vmem>> -> memref<128x64xf32, #tpu.memory_space<vmem>>
    %dma_start3A_24 = arith.constant 0 : i32
    %dma_start3A_25 = tpu.memref_slice %arg5[%dma_start3A_17, %dma_start3A_24] : memref<200x128xi32, #tpu.memory_space<vmem>> -> memref<1x128xi32, #tpu.memory_space<vmem>>
    %dma_start3A_26 = tpu.memref_squeeze %dma_start3A_25 : memref<1x128xi32, #tpu.memory_space<vmem>> -> memref<128xi32, #tpu.memory_space<vmem>>
    %dma_start3A_27 = arith.constant 0 : i32
    %dma_start3A_28 = arith.constant 0 : i32
    %dma_start3A_29 = tpu.memref_slice %arg3[%dma_start3A_27, %dma_start3A_28] : memref<1000000x64xf32, #tpu.memory_space<hbm>> -> memref<1000000x64xf32, #tpu.memory_space<hbm>>
    %dma_start3A_30 = tpu.memref_slice %arg7[%dma_start3A_19] : memref<8x!tpu.dma_semaphore, #tpu.memory_space<semaphore_mem>> -> memref<1x!tpu.dma_semaphore, #tpu.memory_space<semaphore_mem>>
    %dma_start3A_31 = tpu.memref_squeeze %dma_start3A_30 : memref<1x!tpu.dma_semaphore, #tpu.memory_space<semaphore_mem>> -> memref<!tpu.dma_semaphore, #tpu.memory_space<semaphore_mem>>
    tpu.enqueue_indirect_dma source(%dma_start3A_29 : memref<1000000x64xf32, #tpu.memory_space<hbm>>) target(%dma_start3A_23 : memref<128x64xf32, #tpu.memory_space<vmem>>) offsets(%dma_start3A_26 : memref<128xi32, #tpu.memory_space<vmem>>) semaphore(%dma_start3A_31 : memref<!tpu.dma_semaphore, #tpu.memory_space<semaphore_mem>>)
    %dma_start3A_32 = arith.constant 2 : i32
    %dma_start3A_33 = arith.constant 2 : i32
    %dma_start3A_34 = arith.constant 2 : i32
    %dma_start3A_35 = arith.constant 0 : i32
    %dma_start3A_36 = arith.constant 0 : i32
    %dma_start3A_37 = tpu.memref_slice %arg6[%dma_start3A_33, %dma_start3A_35, %dma_start3A_36] : memref<8x128x64xf32, #tpu.memory_space<vmem>> -> memref<1x128x64xf32, #tpu.memory_space<vmem>>
    %dma_start3A_38 = tpu.memref_squeeze %dma_start3A_37 : memref<1x128x64xf32, #tpu.memory_space<vmem>> -> memref<128x64xf32, #tpu.memory_space<vmem>>
    %dma_start3A_39 = arith.constant 0 : i32
    %dma_start3A_40 = tpu.memref_slice %arg5[%dma_start3A_32, %dma_start3A_39] : memref<200x128xi32, #tpu.memory_space<vmem>> -> memref<1x128xi32, #tpu.memory_space<vmem>>
    %dma_start3A_41 = tpu.memref_squeeze %dma_start3A_40 : memref<1x128xi32, #tpu.memory_space<vmem>> -> memref<128xi32, #tpu.memory_space<vmem>>
    %dma_start3A_42 = arith.constant 0 : i32
    %dma_start3A_43 = arith.constant 0 : i32
    %dma_start3A_44 = tpu.memref_slice %arg3[%dma_start3A_42, %dma_start3A_43] : memref<1000000x64xf32, #tpu.memory_space<hbm>> -> memref<1000000x64xf32, #tpu.memory_space<hbm>>
    %dma_start3A_45 = tpu.memref_slice %arg7[%dma_start3A_34] : memref<8x!tpu.dma_semaphore, #tpu.memory_space<semaphore_mem>> -> memref<1x!tpu.dma_semaphore, #tpu.memory_space<semaphore_mem>>
    %dma_start3A_46 = tpu.memref_squeeze %dma_start3A_45 : memref<1x!tpu.dma_semaphore, #tpu.memory_space<semaphore_mem>> -> memref<!tpu.dma_semaphore, #tpu.memory_space<semaphore_mem>>
    tpu.enqueue_indirect_dma source(%dma_start3A_44 : memref<1000000x64xf32, #tpu.memory_space<hbm>>) target(%dma_start3A_38 : memref<128x64xf32, #tpu.memory_space<vmem>>) offsets(%dma_start3A_41 : memref<128xi32, #tpu.memory_space<vmem>>) semaphore(%dma_start3A_46 : memref<!tpu.dma_semaphore, #tpu.memory_space<semaphore_mem>>)
    %dma_start3A_47 = arith.constant 3 : i32
    %dma_start3A_48 = arith.constant 3 : i32
    %dma_start3A_49 = arith.constant 3 : i32
    %dma_start3A_50 = arith.constant 0 : i32
    %dma_start3A_51 = arith.constant 0 : i32
    %dma_start3A_52 = tpu.memref_slice %arg6[%dma_start3A_48, %dma_start3A_50, %dma_start3A_51] : memref<8x128x64xf32, #tpu.memory_space<vmem>> -> memref<1x128x64xf32, #tpu.memory_space<vmem>>
    %dma_start3A_53 = tpu.memref_squeeze %dma_start3A_52 : memref<1x128x64xf32, #tpu.memory_space<vmem>> -> memref<128x64xf32, #tpu.memory_space<vmem>>
    %dma_start3A_54 = arith.constant 0 : i32
    %dma_start3A_55 = tpu.memref_slice %arg5[%dma_start3A_47, %dma_start3A_54] : memref<200x128xi32, #tpu.memory_space<vmem>> -> memref<1x128xi32, #tpu.memory_space<vmem>>
    %dma_start3A_56 = tpu.memref_squeeze %dma_start3A_55 : memref<1x128xi32, #tpu.memory_space<vmem>> -> memref<128xi32, #tpu.memory_space<vmem>>
    %dma_start3A_57 = arith.constant 0 : i32
    %dma_start3A_58 = arith.constant 0 : i32
    %dma_start3A_59 = tpu.memref_slice %arg3[%dma_start3A_57, %dma_start3A_58] : memref<1000000x64xf32, #tpu.memory_space<hbm>> -> memref<1000000x64xf32, #tpu.memory_space<hbm>>
    %dma_start3A_60 = tpu.memref_slice %arg7[%dma_start3A_49] : memref<8x!tpu.dma_semaphore, #tpu.memory_space<semaphore_mem>> -> memref<1x!tpu.dma_semaphore, #tpu.memory_space<semaphore_mem>>
    %dma_start3A_61 = tpu.memref_squeeze %dma_start3A_60 : memref<1x!tpu.dma_semaphore, #tpu.memory_space<semaphore_mem>> -> memref<!tpu.dma_semaphore, #tpu.memory_space<semaphore_mem>>
    tpu.enqueue_indirect_dma source(%dma_start3A_59 : memref<1000000x64xf32, #tpu.memory_space<hbm>>) target(%dma_start3A_53 : memref<128x64xf32, #tpu.memory_space<vmem>>) offsets(%dma_start3A_56 : memref<128xi32, #tpu.memory_space<vmem>>) semaphore(%dma_start3A_61 : memref<!tpu.dma_semaphore, #tpu.memory_space<semaphore_mem>>)
    %dma_wait3A = arith.constant 0 : i32
    %dma_wait3A_62 = arith.constant 0 : i32
    %dma_wait3A_63 = arith.constant 0 : i32
    %dma_wait3A_64 = arith.constant 0 : i32
    %dma_wait3A_65 = arith.constant 0 : i32
    %dma_wait3A_66 = tpu.memref_slice %arg6[%dma_wait3A_62, %dma_wait3A_64, %dma_wait3A_65] : memref<8x128x64xf32, #tpu.memory_space<vmem>> -> memref<1x128x64xf32, #tpu.memory_space<vmem>>
    %dma_wait3A_67 = tpu.memref_squeeze %dma_wait3A_66 : memref<1x128x64xf32, #tpu.memory_space<vmem>> -> memref<128x64xf32, #tpu.memory_space<vmem>>
    %dma_wait3A_68 = arith.constant 0 : i32
    %dma_wait3A_69 = tpu.memref_slice %arg5[%dma_wait3A, %dma_wait3A_68] : memref<200x128xi32, #tpu.memory_space<vmem>> -> memref<1x128xi32, #tpu.memory_space<vmem>>
    %dma_wait3A_70 = tpu.memref_squeeze %dma_wait3A_69 : memref<1x128xi32, #tpu.memory_space<vmem>> -> memref<128xi32, #tpu.memory_space<vmem>>
    %dma_wait3A_71 = arith.constant 0 : i32
    %dma_wait3A_72 = arith.constant 0 : i32
    %dma_wait3A_73 = tpu.memref_slice %arg3[%dma_wait3A_71, %dma_wait3A_72] : memref<1000000x64xf32, #tpu.memory_space<hbm>> -> memref<1000000x64xf32, #tpu.memory_space<hbm>>
    %dma_wait3A_74 = tpu.memref_slice %arg7[%dma_wait3A_63] : memref<8x!tpu.dma_semaphore, #tpu.memory_space<semaphore_mem>> -> memref<1x!tpu.dma_semaphore, #tpu.memory_space<semaphore_mem>>
    %dma_wait3A_75 = tpu.memref_squeeze %dma_wait3A_74 : memref<1x!tpu.dma_semaphore, #tpu.memory_space<semaphore_mem>> -> memref<!tpu.dma_semaphore, #tpu.memory_space<semaphore_mem>>
    tpu.wait_indirect_dma semaphore(%dma_wait3A_75 : memref<!tpu.dma_semaphore, #tpu.memory_space<semaphore_mem>>) src(%dma_wait3A_73 : memref<1000000x64xf32, #tpu.memory_space<hbm>>) dst(%dma_wait3A_67 : memref<128x64xf32, #tpu.memory_space<vmem>>)
    %add3A_76 = arith.constant 0 : i32
    %add3A_77 = arith.addi %mul3A_2, %add3A_76 : i32
    %dma_start3A_78 = arith.constant 0 : i32
    %dma_start3A_79 = arith.constant 0 : i32
    %dma_start3A_80 = arith.constant 0 : i32
    %dma_start3A_81 = arith.constant 0 : i32
    %dma_start3A_82 = tpu.memref_slice %arg6[%dma_start3A_78, %dma_start3A_80, %dma_start3A_81] : memref<8x128x64xf32, #tpu.memory_space<vmem>> -> memref<1x128x64xf32, #tpu.memory_space<vmem>>
    %dma_start3A_83 = tpu.memref_squeeze %dma_start3A_82 : memref<1x128x64xf32, #tpu.memory_space<vmem>> -> memref<128x64xf32, #tpu.memory_space<vmem>>
    %dma_start3A_84 = arith.constant 0 : i32
    %dma_start3A_85 = tpu.memref_slice %arg4[%add3A_77, %dma_start3A_84] : memref<819200x64xf32, #tpu.memory_space<hbm>> -> memref<128x64xf32, #tpu.memory_space<hbm>>
    %dma_start3A_86 = tpu.memref_slice %arg8[%dma_start3A_79] : memref<8x!tpu.dma_semaphore, #tpu.memory_space<semaphore_mem>> -> memref<1x!tpu.dma_semaphore, #tpu.memory_space<semaphore_mem>>
    %dma_start3A_87 = tpu.memref_squeeze %dma_start3A_86 : memref<1x!tpu.dma_semaphore, #tpu.memory_space<semaphore_mem>> -> memref<!tpu.dma_semaphore, #tpu.memory_space<semaphore_mem>>
    %dma_start3A_88 = arith.constant 0 : i32
    %dma_start3A_89 = tpu.memref_slice %arg4[%add3A_77, %dma_start3A_88] : memref<819200x64xf32, #tpu.memory_space<hbm>> -> memref<128x64xf32, #tpu.memory_space<hbm>>
    %dma_start3A_90 = arith.constant 0 : i32
    %dma_start3A_91 = arith.constant 0 : i32
    %dma_start3A_92 = tpu.memref_slice %arg6[%dma_start3A_78, %dma_start3A_90, %dma_start3A_91] : memref<8x128x64xf32, #tpu.memory_space<vmem>> -> memref<1x128x64xf32, #tpu.memory_space<vmem>>
    %dma_start3A_93 = tpu.memref_squeeze %dma_start3A_92 : memref<1x128x64xf32, #tpu.memory_space<vmem>> -> memref<128x64xf32, #tpu.memory_space<vmem>>
    tpu.enqueue_dma source(%dma_start3A_93 : memref<128x64xf32, #tpu.memory_space<vmem>>) target(%dma_start3A_89 : memref<128x64xf32, #tpu.memory_space<hbm>>) target_semaphore(%dma_start3A_87 : memref<!tpu.dma_semaphore, #tpu.memory_space<semaphore_mem>>)
    %dma_start3A_94 = arith.constant 4 : i32
    %dma_start3A_95 = arith.constant 4 : i32
    %dma_start3A_96 = arith.constant 4 : i32
    %dma_start3A_97 = arith.constant 0 : i32
    %dma_start3A_98 = arith.constant 0 : i32
    %dma_start3A_99 = tpu.memref_slice %arg6[%dma_start3A_95, %dma_start3A_97, %dma_start3A_98] : memref<8x128x64xf32, #tpu.memory_space<vmem>> -> memref<1x128x64xf32, #tpu.memory_space<vmem>>
    %dma_start3A_100 = tpu.memref_squeeze %dma_start3A_99 : memref<1x128x64xf32, #tpu.memory_space<vmem>> -> memref<128x64xf32, #tpu.memory_space<vmem>>
    %dma_start3A_101 = arith.constant 0 : i32
    %dma_start3A_102 = tpu.memref_slice %arg5[%dma_start3A_94, %dma_start3A_101] : memref<200x128xi32, #tpu.memory_space<vmem>> -> memref<1x128xi32, #tpu.memory_space<vmem>>
    %dma_start3A_103 = tpu.memref_squeeze %dma_start3A_102 : memref<1x128xi32, #tpu.memory_space<vmem>> -> memref<128xi32, #tpu.memory_space<vmem>>
    %dma_start3A_104 = arith.constant 0 : i32
    %dma_start3A_105 = arith.constant 0 : i32
    %dma_start3A_106 = tpu.memref_slice %arg3[%dma_start3A_104, %dma_start3A_105] : memref<1000000x64xf32, #tpu.memory_space<hbm>> -> memref<1000000x64xf32, #tpu.memory_space<hbm>>
    %dma_start3A_107 = tpu.memref_slice %arg7[%dma_start3A_96] : memref<8x!tpu.dma_semaphore, #tpu.memory_space<semaphore_mem>> -> memref<1x!tpu.dma_semaphore, #tpu.memory_space<semaphore_mem>>
    %dma_start3A_108 = tpu.memref_squeeze %dma_start3A_107 : memref<1x!tpu.dma_semaphore, #tpu.memory_space<semaphore_mem>> -> memref<!tpu.dma_semaphore, #tpu.memory_space<semaphore_mem>>
    tpu.enqueue_indirect_dma source(%dma_start3A_106 : memref<1000000x64xf32, #tpu.memory_space<hbm>>) target(%dma_start3A_100 : memref<128x64xf32, #tpu.memory_space<vmem>>) offsets(%dma_start3A_103 : memref<128xi32, #tpu.memory_space<vmem>>) semaphore(%dma_start3A_108 : memref<!tpu.dma_semaphore, #tpu.memory_space<semaphore_mem>>)
    %dma_wait3A_109 = arith.constant 1 : i32
    %dma_wait3A_110 = arith.constant 1 : i32
    %dma_wait3A_111 = arith.constant 1 : i32
    %dma_wait3A_112 = arith.constant 0 : i32
    %dma_wait3A_113 = arith.constant 0 : i32
    %dma_wait3A_114 = tpu.memref_slice %arg6[%dma_wait3A_110, %dma_wait3A_112, %dma_wait3A_113] : memref<8x128x64xf32, #tpu.memory_space<vmem>> -> memref<1x128x64xf32, #tpu.memory_space<vmem>>
    %dma_wait3A_115 = tpu.memref_squeeze %dma_wait3A_114 : memref<1x128x64xf32, #tpu.memory_space<vmem>> -> memref<128x64xf32, #tpu.memory_space<vmem>>
    %dma_wait3A_116 = arith.constant 0 : i32
    %dma_wait3A_117 = tpu.memref_slice %arg5[%dma_wait3A_109, %dma_wait3A_116] : memref<200x128xi32, #tpu.memory_space<vmem>> -> memref<1x128xi32, #tpu.memory_space<vmem>>
    %dma_wait3A_118 = tpu.memref_squeeze %dma_wait3A_117 : memref<1x128xi32, #tpu.memory_space<vmem>> -> memref<128xi32, #tpu.memory_space<vmem>>
    %dma_wait3A_119 = arith.constant 0 : i32
    %dma_wait3A_120 = arith.constant 0 : i32
    %dma_wait3A_121 = tpu.memref_slice %arg3[%dma_wait3A_119, %dma_wait3A_120] : memref<1000000x64xf32, #tpu.memory_space<hbm>> -> memref<1000000x64xf32, #tpu.memory_space<hbm>>
    %dma_wait3A_122 = tpu.memref_slice %arg7[%dma_wait3A_111] : memref<8x!tpu.dma_semaphore, #tpu.memory_space<semaphore_mem>> -> memref<1x!tpu.dma_semaphore, #tpu.memory_space<semaphore_mem>>
    %dma_wait3A_123 = tpu.memref_squeeze %dma_wait3A_122 : memref<1x!tpu.dma_semaphore, #tpu.memory_space<semaphore_mem>> -> memref<!tpu.dma_semaphore, #tpu.memory_space<semaphore_mem>>
    tpu.wait_indirect_dma semaphore(%dma_wait3A_123 : memref<!tpu.dma_semaphore, #tpu.memory_space<semaphore_mem>>) src(%dma_wait3A_121 : memref<1000000x64xf32, #tpu.memory_space<hbm>>) dst(%dma_wait3A_115 : memref<128x64xf32, #tpu.memory_space<vmem>>)
    %add3A_124 = arith.constant 128 : i32
    %add3A_125 = arith.addi %mul3A_2, %add3A_124 : i32
    %dma_start3A_126 = arith.constant 1 : i32
    %dma_start3A_127 = arith.constant 1 : i32
    %dma_start3A_128 = arith.constant 0 : i32
    %dma_start3A_129 = arith.constant 0 : i32
    %dma_start3A_130 = tpu.memref_slice %arg6[%dma_start3A_126, %dma_start3A_128, %dma_start3A_129] : memref<8x128x64xf32, #tpu.memory_space<vmem>> -> memref<1x128x64xf32, #tpu.memory_space<vmem>>
    %dma_start3A_131 = tpu.memref_squeeze %dma_start3A_130 : memref<1x128x64xf32, #tpu.memory_space<vmem>> -> memref<128x64xf32, #tpu.memory_space<vmem>>
    %dma_start3A_132 = arith.constant 0 : i32
    %dma_start3A_133 = tpu.memref_slice %arg4[%add3A_125, %dma_start3A_132] : memref<819200x64xf32, #tpu.memory_space<hbm>> -> memref<128x64xf32, #tpu.memory_space<hbm>>
    %dma_start3A_134 = tpu.memref_slice %arg8[%dma_start3A_127] : memref<8x!tpu.dma_semaphore, #tpu.memory_space<semaphore_mem>> -> memref<1x!tpu.dma_semaphore, #tpu.memory_space<semaphore_mem>>
    %dma_start3A_135 = tpu.memref_squeeze %dma_start3A_134 : memref<1x!tpu.dma_semaphore, #tpu.memory_space<semaphore_mem>> -> memref<!tpu.dma_semaphore, #tpu.memory_space<semaphore_mem>>
    %dma_start3A_136 = arith.constant 0 : i32
    %dma_start3A_137 = tpu.memref_slice %arg4[%add3A_125, %dma_start3A_136] : memref<819200x64xf32, #tpu.memory_space<hbm>> -> memref<128x64xf32, #tpu.memory_space<hbm>>
    %dma_start3A_138 = arith.constant 0 : i32
    %dma_start3A_139 = arith.constant 0 : i32
    %dma_start3A_140 = tpu.memref_slice %arg6[%dma_start3A_126, %dma_start3A_138, %dma_start3A_139] : memref<8x128x64xf32, #tpu.memory_space<vmem>> -> memref<1x128x64xf32, #tpu.memory_space<vmem>>
    %dma_start3A_141 = tpu.memref_squeeze %dma_start3A_140 : memref<1x128x64xf32, #tpu.memory_space<vmem>> -> memref<128x64xf32, #tpu.memory_space<vmem>>
    tpu.enqueue_dma source(%dma_start3A_141 : memref<128x64xf32, #tpu.memory_space<vmem>>) target(%dma_start3A_137 : memref<128x64xf32, #tpu.memory_space<hbm>>) target_semaphore(%dma_start3A_135 : memref<!tpu.dma_semaphore, #tpu.memory_space<semaphore_mem>>)
    %dma_start3A_142 = arith.constant 5 : i32
    %dma_start3A_143 = arith.constant 5 : i32
    %dma_start3A_144 = arith.constant 5 : i32
    %dma_start3A_145 = arith.constant 0 : i32
    %dma_start3A_146 = arith.constant 0 : i32
    %dma_start3A_147 = tpu.memref_slice %arg6[%dma_start3A_143, %dma_start3A_145, %dma_start3A_146] : memref<8x128x64xf32, #tpu.memory_space<vmem>> -> memref<1x128x64xf32, #tpu.memory_space<vmem>>
    %dma_start3A_148 = tpu.memref_squeeze %dma_start3A_147 : memref<1x128x64xf32, #tpu.memory_space<vmem>> -> memref<128x64xf32, #tpu.memory_space<vmem>>
    %dma_start3A_149 = arith.constant 0 : i32
    %dma_start3A_150 = tpu.memref_slice %arg5[%dma_start3A_142, %dma_start3A_149] : memref<200x128xi32, #tpu.memory_space<vmem>> -> memref<1x128xi32, #tpu.memory_space<vmem>>
    %dma_start3A_151 = tpu.memref_squeeze %dma_start3A_150 : memref<1x128xi32, #tpu.memory_space<vmem>> -> memref<128xi32, #tpu.memory_space<vmem>>
    %dma_start3A_152 = arith.constant 0 : i32
    %dma_start3A_153 = arith.constant 0 : i32
    %dma_start3A_154 = tpu.memref_slice %arg3[%dma_start3A_152, %dma_start3A_153] : memref<1000000x64xf32, #tpu.memory_space<hbm>> -> memref<1000000x64xf32, #tpu.memory_space<hbm>>
    %dma_start3A_155 = tpu.memref_slice %arg7[%dma_start3A_144] : memref<8x!tpu.dma_semaphore, #tpu.memory_space<semaphore_mem>> -> memref<1x!tpu.dma_semaphore, #tpu.memory_space<semaphore_mem>>
    %dma_start3A_156 = tpu.memref_squeeze %dma_start3A_155 : memref<1x!tpu.dma_semaphore, #tpu.memory_space<semaphore_mem>> -> memref<!tpu.dma_semaphore, #tpu.memory_space<semaphore_mem>>
    tpu.enqueue_indirect_dma source(%dma_start3A_154 : memref<1000000x64xf32, #tpu.memory_space<hbm>>) target(%dma_start3A_148 : memref<128x64xf32, #tpu.memory_space<vmem>>) offsets(%dma_start3A_151 : memref<128xi32, #tpu.memory_space<vmem>>) semaphore(%dma_start3A_156 : memref<!tpu.dma_semaphore, #tpu.memory_space<semaphore_mem>>)
    %dma_wait3A_157 = arith.constant 2 : i32
    %dma_wait3A_158 = arith.constant 2 : i32
    %dma_wait3A_159 = arith.constant 2 : i32
    %dma_wait3A_160 = arith.constant 0 : i32
    %dma_wait3A_161 = arith.constant 0 : i32
    %dma_wait3A_162 = tpu.memref_slice %arg6[%dma_wait3A_158, %dma_wait3A_160, %dma_wait3A_161] : memref<8x128x64xf32, #tpu.memory_space<vmem>> -> memref<1x128x64xf32, #tpu.memory_space<vmem>>
    %dma_wait3A_163 = tpu.memref_squeeze %dma_wait3A_162 : memref<1x128x64xf32, #tpu.memory_space<vmem>> -> memref<128x64xf32, #tpu.memory_space<vmem>>
    %dma_wait3A_164 = arith.constant 0 : i32
    %dma_wait3A_165 = tpu.memref_slice %arg5[%dma_wait3A_157, %dma_wait3A_164] : memref<200x128xi32, #tpu.memory_space<vmem>> -> memref<1x128xi32, #tpu.memory_space<vmem>>
    %dma_wait3A_166 = tpu.memref_squeeze %dma_wait3A_165 : memref<1x128xi32, #tpu.memory_space<vmem>> -> memref<128xi32, #tpu.memory_space<vmem>>
    %dma_wait3A_167 = arith.constant 0 : i32
    %dma_wait3A_168 = arith.constant 0 : i32
    %dma_wait3A_169 = tpu.memref_slice %arg3[%dma_wait3A_167, %dma_wait3A_168] : memref<1000000x64xf32, #tpu.memory_space<hbm>> -> memref<1000000x64xf32, #tpu.memory_space<hbm>>
    %dma_wait3A_170 = tpu.memref_slice %arg7[%dma_wait3A_159] : memref<8x!tpu.dma_semaphore, #tpu.memory_space<semaphore_mem>> -> memref<1x!tpu.dma_semaphore, #tpu.memory_space<semaphore_mem>>
    %dma_wait3A_171 = tpu.memref_squeeze %dma_wait3A_170 : memref<1x!tpu.dma_semaphore, #tpu.memory_space<semaphore_mem>> -> memref<!tpu.dma_semaphore, #tpu.memory_space<semaphore_mem>>
    tpu.wait_indirect_dma semaphore(%dma_wait3A_171 : memref<!tpu.dma_semaphore, #tpu.memory_space<semaphore_mem>>) src(%dma_wait3A_169 : memref<1000000x64xf32, #tpu.memory_space<hbm>>) dst(%dma_wait3A_163 : memref<128x64xf32, #tpu.memory_space<vmem>>)
    %add3A_172 = arith.constant 256 : i32
    %add3A_173 = arith.addi %mul3A_2, %add3A_172 : i32
    %dma_start3A_174 = arith.constant 2 : i32
    %dma_start3A_175 = arith.constant 2 : i32
    %dma_start3A_176 = arith.constant 0 : i32
    %dma_start3A_177 = arith.constant 0 : i32
    %dma_start3A_178 = tpu.memref_slice %arg6[%dma_start3A_174, %dma_start3A_176, %dma_start3A_177] : memref<8x128x64xf32, #tpu.memory_space<vmem>> -> memref<1x128x64xf32, #tpu.memory_space<vmem>>
    %dma_start3A_179 = tpu.memref_squeeze %dma_start3A_178 : memref<1x128x64xf32, #tpu.memory_space<vmem>> -> memref<128x64xf32, #tpu.memory_space<vmem>>
    %dma_start3A_180 = arith.constant 0 : i32
    %dma_start3A_181 = tpu.memref_slice %arg4[%add3A_173, %dma_start3A_180] : memref<819200x64xf32, #tpu.memory_space<hbm>> -> memref<128x64xf32, #tpu.memory_space<hbm>>
    %dma_start3A_182 = tpu.memref_slice %arg8[%dma_start3A_175] : memref<8x!tpu.dma_semaphore, #tpu.memory_space<semaphore_mem>> -> memref<1x!tpu.dma_semaphore, #tpu.memory_space<semaphore_mem>>
    %dma_start3A_183 = tpu.memref_squeeze %dma_start3A_182 : memref<1x!tpu.dma_semaphore, #tpu.memory_space<semaphore_mem>> -> memref<!tpu.dma_semaphore, #tpu.memory_space<semaphore_mem>>
    %dma_start3A_184 = arith.constant 0 : i32
    %dma_start3A_185 = tpu.memref_slice %arg4[%add3A_173, %dma_start3A_184] : memref<819200x64xf32, #tpu.memory_space<hbm>> -> memref<128x64xf32, #tpu.memory_space<hbm>>
    %dma_start3A_186 = arith.constant 0 : i32
    %dma_start3A_187 = arith.constant 0 : i32
    %dma_start3A_188 = tpu.memref_slice %arg6[%dma_start3A_174, %dma_start3A_186, %dma_start3A_187] : memref<8x128x64xf32, #tpu.memory_space<vmem>> -> memref<1x128x64xf32, #tpu.memory_space<vmem>>
    %dma_start3A_189 = tpu.memref_squeeze %dma_start3A_188 : memref<1x128x64xf32, #tpu.memory_space<vmem>> -> memref<128x64xf32, #tpu.memory_space<vmem>>
    tpu.enqueue_dma source(%dma_start3A_189 : memref<128x64xf32, #tpu.memory_space<vmem>>) target(%dma_start3A_185 : memref<128x64xf32, #tpu.memory_space<hbm>>) target_semaphore(%dma_start3A_183 : memref<!tpu.dma_semaphore, #tpu.memory_space<semaphore_mem>>)
    %dma_start3A_190 = arith.constant 6 : i32
    %dma_start3A_191 = arith.constant 6 : i32
    %dma_start3A_192 = arith.constant 6 : i32
    %dma_start3A_193 = arith.constant 0 : i32
    %dma_start3A_194 = arith.constant 0 : i32
    %dma_start3A_195 = tpu.memref_slice %arg6[%dma_start3A_191, %dma_start3A_193, %dma_start3A_194] : memref<8x128x64xf32, #tpu.memory_space<vmem>> -> memref<1x128x64xf32, #tpu.memory_space<vmem>>
    %dma_start3A_196 = tpu.memref_squeeze %dma_start3A_195 : memref<1x128x64xf32, #tpu.memory_space<vmem>> -> memref<128x64xf32, #tpu.memory_space<vmem>>
    %dma_start3A_197 = arith.constant 0 : i32
    %dma_start3A_198 = tpu.memref_slice %arg5[%dma_start3A_190, %dma_start3A_197] : memref<200x128xi32, #tpu.memory_space<vmem>> -> memref<1x128xi32, #tpu.memory_space<vmem>>
    %dma_start3A_199 = tpu.memref_squeeze %dma_start3A_198 : memref<1x128xi32, #tpu.memory_space<vmem>> -> memref<128xi32, #tpu.memory_space<vmem>>
    %dma_start3A_200 = arith.constant 0 : i32
    %dma_start3A_201 = arith.constant 0 : i32
    %dma_start3A_202 = tpu.memref_slice %arg3[%dma_start3A_200, %dma_start3A_201] : memref<1000000x64xf32, #tpu.memory_space<hbm>> -> memref<1000000x64xf32, #tpu.memory_space<hbm>>
    %dma_start3A_203 = tpu.memref_slice %arg7[%dma_start3A_192] : memref<8x!tpu.dma_semaphore, #tpu.memory_space<semaphore_mem>> -> memref<1x!tpu.dma_semaphore, #tpu.memory_space<semaphore_mem>>
    %dma_start3A_204 = tpu.memref_squeeze %dma_start3A_203 : memref<1x!tpu.dma_semaphore, #tpu.memory_space<semaphore_mem>> -> memref<!tpu.dma_semaphore, #tpu.memory_space<semaphore_mem>>
    tpu.enqueue_indirect_dma source(%dma_start3A_202 : memref<1000000x64xf32, #tpu.memory_space<hbm>>) target(%dma_start3A_196 : memref<128x64xf32, #tpu.memory_space<vmem>>) offsets(%dma_start3A_199 : memref<128xi32, #tpu.memory_space<vmem>>) semaphore(%dma_start3A_204 : memref<!tpu.dma_semaphore, #tpu.memory_space<semaphore_mem>>)
    %dma_wait3A_205 = arith.constant 3 : i32
    %dma_wait3A_206 = arith.constant 3 : i32
    %dma_wait3A_207 = arith.constant 3 : i32
    %dma_wait3A_208 = arith.constant 0 : i32
    %dma_wait3A_209 = arith.constant 0 : i32
    %dma_wait3A_210 = tpu.memref_slice %arg6[%dma_wait3A_206, %dma_wait3A_208, %dma_wait3A_209] : memref<8x128x64xf32, #tpu.memory_space<vmem>> -> memref<1x128x64xf32, #tpu.memory_space<vmem>>
    %dma_wait3A_211 = tpu.memref_squeeze %dma_wait3A_210 : memref<1x128x64xf32, #tpu.memory_space<vmem>> -> memref<128x64xf32, #tpu.memory_space<vmem>>
    %dma_wait3A_212 = arith.constant 0 : i32
    %dma_wait3A_213 = tpu.memref_slice %arg5[%dma_wait3A_205, %dma_wait3A_212] : memref<200x128xi32, #tpu.memory_space<vmem>> -> memref<1x128xi32, #tpu.memory_space<vmem>>
    %dma_wait3A_214 = tpu.memref_squeeze %dma_wait3A_213 : memref<1x128xi32, #tpu.memory_space<vmem>> -> memref<128xi32, #tpu.memory_space<vmem>>
    %dma_wait3A_215 = arith.constant 0 : i32
    %dma_wait3A_216 = arith.constant 0 : i32
    %dma_wait3A_217 = tpu.memref_slice %arg3[%dma_wait3A_215, %dma_wait3A_216] : memref<1000000x64xf32, #tpu.memory_space<hbm>> -> memref<1000000x64xf32, #tpu.memory_space<hbm>>
    %dma_wait3A_218 = tpu.memref_slice %arg7[%dma_wait3A_207] : memref<8x!tpu.dma_semaphore, #tpu.memory_space<semaphore_mem>> -> memref<1x!tpu.dma_semaphore, #tpu.memory_space<semaphore_mem>>
    %dma_wait3A_219 = tpu.memref_squeeze %dma_wait3A_218 : memref<1x!tpu.dma_semaphore, #tpu.memory_space<semaphore_mem>> -> memref<!tpu.dma_semaphore, #tpu.memory_space<semaphore_mem>>
    tpu.wait_indirect_dma semaphore(%dma_wait3A_219 : memref<!tpu.dma_semaphore, #tpu.memory_space<semaphore_mem>>) src(%dma_wait3A_217 : memref<1000000x64xf32, #tpu.memory_space<hbm>>) dst(%dma_wait3A_211 : memref<128x64xf32, #tpu.memory_space<vmem>>)
    %add3A_220 = arith.constant 384 : i32
    %add3A_221 = arith.addi %mul3A_2, %add3A_220 : i32
    %dma_start3A_222 = arith.constant 3 : i32
    %dma_start3A_223 = arith.constant 3 : i32
    %dma_start3A_224 = arith.constant 0 : i32
    %dma_start3A_225 = arith.constant 0 : i32
    %dma_start3A_226 = tpu.memref_slice %arg6[%dma_start3A_222, %dma_start3A_224, %dma_start3A_225] : memref<8x128x64xf32, #tpu.memory_space<vmem>> -> memref<1x128x64xf32, #tpu.memory_space<vmem>>
    %dma_start3A_227 = tpu.memref_squeeze %dma_start3A_226 : memref<1x128x64xf32, #tpu.memory_space<vmem>> -> memref<128x64xf32, #tpu.memory_space<vmem>>
    %dma_start3A_228 = arith.constant 0 : i32
    %dma_start3A_229 = tpu.memref_slice %arg4[%add3A_221, %dma_start3A_228] : memref<819200x64xf32, #tpu.memory_space<hbm>> -> memref<128x64xf32, #tpu.memory_space<hbm>>
    %dma_start3A_230 = tpu.memref_slice %arg8[%dma_start3A_223] : memref<8x!tpu.dma_semaphore, #tpu.memory_space<semaphore_mem>> -> memref<1x!tpu.dma_semaphore, #tpu.memory_space<semaphore_mem>>
    %dma_start3A_231 = tpu.memref_squeeze %dma_start3A_230 : memref<1x!tpu.dma_semaphore, #tpu.memory_space<semaphore_mem>> -> memref<!tpu.dma_semaphore, #tpu.memory_space<semaphore_mem>>
    %dma_start3A_232 = arith.constant 0 : i32
    %dma_start3A_233 = tpu.memref_slice %arg4[%add3A_221, %dma_start3A_232] : memref<819200x64xf32, #tpu.memory_space<hbm>> -> memref<128x64xf32, #tpu.memory_space<hbm>>
    %dma_start3A_234 = arith.constant 0 : i32
    %dma_start3A_235 = arith.constant 0 : i32
    %dma_start3A_236 = tpu.memref_slice %arg6[%dma_start3A_222, %dma_start3A_234, %dma_start3A_235] : memref<8x128x64xf32, #tpu.memory_space<vmem>> -> memref<1x128x64xf32, #tpu.memory_space<vmem>>
    %dma_start3A_237 = tpu.memref_squeeze %dma_start3A_236 : memref<1x128x64xf32, #tpu.memory_space<vmem>> -> memref<128x64xf32, #tpu.memory_space<vmem>>
    tpu.enqueue_dma source(%dma_start3A_237 : memref<128x64xf32, #tpu.memory_space<vmem>>) target(%dma_start3A_233 : memref<128x64xf32, #tpu.memory_space<hbm>>) target_semaphore(%dma_start3A_231 : memref<!tpu.dma_semaphore, #tpu.memory_space<semaphore_mem>>)
    %dma_start3A_238 = arith.constant 7 : i32
    %dma_start3A_239 = arith.constant 7 : i32
    %dma_start3A_240 = arith.constant 7 : i32
    %dma_start3A_241 = arith.constant 0 : i32
    %dma_start3A_242 = arith.constant 0 : i32
    %dma_start3A_243 = tpu.memref_slice %arg6[%dma_start3A_239, %dma_start3A_241, %dma_start3A_242] : memref<8x128x64xf32, #tpu.memory_space<vmem>> -> memref<1x128x64xf32, #tpu.memory_space<vmem>>
    %dma_start3A_244 = tpu.memref_squeeze %dma_start3A_243 : memref<1x128x64xf32, #tpu.memory_space<vmem>> -> memref<128x64xf32, #tpu.memory_space<vmem>>
    %dma_start3A_245 = arith.constant 0 : i32
    %dma_start3A_246 = tpu.memref_slice %arg5[%dma_start3A_238, %dma_start3A_245] : memref<200x128xi32, #tpu.memory_space<vmem>> -> memref<1x128xi32, #tpu.memory_space<vmem>>
    %dma_start3A_247 = tpu.memref_squeeze %dma_start3A_246 : memref<1x128xi32, #tpu.memory_space<vmem>> -> memref<128xi32, #tpu.memory_space<vmem>>
    %dma_start3A_248 = arith.constant 0 : i32
    %dma_start3A_249 = arith.constant 0 : i32
    %dma_start3A_250 = tpu.memref_slice %arg3[%dma_start3A_248, %dma_start3A_249] : memref<1000000x64xf32, #tpu.memory_space<hbm>> -> memref<1000000x64xf32, #tpu.memory_space<hbm>>
    %dma_start3A_251 = tpu.memref_slice %arg7[%dma_start3A_240] : memref<8x!tpu.dma_semaphore, #tpu.memory_space<semaphore_mem>> -> memref<1x!tpu.dma_semaphore, #tpu.memory_space<semaphore_mem>>
    %dma_start3A_252 = tpu.memref_squeeze %dma_start3A_251 : memref<1x!tpu.dma_semaphore, #tpu.memory_space<semaphore_mem>> -> memref<!tpu.dma_semaphore, #tpu.memory_space<semaphore_mem>>
    tpu.enqueue_indirect_dma source(%dma_start3A_250 : memref<1000000x64xf32, #tpu.memory_space<hbm>>) target(%dma_start3A_244 : memref<128x64xf32, #tpu.memory_space<vmem>>) offsets(%dma_start3A_247 : memref<128xi32, #tpu.memory_space<vmem>>) semaphore(%dma_start3A_252 : memref<!tpu.dma_semaphore, #tpu.memory_space<semaphore_mem>>)
    %dma_wait3A_253 = arith.constant 4 : i32
    %dma_wait3A_254 = arith.constant 4 : i32
    %dma_wait3A_255 = arith.constant 4 : i32
    %dma_wait3A_256 = arith.constant 0 : i32
    %dma_wait3A_257 = arith.constant 0 : i32
    %dma_wait3A_258 = tpu.memref_slice %arg6[%dma_wait3A_254, %dma_wait3A_256, %dma_wait3A_257] : memref<8x128x64xf32, #tpu.memory_space<vmem>> -> memref<1x128x64xf32, #tpu.memory_space<vmem>>
    %dma_wait3A_259 = tpu.memref_squeeze %dma_wait3A_258 : memref<1x128x64xf32, #tpu.memory_space<vmem>> -> memref<128x64xf32, #tpu.memory_space<vmem>>
    %dma_wait3A_260 = arith.constant 0 : i32
    %dma_wait3A_261 = tpu.memref_slice %arg5[%dma_wait3A_253, %dma_wait3A_260] : memref<200x128xi32, #tpu.memory_space<vmem>> -> memref<1x128xi32, #tpu.memory_space<vmem>>
    %dma_wait3A_262 = tpu.memref_squeeze %dma_wait3A_261 : memref<1x128xi32, #tpu.memory_space<vmem>> -> memref<128xi32, #tpu.memory_space<vmem>>
    %dma_wait3A_263 = arith.constant 0 : i32
    %dma_wait3A_264 = arith.constant 0 : i32
    %dma_wait3A_265 = tpu.memref_slice %arg3[%dma_wait3A_263, %dma_wait3A_264] : memref<1000000x64xf32, #tpu.memory_space<hbm>> -> memref<1000000x64xf32, #tpu.memory_space<hbm>>
    %dma_wait3A_266 = tpu.memref_slice %arg7[%dma_wait3A_255] : memref<8x!tpu.dma_semaphore, #tpu.memory_space<semaphore_mem>> -> memref<1x!tpu.dma_semaphore, #tpu.memory_space<semaphore_mem>>
    %dma_wait3A_267 = tpu.memref_squeeze %dma_wait3A_266 : memref<1x!tpu.dma_semaphore, #tpu.memory_space<semaphore_mem>> -> memref<!tpu.dma_semaphore, #tpu.memory_space<semaphore_mem>>
    tpu.wait_indirect_dma semaphore(%dma_wait3A_267 : memref<!tpu.dma_semaphore, #tpu.memory_space<semaphore_mem>>) src(%dma_wait3A_265 : memref<1000000x64xf32, #tpu.memory_space<hbm>>) dst(%dma_wait3A_259 : memref<128x64xf32, #tpu.memory_space<vmem>>)
    %add3A_268 = arith.constant 512 : i32
    %add3A_269 = arith.addi %mul3A_2, %add3A_268 : i32
    %dma_start3A_270 = arith.constant 4 : i32
    %dma_start3A_271 = arith.constant 4 : i32
    %dma_start3A_272 = arith.constant 0 : i32
    %dma_start3A_273 = arith.constant 0 : i32
    %dma_start3A_274 = tpu.memref_slice %arg6[%dma_start3A_270, %dma_start3A_272, %dma_start3A_273] : memref<8x128x64xf32, #tpu.memory_space<vmem>> -> memref<1x128x64xf32, #tpu.memory_space<vmem>>
    %dma_start3A_275 = tpu.memref_squeeze %dma_start3A_274 : memref<1x128x64xf32, #tpu.memory_space<vmem>> -> memref<128x64xf32, #tpu.memory_space<vmem>>
    %dma_start3A_276 = arith.constant 0 : i32
    %dma_start3A_277 = tpu.memref_slice %arg4[%add3A_269, %dma_start3A_276] : memref<819200x64xf32, #tpu.memory_space<hbm>> -> memref<128x64xf32, #tpu.memory_space<hbm>>
    %dma_start3A_278 = tpu.memref_slice %arg8[%dma_start3A_271] : memref<8x!tpu.dma_semaphore, #tpu.memory_space<semaphore_mem>> -> memref<1x!tpu.dma_semaphore, #tpu.memory_space<semaphore_mem>>
    %dma_start3A_279 = tpu.memref_squeeze %dma_start3A_278 : memref<1x!tpu.dma_semaphore, #tpu.memory_space<semaphore_mem>> -> memref<!tpu.dma_semaphore, #tpu.memory_space<semaphore_mem>>
    %dma_start3A_280 = arith.constant 0 : i32
    %dma_start3A_281 = tpu.memref_slice %arg4[%add3A_269, %dma_start3A_280] : memref<819200x64xf32, #tpu.memory_space<hbm>> -> memref<128x64xf32, #tpu.memory_space<hbm>>
    %dma_start3A_282 = arith.constant 0 : i32
    %dma_start3A_283 = arith.constant 0 : i32
    %dma_start3A_284 = tpu.memref_slice %arg6[%dma_start3A_270, %dma_start3A_282, %dma_start3A_283] : memref<8x128x64xf32, #tpu.memory_space<vmem>> -> memref<1x128x64xf32, #tpu.memory_space<vmem>>
    %dma_start3A_285 = tpu.memref_squeeze %dma_start3A_284 : memref<1x128x64xf32, #tpu.memory_space<vmem>> -> memref<128x64xf32, #tpu.memory_space<vmem>>
    tpu.enqueue_dma source(%dma_start3A_285 : memref<128x64xf32, #tpu.memory_space<vmem>>) target(%dma_start3A_281 : memref<128x64xf32, #tpu.memory_space<hbm>>) target_semaphore(%dma_start3A_279 : memref<!tpu.dma_semaphore, #tpu.memory_space<semaphore_mem>>)
    %add3A_286 = arith.constant 0 : i32
    %add3A_287 = arith.addi %mul3A_2, %add3A_286 : i32
    %dma_wait3A_288 = arith.constant 0 : i32
    %dma_wait3A_289 = arith.constant 0 : i32
    %dma_wait3A_290 = arith.constant 0 : i32
    %dma_wait3A_291 = arith.constant 0 : i32
    %dma_wait3A_292 = tpu.memref_slice %arg6[%dma_wait3A_288, %dma_wait3A_290, %dma_wait3A_291] : memref<8x128x64xf32, #tpu.memory_space<vmem>> -> memref<1x128x64xf32, #tpu.memory_space<vmem>>
    %dma_wait3A_293 = tpu.memref_squeeze %dma_wait3A_292 : memref<1x128x64xf32, #tpu.memory_space<vmem>> -> memref<128x64xf32, #tpu.memory_space<vmem>>
    %dma_wait3A_294 = arith.constant 0 : i32
    %dma_wait3A_295 = tpu.memref_slice %arg4[%add3A_287, %dma_wait3A_294] : memref<819200x64xf32, #tpu.memory_space<hbm>> -> memref<128x64xf32, #tpu.memory_space<hbm>>
    %dma_wait3A_296 = tpu.memref_slice %arg8[%dma_wait3A_289] : memref<8x!tpu.dma_semaphore, #tpu.memory_space<semaphore_mem>> -> memref<1x!tpu.dma_semaphore, #tpu.memory_space<semaphore_mem>>
    %dma_wait3A_297 = tpu.memref_squeeze %dma_wait3A_296 : memref<1x!tpu.dma_semaphore, #tpu.memory_space<semaphore_mem>> -> memref<!tpu.dma_semaphore, #tpu.memory_space<semaphore_mem>>
    %dma_wait3A_298 = arith.constant 0 : i32
    %dma_wait3A_299 = tpu.memref_slice %arg4[%add3A_287, %dma_wait3A_298] : memref<819200x64xf32, #tpu.memory_space<hbm>> -> memref<128x64xf32, #tpu.memory_space<hbm>>
    %dma_wait3A_300 = arith.constant 0 : i32
    %dma_wait3A_301 = arith.constant 0 : i32
    %dma_wait3A_302 = tpu.memref_slice %arg6[%dma_wait3A_288, %dma_wait3A_300, %dma_wait3A_301] : memref<8x128x64xf32, #tpu.memory_space<vmem>> -> memref<1x128x64xf32, #tpu.memory_space<vmem>>
    %dma_wait3A_303 = tpu.memref_squeeze %dma_wait3A_302 : memref<1x128x64xf32, #tpu.memory_space<vmem>> -> memref<128x64xf32, #tpu.memory_space<vmem>>
    tpu.wait_dma2 semaphore(%dma_wait3A_297 : memref<!tpu.dma_semaphore, #tpu.memory_space<semaphore_mem>>) src(%dma_wait3A_303 : memref<128x64xf32, #tpu.memory_space<vmem>>) dst(%dma_wait3A_299 : memref<128x64xf32, #tpu.memory_space<hbm>>)
    %dma_start3A_304 = arith.constant 8 : i32
    %dma_start3A_305 = arith.constant 0 : i32
    %dma_start3A_306 = arith.constant 0 : i32
    %dma_start3A_307 = arith.constant 0 : i32
    %dma_start3A_308 = arith.constant 0 : i32
    %dma_start3A_309 = tpu.memref_slice %arg6[%dma_start3A_305, %dma_start3A_307, %dma_start3A_308] : memref<8x128x64xf32, #tpu.memory_space<vmem>> -> memref<1x128x64xf32, #tpu.memory_space<vmem>>
    %dma_start3A_310 = tpu.memref_squeeze %dma_start3A_309 : memref<1x128x64xf32, #tpu.memory_space<vmem>> -> memref<128x64xf32, #tpu.memory_space<vmem>>
    %dma_start3A_311 = arith.constant 0 : i32
    %dma_start3A_312 = tpu.memref_slice %arg5[%dma_start3A_304, %dma_start3A_311] : memref<200x128xi32, #tpu.memory_space<vmem>> -> memref<1x128xi32, #tpu.memory_space<vmem>>
    %dma_start3A_313 = tpu.memref_squeeze %dma_start3A_312 : memref<1x128xi32, #tpu.memory_space<vmem>> -> memref<128xi32, #tpu.memory_space<vmem>>
    %dma_start3A_314 = arith.constant 0 : i32
    %dma_start3A_315 = arith.constant 0 : i32
    %dma_start3A_316 = tpu.memref_slice %arg3[%dma_start3A_314, %dma_start3A_315] : memref<1000000x64xf32, #tpu.memory_space<hbm>> -> memref<1000000x64xf32, #tpu.memory_space<hbm>>
    %dma_start3A_317 = tpu.memref_slice %arg7[%dma_start3A_306] : memref<8x!tpu.dma_semaphore, #tpu.memory_space<semaphore_mem>> -> memref<1x!tpu.dma_semaphore, #tpu.memory_space<semaphore_mem>>
    %dma_start3A_318 = tpu.memref_squeeze %dma_start3A_317 : memref<1x!tpu.dma_semaphore, #tpu.memory_space<semaphore_mem>> -> memref<!tpu.dma_semaphore, #tpu.memory_space<semaphore_mem>>
    tpu.enqueue_indirect_dma source(%dma_start3A_316 : memref<1000000x64xf32, #tpu.memory_space<hbm>>) target(%dma_start3A_310 : memref<128x64xf32, #tpu.memory_space<vmem>>) offsets(%dma_start3A_313 : memref<128xi32, #tpu.memory_space<vmem>>) semaphore(%dma_start3A_318 : memref<!tpu.dma_semaphore, #tpu.memory_space<semaphore_mem>>)
    %dma_wait3A_319 = arith.constant 5 : i32
    %dma_wait3A_320 = arith.constant 5 : i32
    %dma_wait3A_321 = arith.constant 5 : i32
    %dma_wait3A_322 = arith.constant 0 : i32
    %dma_wait3A_323 = arith.constant 0 : i32
    %dma_wait3A_324 = tpu.memref_slice %arg6[%dma_wait3A_320, %dma_wait3A_322, %dma_wait3A_323] : memref<8x128x64xf32, #tpu.memory_space<vmem>> -> memref<1x128x64xf32, #tpu.memory_space<vmem>>
    %dma_wait3A_325 = tpu.memref_squeeze %dma_wait3A_324 : memref<1x128x64xf32, #tpu.memory_space<vmem>> -> memref<128x64xf32, #tpu.memory_space<vmem>>
    %dma_wait3A_326 = arith.constant 0 : i32
    %dma_wait3A_327 = tpu.memref_slice %arg5[%dma_wait3A_319, %dma_wait3A_326] : memref<200x128xi32, #tpu.memory_space<vmem>> -> memref<1x128xi32, #tpu.memory_space<vmem>>
    %dma_wait3A_328 = tpu.memref_squeeze %dma_wait3A_327 : memref<1x128xi32, #tpu.memory_space<vmem>> -> memref<128xi32, #tpu.memory_space<vmem>>
    %dma_wait3A_329 = arith.constant 0 : i32
    %dma_wait3A_330 = arith.constant 0 : i32
    %dma_wait3A_331 = tpu.memref_slice %arg3[%dma_wait3A_329, %dma_wait3A_330] : memref<1000000x64xf32, #tpu.memory_space<hbm>> -> memref<1000000x64xf32, #tpu.memory_space<hbm>>
    %dma_wait3A_332 = tpu.memref_slice %arg7[%dma_wait3A_321] : memref<8x!tpu.dma_semaphore, #tpu.memory_space<semaphore_mem>> -> memref<1x!tpu.dma_semaphore, #tpu.memory_space<semaphore_mem>>
    %dma_wait3A_333 = tpu.memref_squeeze %dma_wait3A_332 : memref<1x!tpu.dma_semaphore, #tpu.memory_space<semaphore_mem>> -> memref<!tpu.dma_semaphore, #tpu.memory_space<semaphore_mem>>
    tpu.wait_indirect_dma semaphore(%dma_wait3A_333 : memref<!tpu.dma_semaphore, #tpu.memory_space<semaphore_mem>>) src(%dma_wait3A_331 : memref<1000000x64xf32, #tpu.memory_space<hbm>>) dst(%dma_wait3A_325 : memref<128x64xf32, #tpu.memory_space<vmem>>)
    %add3A_334 = arith.constant 640 : i32
    %add3A_335 = arith.addi %mul3A_2, %add3A_334 : i32
    %dma_start3A_336 = arith.constant 5 : i32
    %dma_start3A_337 = arith.constant 5 : i32
    %dma_start3A_338 = arith.constant 0 : i32
    %dma_start3A_339 = arith.constant 0 : i32
    %dma_start3A_340 = tpu.memref_slice %arg6[%dma_start3A_336, %dma_start3A_338, %dma_start3A_339] : memref<8x128x64xf32, #tpu.memory_space<vmem>> -> memref<1x128x64xf32, #tpu.memory_space<vmem>>
    %dma_start3A_341 = tpu.memref_squeeze %dma_start3A_340 : memref<1x128x64xf32, #tpu.memory_space<vmem>> -> memref<128x64xf32, #tpu.memory_space<vmem>>
    %dma_start3A_342 = arith.constant 0 : i32
    %dma_start3A_343 = tpu.memref_slice %arg4[%add3A_335, %dma_start3A_342] : memref<819200x64xf32, #tpu.memory_space<hbm>> -> memref<128x64xf32, #tpu.memory_space<hbm>>
    %dma_start3A_344 = tpu.memref_slice %arg8[%dma_start3A_337] : memref<8x!tpu.dma_semaphore, #tpu.memory_space<semaphore_mem>> -> memref<1x!tpu.dma_semaphore, #tpu.memory_space<semaphore_mem>>
    %dma_start3A_345 = tpu.memref_squeeze %dma_start3A_344 : memref<1x!tpu.dma_semaphore, #tpu.memory_space<semaphore_mem>> -> memref<!tpu.dma_semaphore, #tpu.memory_space<semaphore_mem>>
    %dma_start3A_346 = arith.constant 0 : i32
    %dma_start3A_347 = tpu.memref_slice %arg4[%add3A_335, %dma_start3A_346] : memref<819200x64xf32, #tpu.memory_space<hbm>> -> memref<128x64xf32, #tpu.memory_space<hbm>>
    %dma_start3A_348 = arith.constant 0 : i32
    %dma_start3A_349 = arith.constant 0 : i32
    %dma_start3A_350 = tpu.memref_slice %arg6[%dma_start3A_336, %dma_start3A_348, %dma_start3A_349] : memref<8x128x64xf32, #tpu.memory_space<vmem>> -> memref<1x128x64xf32, #tpu.memory_space<vmem>>
    %dma_start3A_351 = tpu.memref_squeeze %dma_start3A_350 : memref<1x128x64xf32, #tpu.memory_space<vmem>> -> memref<128x64xf32, #tpu.memory_space<vmem>>
    tpu.enqueue_dma source(%dma_start3A_351 : memref<128x64xf32, #tpu.memory_space<vmem>>) target(%dma_start3A_347 : memref<128x64xf32, #tpu.memory_space<hbm>>) target_semaphore(%dma_start3A_345 : memref<!tpu.dma_semaphore, #tpu.memory_space<semaphore_mem>>)
    %add3A_352 = arith.constant 128 : i32
    %add3A_353 = arith.addi %mul3A_2, %add3A_352 : i32
    %dma_wait3A_354 = arith.constant 1 : i32
    %dma_wait3A_355 = arith.constant 1 : i32
    %dma_wait3A_356 = arith.constant 0 : i32
    %dma_wait3A_357 = arith.constant 0 : i32
    %dma_wait3A_358 = tpu.memref_slice %arg6[%dma_wait3A_354, %dma_wait3A_356, %dma_wait3A_357] : memref<8x128x64xf32, #tpu.memory_space<vmem>> -> memref<1x128x64xf32, #tpu.memory_space<vmem>>
    %dma_wait3A_359 = tpu.memref_squeeze %dma_wait3A_358 : memref<1x128x64xf32, #tpu.memory_space<vmem>> -> memref<128x64xf32, #tpu.memory_space<vmem>>
    %dma_wait3A_360 = arith.constant 0 : i32
    %dma_wait3A_361 = tpu.memref_slice %arg4[%add3A_353, %dma_wait3A_360] : memref<819200x64xf32, #tpu.memory_space<hbm>> -> memref<128x64xf32, #tpu.memory_space<hbm>>
    %dma_wait3A_362 = tpu.memref_slice %arg8[%dma_wait3A_355] : memref<8x!tpu.dma_semaphore, #tpu.memory_space<semaphore_mem>> -> memref<1x!tpu.dma_semaphore, #tpu.memory_space<semaphore_mem>>
    %dma_wait3A_363 = tpu.memref_squeeze %dma_wait3A_362 : memref<1x!tpu.dma_semaphore, #tpu.memory_space<semaphore_mem>> -> memref<!tpu.dma_semaphore, #tpu.memory_space<semaphore_mem>>
    %dma_wait3A_364 = arith.constant 0 : i32
    %dma_wait3A_365 = tpu.memref_slice %arg4[%add3A_353, %dma_wait3A_364] : memref<819200x64xf32, #tpu.memory_space<hbm>> -> memref<128x64xf32, #tpu.memory_space<hbm>>
    %dma_wait3A_366 = arith.constant 0 : i32
    %dma_wait3A_367 = arith.constant 0 : i32
    %dma_wait3A_368 = tpu.memref_slice %arg6[%dma_wait3A_354, %dma_wait3A_366, %dma_wait3A_367] : memref<8x128x64xf32, #tpu.memory_space<vmem>> -> memref<1x128x64xf32, #tpu.memory_space<vmem>>
    %dma_wait3A_369 = tpu.memref_squeeze %dma_wait3A_368 : memref<1x128x64xf32, #tpu.memory_space<vmem>> -> memref<128x64xf32, #tpu.memory_space<vmem>>
    tpu.wait_dma2 semaphore(%dma_wait3A_363 : memref<!tpu.dma_semaphore, #tpu.memory_space<semaphore_mem>>) src(%dma_wait3A_369 : memref<128x64xf32, #tpu.memory_space<vmem>>) dst(%dma_wait3A_365 : memref<128x64xf32, #tpu.memory_space<hbm>>)
    %dma_start3A_370 = arith.constant 9 : i32
    %dma_start3A_371 = arith.constant 1 : i32
    %dma_start3A_372 = arith.constant 1 : i32
    %dma_start3A_373 = arith.constant 0 : i32
    %dma_start3A_374 = arith.constant 0 : i32
    %dma_start3A_375 = tpu.memref_slice %arg6[%dma_start3A_371, %dma_start3A_373, %dma_start3A_374] : memref<8x128x64xf32, #tpu.memory_space<vmem>> -> memref<1x128x64xf32, #tpu.memory_space<vmem>>
    %dma_start3A_376 = tpu.memref_squeeze %dma_start3A_375 : memref<1x128x64xf32, #tpu.memory_space<vmem>> -> memref<128x64xf32, #tpu.memory_space<vmem>>
    %dma_start3A_377 = arith.constant 0 : i32
    %dma_start3A_378 = tpu.memref_slice %arg5[%dma_start3A_370, %dma_start3A_377] : memref<200x128xi32, #tpu.memory_space<vmem>> -> memref<1x128xi32, #tpu.memory_space<vmem>>
    %dma_start3A_379 = tpu.memref_squeeze %dma_start3A_378 : memref<1x128xi32, #tpu.memory_space<vmem>> -> memref<128xi32, #tpu.memory_space<vmem>>
    %dma_start3A_380 = arith.constant 0 : i32
    %dma_start3A_381 = arith.constant 0 : i32
    %dma_start3A_382 = tpu.memref_slice %arg3[%dma_start3A_380, %dma_start3A_381] : memref<1000000x64xf32, #tpu.memory_space<hbm>> -> memref<1000000x64xf32, #tpu.memory_space<hbm>>
    %dma_start3A_383 = tpu.memref_slice %arg7[%dma_start3A_372] : memref<8x!tpu.dma_semaphore, #tpu.memory_space<semaphore_mem>> -> memref<1x!tpu.dma_semaphore, #tpu.memory_space<semaphore_mem>>
    %dma_start3A_384 = tpu.memref_squeeze %dma_start3A_383 : memref<1x!tpu.dma_semaphore, #tpu.memory_space<semaphore_mem>> -> memref<!tpu.dma_semaphore, #tpu.memory_space<semaphore_mem>>
    tpu.enqueue_indirect_dma source(%dma_start3A_382 : memref<1000000x64xf32, #tpu.memory_space<hbm>>) target(%dma_start3A_376 : memref<128x64xf32, #tpu.memory_space<vmem>>) offsets(%dma_start3A_379 : memref<128xi32, #tpu.memory_space<vmem>>) semaphore(%dma_start3A_384 : memref<!tpu.dma_semaphore, #tpu.memory_space<semaphore_mem>>)
    %dma_wait3A_385 = arith.constant 6 : i32
    %dma_wait3A_386 = arith.constant 6 : i32
    %dma_wait3A_387 = arith.constant 6 : i32
    %dma_wait3A_388 = arith.constant 0 : i32
    %dma_wait3A_389 = arith.constant 0 : i32
    %dma_wait3A_390 = tpu.memref_slice %arg6[%dma_wait3A_386, %dma_wait3A_388, %dma_wait3A_389] : memref<8x128x64xf32, #tpu.memory_space<vmem>> -> memref<1x128x64xf32, #tpu.memory_space<vmem>>
    %dma_wait3A_391 = tpu.memref_squeeze %dma_wait3A_390 : memref<1x128x64xf32, #tpu.memory_space<vmem>> -> memref<128x64xf32, #tpu.memory_space<vmem>>
    %dma_wait3A_392 = arith.constant 0 : i32
    %dma_wait3A_393 = tpu.memref_slice %arg5[%dma_wait3A_385, %dma_wait3A_392] : memref<200x128xi32, #tpu.memory_space<vmem>> -> memref<1x128xi32, #tpu.memory_space<vmem>>
    %dma_wait3A_394 = tpu.memref_squeeze %dma_wait3A_393 : memref<1x128xi32, #tpu.memory_space<vmem>> -> memref<128xi32, #tpu.memory_space<vmem>>
    %dma_wait3A_395 = arith.constant 0 : i32
    %dma_wait3A_396 = arith.constant 0 : i32
    %dma_wait3A_397 = tpu.memref_slice %arg3[%dma_wait3A_395, %dma_wait3A_396] : memref<1000000x64xf32, #tpu.memory_space<hbm>> -> memref<1000000x64xf32, #tpu.memory_space<hbm>>
    %dma_wait3A_398 = tpu.memref_slice %arg7[%dma_wait3A_387] : memref<8x!tpu.dma_semaphore, #tpu.memory_space<semaphore_mem>> -> memref<1x!tpu.dma_semaphore, #tpu.memory_space<semaphore_mem>>
    %dma_wait3A_399 = tpu.memref_squeeze %dma_wait3A_398 : memref<1x!tpu.dma_semaphore, #tpu.memory_space<semaphore_mem>> -> memref<!tpu.dma_semaphore, #tpu.memory_space<semaphore_mem>>
    tpu.wait_indirect_dma semaphore(%dma_wait3A_399 : memref<!tpu.dma_semaphore, #tpu.memory_space<semaphore_mem>>) src(%dma_wait3A_397 : memref<1000000x64xf32, #tpu.memory_space<hbm>>) dst(%dma_wait3A_391 : memref<128x64xf32, #tpu.memory_space<vmem>>)
    %add3A_400 = arith.constant 768 : i32
    %add3A_401 = arith.addi %mul3A_2, %add3A_400 : i32
    %dma_start3A_402 = arith.constant 6 : i32
    %dma_start3A_403 = arith.constant 6 : i32
    %dma_start3A_404 = arith.constant 0 : i32
    %dma_start3A_405 = arith.constant 0 : i32
    %dma_start3A_406 = tpu.memref_slice %arg6[%dma_start3A_402, %dma_start3A_404, %dma_start3A_405] : memref<8x128x64xf32, #tpu.memory_space<vmem>> -> memref<1x128x64xf32, #tpu.memory_space<vmem>>
    %dma_start3A_407 = tpu.memref_squeeze %dma_start3A_406 : memref<1x128x64xf32, #tpu.memory_space<vmem>> -> memref<128x64xf32, #tpu.memory_space<vmem>>
    %dma_start3A_408 = arith.constant 0 : i32
    %dma_start3A_409 = tpu.memref_slice %arg4[%add3A_401, %dma_start3A_408] : memref<819200x64xf32, #tpu.memory_space<hbm>> -> memref<128x64xf32, #tpu.memory_space<hbm>>
    %dma_start3A_410 = tpu.memref_slice %arg8[%dma_start3A_403] : memref<8x!tpu.dma_semaphore, #tpu.memory_space<semaphore_mem>> -> memref<1x!tpu.dma_semaphore, #tpu.memory_space<semaphore_mem>>
    %dma_start3A_411 = tpu.memref_squeeze %dma_start3A_410 : memref<1x!tpu.dma_semaphore, #tpu.memory_space<semaphore_mem>> -> memref<!tpu.dma_semaphore, #tpu.memory_space<semaphore_mem>>
    %dma_start3A_412 = arith.constant 0 : i32
    %dma_start3A_413 = tpu.memref_slice %arg4[%add3A_401, %dma_start3A_412] : memref<819200x64xf32, #tpu.memory_space<hbm>> -> memref<128x64xf32, #tpu.memory_space<hbm>>
    %dma_start3A_414 = arith.constant 0 : i32
    %dma_start3A_415 = arith.constant 0 : i32
    %dma_start3A_416 = tpu.memref_slice %arg6[%dma_start3A_402, %dma_start3A_414, %dma_start3A_415] : memref<8x128x64xf32, #tpu.memory_space<vmem>> -> memref<1x128x64xf32, #tpu.memory_space<vmem>>
    %dma_start3A_417 = tpu.memref_squeeze %dma_start3A_416 : memref<1x128x64xf32, #tpu.memory_space<vmem>> -> memref<128x64xf32, #tpu.memory_space<vmem>>
    tpu.enqueue_dma source(%dma_start3A_417 : memref<128x64xf32, #tpu.memory_space<vmem>>) target(%dma_start3A_413 : memref<128x64xf32, #tpu.memory_space<hbm>>) target_semaphore(%dma_start3A_411 : memref<!tpu.dma_semaphore, #tpu.memory_space<semaphore_mem>>)
    %add3A_418 = arith.constant 256 : i32
    %add3A_419 = arith.addi %mul3A_2, %add3A_418 : i32
    %dma_wait3A_420 = arith.constant 2 : i32
    %dma_wait3A_421 = arith.constant 2 : i32
    %dma_wait3A_422 = arith.constant 0 : i32
    %dma_wait3A_423 = arith.constant 0 : i32
    %dma_wait3A_424 = tpu.memref_slice %arg6[%dma_wait3A_420, %dma_wait3A_422, %dma_wait3A_423] : memref<8x128x64xf32, #tpu.memory_space<vmem>> -> memref<1x128x64xf32, #tpu.memory_space<vmem>>
    %dma_wait3A_425 = tpu.memref_squeeze %dma_wait3A_424 : memref<1x128x64xf32, #tpu.memory_space<vmem>> -> memref<128x64xf32, #tpu.memory_space<vmem>>
    %dma_wait3A_426 = arith.constant 0 : i32
    %dma_wait3A_427 = tpu.memref_slice %arg4[%add3A_419, %dma_wait3A_426] : memref<819200x64xf32, #tpu.memory_space<hbm>> -> memref<128x64xf32, #tpu.memory_space<hbm>>
    %dma_wait3A_428 = tpu.memref_slice %arg8[%dma_wait3A_421] : memref<8x!tpu.dma_semaphore, #tpu.memory_space<semaphore_mem>> -> memref<1x!tpu.dma_semaphore, #tpu.memory_space<semaphore_mem>>
    %dma_wait3A_429 = tpu.memref_squeeze %dma_wait3A_428 : memref<1x!tpu.dma_semaphore, #tpu.memory_space<semaphore_mem>> -> memref<!tpu.dma_semaphore, #tpu.memory_space<semaphore_mem>>
    %dma_wait3A_430 = arith.constant 0 : i32
    %dma_wait3A_431 = tpu.memref_slice %arg4[%add3A_419, %dma_wait3A_430] : memref<819200x64xf32, #tpu.memory_space<hbm>> -> memref<128x64xf32, #tpu.memory_space<hbm>>
    %dma_wait3A_432 = arith.constant 0 : i32
    %dma_wait3A_433 = arith.constant 0 : i32
    %dma_wait3A_434 = tpu.memref_slice %arg6[%dma_wait3A_420, %dma_wait3A_432, %dma_wait3A_433] : memref<8x128x64xf32, #tpu.memory_space<vmem>> -> memref<1x128x64xf32, #tpu.memory_space<vmem>>
    %dma_wait3A_435 = tpu.memref_squeeze %dma_wait3A_434 : memref<1x128x64xf32, #tpu.memory_space<vmem>> -> memref<128x64xf32, #tpu.memory_space<vmem>>
    tpu.wait_dma2 semaphore(%dma_wait3A_429 : memref<!tpu.dma_semaphore, #tpu.memory_space<semaphore_mem>>) src(%dma_wait3A_435 : memref<128x64xf32, #tpu.memory_space<vmem>>) dst(%dma_wait3A_431 : memref<128x64xf32, #tpu.memory_space<hbm>>)
    %dma_start3A_436 = arith.constant 10 : i32
    %dma_start3A_437 = arith.constant 2 : i32
    %dma_start3A_438 = arith.constant 2 : i32
    %dma_start3A_439 = arith.constant 0 : i32
    %dma_start3A_440 = arith.constant 0 : i32
    %dma_start3A_441 = tpu.memref_slice %arg6[%dma_start3A_437, %dma_start3A_439, %dma_start3A_440] : memref<8x128x64xf32, #tpu.memory_space<vmem>> -> memref<1x128x64xf32, #tpu.memory_space<vmem>>
    %dma_start3A_442 = tpu.memref_squeeze %dma_start3A_441 : memref<1x128x64xf32, #tpu.memory_space<vmem>> -> memref<128x64xf32, #tpu.memory_space<vmem>>
    %dma_start3A_443 = arith.constant 0 : i32
    %dma_start3A_444 = tpu.memref_slice %arg5[%dma_start3A_436, %dma_start3A_443] : memref<200x128xi32, #tpu.memory_space<vmem>> -> memref<1x128xi32, #tpu.memory_space<vmem>>
    %dma_start3A_445 = tpu.memref_squeeze %dma_start3A_444 : memref<1x128xi32, #tpu.memory_space<vmem>> -> memref<128xi32, #tpu.memory_space<vmem>>
    %dma_start3A_446 = arith.constant 0 : i32
    %dma_start3A_447 = arith.constant 0 : i32
    %dma_start3A_448 = tpu.memref_slice %arg3[%dma_start3A_446, %dma_start3A_447] : memref<1000000x64xf32, #tpu.memory_space<hbm>> -> memref<1000000x64xf32, #tpu.memory_space<hbm>>
    %dma_start3A_449 = tpu.memref_slice %arg7[%dma_start3A_438] : memref<8x!tpu.dma_semaphore, #tpu.memory_space<semaphore_mem>> -> memref<1x!tpu.dma_semaphore, #tpu.memory_space<semaphore_mem>>
    %dma_start3A_450 = tpu.memref_squeeze %dma_start3A_449 : memref<1x!tpu.dma_semaphore, #tpu.memory_space<semaphore_mem>> -> memref<!tpu.dma_semaphore, #tpu.memory_space<semaphore_mem>>
    tpu.enqueue_indirect_dma source(%dma_start3A_448 : memref<1000000x64xf32, #tpu.memory_space<hbm>>) target(%dma_start3A_442 : memref<128x64xf32, #tpu.memory_space<vmem>>) offsets(%dma_start3A_445 : memref<128xi32, #tpu.memory_space<vmem>>) semaphore(%dma_start3A_450 : memref<!tpu.dma_semaphore, #tpu.memory_space<semaphore_mem>>)
    %dma_wait3A_451 = arith.constant 7 : i32
    %dma_wait3A_452 = arith.constant 7 : i32
    %dma_wait3A_453 = arith.constant 7 : i32
    %dma_wait3A_454 = arith.constant 0 : i32
    %dma_wait3A_455 = arith.constant 0 : i32
    %dma_wait3A_456 = tpu.memref_slice %arg6[%dma_wait3A_452, %dma_wait3A_454, %dma_wait3A_455] : memref<8x128x64xf32, #tpu.memory_space<vmem>> -> memref<1x128x64xf32, #tpu.memory_space<vmem>>
    %dma_wait3A_457 = tpu.memref_squeeze %dma_wait3A_456 : memref<1x128x64xf32, #tpu.memory_space<vmem>> -> memref<128x64xf32, #tpu.memory_space<vmem>>
    %dma_wait3A_458 = arith.constant 0 : i32
    %dma_wait3A_459 = tpu.memref_slice %arg5[%dma_wait3A_451, %dma_wait3A_458] : memref<200x128xi32, #tpu.memory_space<vmem>> -> memref<1x128xi32, #tpu.memory_space<vmem>>
    %dma_wait3A_460 = tpu.memref_squeeze %dma_wait3A_459 : memref<1x128xi32, #tpu.memory_space<vmem>> -> memref<128xi32, #tpu.memory_space<vmem>>
    %dma_wait3A_461 = arith.constant 0 : i32
    %dma_wait3A_462 = arith.constant 0 : i32
    %dma_wait3A_463 = tpu.memref_slice %arg3[%dma_wait3A_461, %dma_wait3A_462] : memref<1000000x64xf32, #tpu.memory_space<hbm>> -> memref<1000000x64xf32, #tpu.memory_space<hbm>>
    %dma_wait3A_464 = tpu.memref_slice %arg7[%dma_wait3A_453] : memref<8x!tpu.dma_semaphore, #tpu.memory_space<semaphore_mem>> -> memref<1x!tpu.dma_semaphore, #tpu.memory_space<semaphore_mem>>
    %dma_wait3A_465 = tpu.memref_squeeze %dma_wait3A_464 : memref<1x!tpu.dma_semaphore, #tpu.memory_space<semaphore_mem>> -> memref<!tpu.dma_semaphore, #tpu.memory_space<semaphore_mem>>
    tpu.wait_indirect_dma semaphore(%dma_wait3A_465 : memref<!tpu.dma_semaphore, #tpu.memory_space<semaphore_mem>>) src(%dma_wait3A_463 : memref<1000000x64xf32, #tpu.memory_space<hbm>>) dst(%dma_wait3A_457 : memref<128x64xf32, #tpu.memory_space<vmem>>)
    %add3A_466 = arith.constant 896 : i32
    %add3A_467 = arith.addi %mul3A_2, %add3A_466 : i32
    %dma_start3A_468 = arith.constant 7 : i32
    %dma_start3A_469 = arith.constant 7 : i32
    %dma_start3A_470 = arith.constant 0 : i32
    %dma_start3A_471 = arith.constant 0 : i32
    %dma_start3A_472 = tpu.memref_slice %arg6[%dma_start3A_468, %dma_start3A_470, %dma_start3A_471] : memref<8x128x64xf32, #tpu.memory_space<vmem>> -> memref<1x128x64xf32, #tpu.memory_space<vmem>>
    %dma_start3A_473 = tpu.memref_squeeze %dma_start3A_472 : memref<1x128x64xf32, #tpu.memory_space<vmem>> -> memref<128x64xf32, #tpu.memory_space<vmem>>
    %dma_start3A_474 = arith.constant 0 : i32
    %dma_start3A_475 = tpu.memref_slice %arg4[%add3A_467, %dma_start3A_474] : memref<819200x64xf32, #tpu.memory_space<hbm>> -> memref<128x64xf32, #tpu.memory_space<hbm>>
    %dma_start3A_476 = tpu.memref_slice %arg8[%dma_start3A_469] : memref<8x!tpu.dma_semaphore, #tpu.memory_space<semaphore_mem>> -> memref<1x!tpu.dma_semaphore, #tpu.memory_space<semaphore_mem>>
    %dma_start3A_477 = tpu.memref_squeeze %dma_start3A_476 : memref<1x!tpu.dma_semaphore, #tpu.memory_space<semaphore_mem>> -> memref<!tpu.dma_semaphore, #tpu.memory_space<semaphore_mem>>
    %dma_start3A_478 = arith.constant 0 : i32
    %dma_start3A_479 = tpu.memref_slice %arg4[%add3A_467, %dma_start3A_478] : memref<819200x64xf32, #tpu.memory_space<hbm>> -> memref<128x64xf32, #tpu.memory_space<hbm>>
    %dma_start3A_480 = arith.constant 0 : i32
    %dma_start3A_481 = arith.constant 0 : i32
    %dma_start3A_482 = tpu.memref_slice %arg6[%dma_start3A_468, %dma_start3A_480, %dma_start3A_481] : memref<8x128x64xf32, #tpu.memory_space<vmem>> -> memref<1x128x64xf32, #tpu.memory_space<vmem>>
    %dma_start3A_483 = tpu.memref_squeeze %dma_start3A_482 : memref<1x128x64xf32, #tpu.memory_space<vmem>> -> memref<128x64xf32, #tpu.memory_space<vmem>>
    tpu.enqueue_dma source(%dma_start3A_483 : memref<128x64xf32, #tpu.memory_space<vmem>>) target(%dma_start3A_479 : memref<128x64xf32, #tpu.memory_space<hbm>>) target_semaphore(%dma_start3A_477 : memref<!tpu.dma_semaphore, #tpu.memory_space<semaphore_mem>>)
    %add3A_484 = arith.constant 384 : i32
    %add3A_485 = arith.addi %mul3A_2, %add3A_484 : i32
    %dma_wait3A_486 = arith.constant 3 : i32
    %dma_wait3A_487 = arith.constant 3 : i32
    %dma_wait3A_488 = arith.constant 0 : i32
    %dma_wait3A_489 = arith.constant 0 : i32
    %dma_wait3A_490 = tpu.memref_slice %arg6[%dma_wait3A_486, %dma_wait3A_488, %dma_wait3A_489] : memref<8x128x64xf32, #tpu.memory_space<vmem>> -> memref<1x128x64xf32, #tpu.memory_space<vmem>>
    %dma_wait3A_491 = tpu.memref_squeeze %dma_wait3A_490 : memref<1x128x64xf32, #tpu.memory_space<vmem>> -> memref<128x64xf32, #tpu.memory_space<vmem>>
    %dma_wait3A_492 = arith.constant 0 : i32
    %dma_wait3A_493 = tpu.memref_slice %arg4[%add3A_485, %dma_wait3A_492] : memref<819200x64xf32, #tpu.memory_space<hbm>> -> memref<128x64xf32, #tpu.memory_space<hbm>>
    %dma_wait3A_494 = tpu.memref_slice %arg8[%dma_wait3A_487] : memref<8x!tpu.dma_semaphore, #tpu.memory_space<semaphore_mem>> -> memref<1x!tpu.dma_semaphore, #tpu.memory_space<semaphore_mem>>
    %dma_wait3A_495 = tpu.memref_squeeze %dma_wait3A_494 : memref<1x!tpu.dma_semaphore, #tpu.memory_space<semaphore_mem>> -> memref<!tpu.dma_semaphore, #tpu.memory_space<semaphore_mem>>
    %dma_wait3A_496 = arith.constant 0 : i32
    %dma_wait3A_497 = tpu.memref_slice %arg4[%add3A_485, %dma_wait3A_496] : memref<819200x64xf32, #tpu.memory_space<hbm>> -> memref<128x64xf32, #tpu.memory_space<hbm>>
    %dma_wait3A_498 = arith.constant 0 : i32
    %dma_wait3A_499 = arith.constant 0 : i32
    %dma_wait3A_500 = tpu.memref_slice %arg6[%dma_wait3A_486, %dma_wait3A_498, %dma_wait3A_499] : memref<8x128x64xf32, #tpu.memory_space<vmem>> -> memref<1x128x64xf32, #tpu.memory_space<vmem>>
    %dma_wait3A_501 = tpu.memref_squeeze %dma_wait3A_500 : memref<1x128x64xf32, #tpu.memory_space<vmem>> -> memref<128x64xf32, #tpu.memory_space<vmem>>
    tpu.wait_dma2 semaphore(%dma_wait3A_495 : memref<!tpu.dma_semaphore, #tpu.memory_space<semaphore_mem>>) src(%dma_wait3A_501 : memref<128x64xf32, #tpu.memory_space<vmem>>) dst(%dma_wait3A_497 : memref<128x64xf32, #tpu.memory_space<hbm>>)
    %dma_start3A_502 = arith.constant 11 : i32
    %dma_start3A_503 = arith.constant 3 : i32
    %dma_start3A_504 = arith.constant 3 : i32
    %dma_start3A_505 = arith.constant 0 : i32
    %dma_start3A_506 = arith.constant 0 : i32
    %dma_start3A_507 = tpu.memref_slice %arg6[%dma_start3A_503, %dma_start3A_505, %dma_start3A_506] : memref<8x128x64xf32, #tpu.memory_space<vmem>> -> memref<1x128x64xf32, #tpu.memory_space<vmem>>
    %dma_start3A_508 = tpu.memref_squeeze %dma_start3A_507 : memref<1x128x64xf32, #tpu.memory_space<vmem>> -> memref<128x64xf32, #tpu.memory_space<vmem>>
    %dma_start3A_509 = arith.constant 0 : i32
    %dma_start3A_510 = tpu.memref_slice %arg5[%dma_start3A_502, %dma_start3A_509] : memref<200x128xi32, #tpu.memory_space<vmem>> -> memref<1x128xi32, #tpu.memory_space<vmem>>
    %dma_start3A_511 = tpu.memref_squeeze %dma_start3A_510 : memref<1x128xi32, #tpu.memory_space<vmem>> -> memref<128xi32, #tpu.memory_space<vmem>>
    %dma_start3A_512 = arith.constant 0 : i32
    %dma_start3A_513 = arith.constant 0 : i32
    %dma_start3A_514 = tpu.memref_slice %arg3[%dma_start3A_512, %dma_start3A_513] : memref<1000000x64xf32, #tpu.memory_space<hbm>> -> memref<1000000x64xf32, #tpu.memory_space<hbm>>
    %dma_start3A_515 = tpu.memref_slice %arg7[%dma_start3A_504] : memref<8x!tpu.dma_semaphore, #tpu.memory_space<semaphore_mem>> -> memref<1x!tpu.dma_semaphore, #tpu.memory_space<semaphore_mem>>
    %dma_start3A_516 = tpu.memref_squeeze %dma_start3A_515 : memref<1x!tpu.dma_semaphore, #tpu.memory_space<semaphore_mem>> -> memref<!tpu.dma_semaphore, #tpu.memory_space<semaphore_mem>>
    tpu.enqueue_indirect_dma source(%dma_start3A_514 : memref<1000000x64xf32, #tpu.memory_space<hbm>>) target(%dma_start3A_508 : memref<128x64xf32, #tpu.memory_space<vmem>>) offsets(%dma_start3A_511 : memref<128xi32, #tpu.memory_space<vmem>>) semaphore(%dma_start3A_516 : memref<!tpu.dma_semaphore, #tpu.memory_space<semaphore_mem>>)
    %scan3A = arith.constant 0 : i32
    %scan3A_517 = arith.constant 1 : i32
    %scan3A_518 = arith.constant 23 : i32
    %scan3A_519 = arith.addi %scan3A_517, %scan3A_518 : i32
    %scan3A_520 = arith.constant 1 : i32
    scf.for %scan3A_1062 = %scan3A_517 to %scan3A_519 step %scan3A_520  : i32 {
      %mul3A_1063 = arith.constant 8 : i32
      %mul3A_1064 = arith.muli %scan3A_1062, %mul3A_1063 : i32
      %add3A_1065 = arith.constant 0 : i32
      %add3A_1066 = arith.addi %mul3A_1064, %add3A_1065 : i32
      %dma_wait3A_1067 = arith.constant 0 : i32
      %dma_wait3A_1068 = arith.constant 0 : i32
      %dma_wait3A_1069 = arith.constant 0 : i32
      %dma_wait3A_1070 = arith.constant 0 : i32
      %dma_wait3A_1071 = tpu.memref_slice %arg6[%dma_wait3A_1067, %dma_wait3A_1069, %dma_wait3A_1070] : memref<8x128x64xf32, #tpu.memory_space<vmem>> -> memref<1x128x64xf32, #tpu.memory_space<vmem>>
      %dma_wait3A_1072 = tpu.memref_squeeze %dma_wait3A_1071 : memref<1x128x64xf32, #tpu.memory_space<vmem>> -> memref<128x64xf32, #tpu.memory_space<vmem>>
      %dma_wait3A_1073 = arith.constant 0 : i32
      %dma_wait3A_1074 = tpu.memref_slice %arg5[%add3A_1066, %dma_wait3A_1073] : memref<200x128xi32, #tpu.memory_space<vmem>> -> memref<1x128xi32, #tpu.memory_space<vmem>>
      %dma_wait3A_1075 = tpu.memref_squeeze %dma_wait3A_1074 : memref<1x128xi32, #tpu.memory_space<vmem>> -> memref<128xi32, #tpu.memory_space<vmem>>
      %dma_wait3A_1076 = arith.constant 0 : i32
      %dma_wait3A_1077 = arith.constant 0 : i32
      %dma_wait3A_1078 = tpu.memref_slice %arg3[%dma_wait3A_1076, %dma_wait3A_1077] : memref<1000000x64xf32, #tpu.memory_space<hbm>> -> memref<1000000x64xf32, #tpu.memory_space<hbm>>
      %dma_wait3A_1079 = tpu.memref_slice %arg7[%dma_wait3A_1068] : memref<8x!tpu.dma_semaphore, #tpu.memory_space<semaphore_mem>> -> memref<1x!tpu.dma_semaphore, #tpu.memory_space<semaphore_mem>>
      %dma_wait3A_1080 = tpu.memref_squeeze %dma_wait3A_1079 : memref<1x!tpu.dma_semaphore, #tpu.memory_space<semaphore_mem>> -> memref<!tpu.dma_semaphore, #tpu.memory_space<semaphore_mem>>
      tpu.wait_indirect_dma semaphore(%dma_wait3A_1080 : memref<!tpu.dma_semaphore, #tpu.memory_space<semaphore_mem>>) src(%dma_wait3A_1078 : memref<1000000x64xf32, #tpu.memory_space<hbm>>) dst(%dma_wait3A_1072 : memref<128x64xf32, #tpu.memory_space<vmem>>)
      %mul3A_1081 = arith.constant 128 : i32
      %mul3A_1082 = arith.muli %add3A_1066, %mul3A_1081 : i32
      %add3A_1083 = arith.addi %mul3A_2, %mul3A_1082 : i32
      %dma_start3A_1084 = arith.constant 0 : i32
      %dma_start3A_1085 = arith.constant 0 : i32
      %dma_start3A_1086 = arith.constant 0 : i32
      %dma_start3A_1087 = arith.constant 0 : i32
      %dma_start3A_1088 = tpu.memref_slice %arg6[%dma_start3A_1084, %dma_start3A_1086, %dma_start3A_1087] : memref<8x128x64xf32, #tpu.memory_space<vmem>> -> memref<1x128x64xf32, #tpu.memory_space<vmem>>
      %dma_start3A_1089 = tpu.memref_squeeze %dma_start3A_1088 : memref<1x128x64xf32, #tpu.memory_space<vmem>> -> memref<128x64xf32, #tpu.memory_space<vmem>>
      %dma_start3A_1090 = arith.constant 0 : i32
      %dma_start3A_1091 = tpu.memref_slice %arg4[%add3A_1083, %dma_start3A_1090] : memref<819200x64xf32, #tpu.memory_space<hbm>> -> memref<128x64xf32, #tpu.memory_space<hbm>>
      %dma_start3A_1092 = tpu.memref_slice %arg8[%dma_start3A_1085] : memref<8x!tpu.dma_semaphore, #tpu.memory_space<semaphore_mem>> -> memref<1x!tpu.dma_semaphore, #tpu.memory_space<semaphore_mem>>
      %dma_start3A_1093 = tpu.memref_squeeze %dma_start3A_1092 : memref<1x!tpu.dma_semaphore, #tpu.memory_space<semaphore_mem>> -> memref<!tpu.dma_semaphore, #tpu.memory_space<semaphore_mem>>
      %dma_start3A_1094 = arith.constant 0 : i32
      %dma_start3A_1095 = tpu.memref_slice %arg4[%add3A_1083, %dma_start3A_1094] : memref<819200x64xf32, #tpu.memory_space<hbm>> -> memref<128x64xf32, #tpu.memory_space<hbm>>
      %dma_start3A_1096 = arith.constant 0 : i32
      %dma_start3A_1097 = arith.constant 0 : i32
      %dma_start3A_1098 = tpu.memref_slice %arg6[%dma_start3A_1084, %dma_start3A_1096, %dma_start3A_1097] : memref<8x128x64xf32, #tpu.memory_space<vmem>> -> memref<1x128x64xf32, #tpu.memory_space<vmem>>
      %dma_start3A_1099 = tpu.memref_squeeze %dma_start3A_1098 : memref<1x128x64xf32, #tpu.memory_space<vmem>> -> memref<128x64xf32, #tpu.memory_space<vmem>>
      tpu.enqueue_dma source(%dma_start3A_1099 : memref<128x64xf32, #tpu.memory_space<vmem>>) target(%dma_start3A_1095 : memref<128x64xf32, #tpu.memory_space<hbm>>) target_semaphore(%dma_start3A_1093 : memref<!tpu.dma_semaphore, #tpu.memory_space<semaphore_mem>>)
      %sub3A = arith.constant 4 : i32
      %sub3A_1100 = arith.subi %add3A_1066, %sub3A : i32
      %mul3A_1101 = arith.constant 128 : i32
      %mul3A_1102 = arith.muli %sub3A_1100, %mul3A_1101 : i32
      %add3A_1103 = arith.addi %mul3A_2, %mul3A_1102 : i32
      %dma_wait3A_1104 = arith.constant 4 : i32
      %dma_wait3A_1105 = arith.constant 4 : i32
      %dma_wait3A_1106 = arith.constant 0 : i32
      %dma_wait3A_1107 = arith.constant 0 : i32
      %dma_wait3A_1108 = tpu.memref_slice %arg6[%dma_wait3A_1104, %dma_wait3A_1106, %dma_wait3A_1107] : memref<8x128x64xf32, #tpu.memory_space<vmem>> -> memref<1x128x64xf32, #tpu.memory_space<vmem>>
      %dma_wait3A_1109 = tpu.memref_squeeze %dma_wait3A_1108 : memref<1x128x64xf32, #tpu.memory_space<vmem>> -> memref<128x64xf32, #tpu.memory_space<vmem>>
      %dma_wait3A_1110 = arith.constant 0 : i32
      %dma_wait3A_1111 = tpu.memref_slice %arg4[%add3A_1103, %dma_wait3A_1110] : memref<819200x64xf32, #tpu.memory_space<hbm>> -> memref<128x64xf32, #tpu.memory_space<hbm>>
      %dma_wait3A_1112 = tpu.memref_slice %arg8[%dma_wait3A_1105] : memref<8x!tpu.dma_semaphore, #tpu.memory_space<semaphore_mem>> -> memref<1x!tpu.dma_semaphore, #tpu.memory_space<semaphore_mem>>
      %dma_wait3A_1113 = tpu.memref_squeeze %dma_wait3A_1112 : memref<1x!tpu.dma_semaphore, #tpu.memory_space<semaphore_mem>> -> memref<!tpu.dma_semaphore, #tpu.memory_space<semaphore_mem>>
      %dma_wait3A_1114 = arith.constant 0 : i32
      %dma_wait3A_1115 = tpu.memref_slice %arg4[%add3A_1103, %dma_wait3A_1114] : memref<819200x64xf32, #tpu.memory_space<hbm>> -> memref<128x64xf32, #tpu.memory_space<hbm>>
      %dma_wait3A_1116 = arith.constant 0 : i32
      %dma_wait3A_1117 = arith.constant 0 : i32
      %dma_wait3A_1118 = tpu.memref_slice %arg6[%dma_wait3A_1104, %dma_wait3A_1116, %dma_wait3A_1117] : memref<8x128x64xf32, #tpu.memory_space<vmem>> -> memref<1x128x64xf32, #tpu.memory_space<vmem>>
      %dma_wait3A_1119 = tpu.memref_squeeze %dma_wait3A_1118 : memref<1x128x64xf32, #tpu.memory_space<vmem>> -> memref<128x64xf32, #tpu.memory_space<vmem>>
      tpu.wait_dma2 semaphore(%dma_wait3A_1113 : memref<!tpu.dma_semaphore, #tpu.memory_space<semaphore_mem>>) src(%dma_wait3A_1119 : memref<128x64xf32, #tpu.memory_space<vmem>>) dst(%dma_wait3A_1115 : memref<128x64xf32, #tpu.memory_space<hbm>>)
      %add3A_1120 = arith.constant 4 : i32
      %add3A_1121 = arith.addi %add3A_1066, %add3A_1120 : i32
      %dma_start3A_1122 = arith.constant 4 : i32
      %dma_start3A_1123 = arith.constant 4 : i32
      %dma_start3A_1124 = arith.constant 0 : i32
      %dma_start3A_1125 = arith.constant 0 : i32
      %dma_start3A_1126 = tpu.memref_slice %arg6[%dma_start3A_1122, %dma_start3A_1124, %dma_start3A_1125] : memref<8x128x64xf32, #tpu.memory_space<vmem>> -> memref<1x128x64xf32, #tpu.memory_space<vmem>>
      %dma_start3A_1127 = tpu.memref_squeeze %dma_start3A_1126 : memref<1x128x64xf32, #tpu.memory_space<vmem>> -> memref<128x64xf32, #tpu.memory_space<vmem>>
      %dma_start3A_1128 = arith.constant 0 : i32
      %dma_start3A_1129 = tpu.memref_slice %arg5[%add3A_1121, %dma_start3A_1128] : memref<200x128xi32, #tpu.memory_space<vmem>> -> memref<1x128xi32, #tpu.memory_space<vmem>>
      %dma_start3A_1130 = tpu.memref_squeeze %dma_start3A_1129 : memref<1x128xi32, #tpu.memory_space<vmem>> -> memref<128xi32, #tpu.memory_space<vmem>>
      %dma_start3A_1131 = arith.constant 0 : i32
      %dma_start3A_1132 = arith.constant 0 : i32
      %dma_start3A_1133 = tpu.memref_slice %arg3[%dma_start3A_1131, %dma_start3A_1132] : memref<1000000x64xf32, #tpu.memory_space<hbm>> -> memref<1000000x64xf32, #tpu.memory_space<hbm>>
      %dma_start3A_1134 = tpu.memref_slice %arg7[%dma_start3A_1123] : memref<8x!tpu.dma_semaphore, #tpu.memory_space<semaphore_mem>> -> memref<1x!tpu.dma_semaphore, #tpu.memory_space<semaphore_mem>>
      %dma_start3A_1135 = tpu.memref_squeeze %dma_start3A_1134 : memref<1x!tpu.dma_semaphore, #tpu.memory_space<semaphore_mem>> -> memref<!tpu.dma_semaphore, #tpu.memory_space<semaphore_mem>>
      tpu.enqueue_indirect_dma source(%dma_start3A_1133 : memref<1000000x64xf32, #tpu.memory_space<hbm>>) target(%dma_start3A_1127 : memref<128x64xf32, #tpu.memory_space<vmem>>) offsets(%dma_start3A_1130 : memref<128xi32, #tpu.memory_space<vmem>>) semaphore(%dma_start3A_1135 : memref<!tpu.dma_semaphore, #tpu.memory_space<semaphore_mem>>)
      %add3A_1136 = arith.constant 1 : i32
      %add3A_1137 = arith.addi %mul3A_1064, %add3A_1136 : i32
      %dma_wait3A_1138 = arith.constant 1 : i32
      %dma_wait3A_1139 = arith.constant 1 : i32
      %dma_wait3A_1140 = arith.constant 0 : i32
      %dma_wait3A_1141 = arith.constant 0 : i32
      %dma_wait3A_1142 = tpu.memref_slice %arg6[%dma_wait3A_1138, %dma_wait3A_1140, %dma_wait3A_1141] : memref<8x128x64xf32, #tpu.memory_space<vmem>> -> memref<1x128x64xf32, #tpu.memory_space<vmem>>
      %dma_wait3A_1143 = tpu.memref_squeeze %dma_wait3A_1142 : memref<1x128x64xf32, #tpu.memory_space<vmem>> -> memref<128x64xf32, #tpu.memory_space<vmem>>
      %dma_wait3A_1144 = arith.constant 0 : i32
      %dma_wait3A_1145 = tpu.memref_slice %arg5[%add3A_1137, %dma_wait3A_1144] : memref<200x128xi32, #tpu.memory_space<vmem>> -> memref<1x128xi32, #tpu.memory_space<vmem>>
      %dma_wait3A_1146 = tpu.memref_squeeze %dma_wait3A_1145 : memref<1x128xi32, #tpu.memory_space<vmem>> -> memref<128xi32, #tpu.memory_space<vmem>>
      %dma_wait3A_1147 = arith.constant 0 : i32
      %dma_wait3A_1148 = arith.constant 0 : i32
      %dma_wait3A_1149 = tpu.memref_slice %arg3[%dma_wait3A_1147, %dma_wait3A_1148] : memref<1000000x64xf32, #tpu.memory_space<hbm>> -> memref<1000000x64xf32, #tpu.memory_space<hbm>>
      %dma_wait3A_1150 = tpu.memref_slice %arg7[%dma_wait3A_1139] : memref<8x!tpu.dma_semaphore, #tpu.memory_space<semaphore_mem>> -> memref<1x!tpu.dma_semaphore, #tpu.memory_space<semaphore_mem>>
      %dma_wait3A_1151 = tpu.memref_squeeze %dma_wait3A_1150 : memref<1x!tpu.dma_semaphore, #tpu.memory_space<semaphore_mem>> -> memref<!tpu.dma_semaphore, #tpu.memory_space<semaphore_mem>>
      tpu.wait_indirect_dma semaphore(%dma_wait3A_1151 : memref<!tpu.dma_semaphore, #tpu.memory_space<semaphore_mem>>) src(%dma_wait3A_1149 : memref<1000000x64xf32, #tpu.memory_space<hbm>>) dst(%dma_wait3A_1143 : memref<128x64xf32, #tpu.memory_space<vmem>>)
      %mul3A_1152 = arith.constant 128 : i32
      %mul3A_1153 = arith.muli %add3A_1137, %mul3A_1152 : i32
      %add3A_1154 = arith.addi %mul3A_2, %mul3A_1153 : i32
      %dma_start3A_1155 = arith.constant 1 : i32
      %dma_start3A_1156 = arith.constant 1 : i32
      %dma_start3A_1157 = arith.constant 0 : i32
      %dma_start3A_1158 = arith.constant 0 : i32
      %dma_start3A_1159 = tpu.memref_slice %arg6[%dma_start3A_1155, %dma_start3A_1157, %dma_start3A_1158] : memref<8x128x64xf32, #tpu.memory_space<vmem>> -> memref<1x128x64xf32, #tpu.memory_space<vmem>>
      %dma_start3A_1160 = tpu.memref_squeeze %dma_start3A_1159 : memref<1x128x64xf32, #tpu.memory_space<vmem>> -> memref<128x64xf32, #tpu.memory_space<vmem>>
      %dma_start3A_1161 = arith.constant 0 : i32
      %dma_start3A_1162 = tpu.memref_slice %arg4[%add3A_1154, %dma_start3A_1161] : memref<819200x64xf32, #tpu.memory_space<hbm>> -> memref<128x64xf32, #tpu.memory_space<hbm>>
      %dma_start3A_1163 = tpu.memref_slice %arg8[%dma_start3A_1156] : memref<8x!tpu.dma_semaphore, #tpu.memory_space<semaphore_mem>> -> memref<1x!tpu.dma_semaphore, #tpu.memory_space<semaphore_mem>>
      %dma_start3A_1164 = tpu.memref_squeeze %dma_start3A_1163 : memref<1x!tpu.dma_semaphore, #tpu.memory_space<semaphore_mem>> -> memref<!tpu.dma_semaphore, #tpu.memory_space<semaphore_mem>>
      %dma_start3A_1165 = arith.constant 0 : i32
      %dma_start3A_1166 = tpu.memref_slice %arg4[%add3A_1154, %dma_start3A_1165] : memref<819200x64xf32, #tpu.memory_space<hbm>> -> memref<128x64xf32, #tpu.memory_space<hbm>>
      %dma_start3A_1167 = arith.constant 0 : i32
      %dma_start3A_1168 = arith.constant 0 : i32
      %dma_start3A_1169 = tpu.memref_slice %arg6[%dma_start3A_1155, %dma_start3A_1167, %dma_start3A_1168] : memref<8x128x64xf32, #tpu.memory_space<vmem>> -> memref<1x128x64xf32, #tpu.memory_space<vmem>>
      %dma_start3A_1170 = tpu.memref_squeeze %dma_start3A_1169 : memref<1x128x64xf32, #tpu.memory_space<vmem>> -> memref<128x64xf32, #tpu.memory_space<vmem>>
      tpu.enqueue_dma source(%dma_start3A_1170 : memref<128x64xf32, #tpu.memory_space<vmem>>) target(%dma_start3A_1166 : memref<128x64xf32, #tpu.memory_space<hbm>>) target_semaphore(%dma_start3A_1164 : memref<!tpu.dma_semaphore, #tpu.memory_space<semaphore_mem>>)
      %sub3A_1171 = arith.constant 4 : i32
      %sub3A_1172 = arith.subi %add3A_1137, %sub3A_1171 : i32
      %mul3A_1173 = arith.constant 128 : i32
      %mul3A_1174 = arith.muli %sub3A_1172, %mul3A_1173 : i32
      %add3A_1175 = arith.addi %mul3A_2, %mul3A_1174 : i32
      %dma_wait3A_1176 = arith.constant 5 : i32
      %dma_wait3A_1177 = arith.constant 5 : i32
      %dma_wait3A_1178 = arith.constant 0 : i32
      %dma_wait3A_1179 = arith.constant 0 : i32
      %dma_wait3A_1180 = tpu.memref_slice %arg6[%dma_wait3A_1176, %dma_wait3A_1178, %dma_wait3A_1179] : memref<8x128x64xf32, #tpu.memory_space<vmem>> -> memref<1x128x64xf32, #tpu.memory_space<vmem>>
      %dma_wait3A_1181 = tpu.memref_squeeze %dma_wait3A_1180 : memref<1x128x64xf32, #tpu.memory_space<vmem>> -> memref<128x64xf32, #tpu.memory_space<vmem>>
      %dma_wait3A_1182 = arith.constant 0 : i32
      %dma_wait3A_1183 = tpu.memref_slice %arg4[%add3A_1175, %dma_wait3A_1182] : memref<819200x64xf32, #tpu.memory_space<hbm>> -> memref<128x64xf32, #tpu.memory_space<hbm>>
      %dma_wait3A_1184 = tpu.memref_slice %arg8[%dma_wait3A_1177] : memref<8x!tpu.dma_semaphore, #tpu.memory_space<semaphore_mem>> -> memref<1x!tpu.dma_semaphore, #tpu.memory_space<semaphore_mem>>
      %dma_wait3A_1185 = tpu.memref_squeeze %dma_wait3A_1184 : memref<1x!tpu.dma_semaphore, #tpu.memory_space<semaphore_mem>> -> memref<!tpu.dma_semaphore, #tpu.memory_space<semaphore_mem>>
      %dma_wait3A_1186 = arith.constant 0 : i32
      %dma_wait3A_1187 = tpu.memref_slice %arg4[%add3A_1175, %dma_wait3A_1186] : memref<819200x64xf32, #tpu.memory_space<hbm>> -> memref<128x64xf32, #tpu.memory_space<hbm>>
      %dma_wait3A_1188 = arith.constant 0 : i32
      %dma_wait3A_1189 = arith.constant 0 : i32
      %dma_wait3A_1190 = tpu.memref_slice %arg6[%dma_wait3A_1176, %dma_wait3A_1188, %dma_wait3A_1189] : memref<8x128x64xf32, #tpu.memory_space<vmem>> -> memref<1x128x64xf32, #tpu.memory_space<vmem>>
      %dma_wait3A_1191 = tpu.memref_squeeze %dma_wait3A_1190 : memref<1x128x64xf32, #tpu.memory_space<vmem>> -> memref<128x64xf32, #tpu.memory_space<vmem>>
      tpu.wait_dma2 semaphore(%dma_wait3A_1185 : memref<!tpu.dma_semaphore, #tpu.memory_space<semaphore_mem>>) src(%dma_wait3A_1191 : memref<128x64xf32, #tpu.memory_space<vmem>>) dst(%dma_wait3A_1187 : memref<128x64xf32, #tpu.memory_space<hbm>>)
      %add3A_1192 = arith.constant 4 : i32
      %add3A_1193 = arith.addi %add3A_1137, %add3A_1192 : i32
      %dma_start3A_1194 = arith.constant 5 : i32
      %dma_start3A_1195 = arith.constant 5 : i32
      %dma_start3A_1196 = arith.constant 0 : i32
      %dma_start3A_1197 = arith.constant 0 : i32
      %dma_start3A_1198 = tpu.memref_slice %arg6[%dma_start3A_1194, %dma_start3A_1196, %dma_start3A_1197] : memref<8x128x64xf32, #tpu.memory_space<vmem>> -> memref<1x128x64xf32, #tpu.memory_space<vmem>>
      %dma_start3A_1199 = tpu.memref_squeeze %dma_start3A_1198 : memref<1x128x64xf32, #tpu.memory_space<vmem>> -> memref<128x64xf32, #tpu.memory_space<vmem>>
      %dma_start3A_1200 = arith.constant 0 : i32
      %dma_start3A_1201 = tpu.memref_slice %arg5[%add3A_1193, %dma_start3A_1200] : memref<200x128xi32, #tpu.memory_space<vmem>> -> memref<1x128xi32, #tpu.memory_space<vmem>>
      %dma_start3A_1202 = tpu.memref_squeeze %dma_start3A_1201 : memref<1x128xi32, #tpu.memory_space<vmem>> -> memref<128xi32, #tpu.memory_space<vmem>>
      %dma_start3A_1203 = arith.constant 0 : i32
      %dma_start3A_1204 = arith.constant 0 : i32
      %dma_start3A_1205 = tpu.memref_slice %arg3[%dma_start3A_1203, %dma_start3A_1204] : memref<1000000x64xf32, #tpu.memory_space<hbm>> -> memref<1000000x64xf32, #tpu.memory_space<hbm>>
      %dma_start3A_1206 = tpu.memref_slice %arg7[%dma_start3A_1195] : memref<8x!tpu.dma_semaphore, #tpu.memory_space<semaphore_mem>> -> memref<1x!tpu.dma_semaphore, #tpu.memory_space<semaphore_mem>>
      %dma_start3A_1207 = tpu.memref_squeeze %dma_start3A_1206 : memref<1x!tpu.dma_semaphore, #tpu.memory_space<semaphore_mem>> -> memref<!tpu.dma_semaphore, #tpu.memory_space<semaphore_mem>>
      tpu.enqueue_indirect_dma source(%dma_start3A_1205 : memref<1000000x64xf32, #tpu.memory_space<hbm>>) target(%dma_start3A_1199 : memref<128x64xf32, #tpu.memory_space<vmem>>) offsets(%dma_start3A_1202 : memref<128xi32, #tpu.memory_space<vmem>>) semaphore(%dma_start3A_1207 : memref<!tpu.dma_semaphore, #tpu.memory_space<semaphore_mem>>)
      %add3A_1208 = arith.constant 2 : i32
      %add3A_1209 = arith.addi %mul3A_1064, %add3A_1208 : i32
      %dma_wait3A_1210 = arith.constant 2 : i32
      %dma_wait3A_1211 = arith.constant 2 : i32
      %dma_wait3A_1212 = arith.constant 0 : i32
      %dma_wait3A_1213 = arith.constant 0 : i32
      %dma_wait3A_1214 = tpu.memref_slice %arg6[%dma_wait3A_1210, %dma_wait3A_1212, %dma_wait3A_1213] : memref<8x128x64xf32, #tpu.memory_space<vmem>> -> memref<1x128x64xf32, #tpu.memory_space<vmem>>
      %dma_wait3A_1215 = tpu.memref_squeeze %dma_wait3A_1214 : memref<1x128x64xf32, #tpu.memory_space<vmem>> -> memref<128x64xf32, #tpu.memory_space<vmem>>
      %dma_wait3A_1216 = arith.constant 0 : i32
      %dma_wait3A_1217 = tpu.memref_slice %arg5[%add3A_1209, %dma_wait3A_1216] : memref<200x128xi32, #tpu.memory_space<vmem>> -> memref<1x128xi32, #tpu.memory_space<vmem>>
      %dma_wait3A_1218 = tpu.memref_squeeze %dma_wait3A_1217 : memref<1x128xi32, #tpu.memory_space<vmem>> -> memref<128xi32, #tpu.memory_space<vmem>>
      %dma_wait3A_1219 = arith.constant 0 : i32
      %dma_wait3A_1220 = arith.constant 0 : i32
      %dma_wait3A_1221 = tpu.memref_slice %arg3[%dma_wait3A_1219, %dma_wait3A_1220] : memref<1000000x64xf32, #tpu.memory_space<hbm>> -> memref<1000000x64xf32, #tpu.memory_space<hbm>>
      %dma_wait3A_1222 = tpu.memref_slice %arg7[%dma_wait3A_1211] : memref<8x!tpu.dma_semaphore, #tpu.memory_space<semaphore_mem>> -> memref<1x!tpu.dma_semaphore, #tpu.memory_space<semaphore_mem>>
      %dma_wait3A_1223 = tpu.memref_squeeze %dma_wait3A_1222 : memref<1x!tpu.dma_semaphore, #tpu.memory_space<semaphore_mem>> -> memref<!tpu.dma_semaphore, #tpu.memory_space<semaphore_mem>>
      tpu.wait_indirect_dma semaphore(%dma_wait3A_1223 : memref<!tpu.dma_semaphore, #tpu.memory_space<semaphore_mem>>) src(%dma_wait3A_1221 : memref<1000000x64xf32, #tpu.memory_space<hbm>>) dst(%dma_wait3A_1215 : memref<128x64xf32, #tpu.memory_space<vmem>>)
      %mul3A_1224 = arith.constant 128 : i32
      %mul3A_1225 = arith.muli %add3A_1209, %mul3A_1224 : i32
      %add3A_1226 = arith.addi %mul3A_2, %mul3A_1225 : i32
      %dma_start3A_1227 = arith.constant 2 : i32
      %dma_start3A_1228 = arith.constant 2 : i32
      %dma_start3A_1229 = arith.constant 0 : i32
      %dma_start3A_1230 = arith.constant 0 : i32
      %dma_start3A_1231 = tpu.memref_slice %arg6[%dma_start3A_1227, %dma_start3A_1229, %dma_start3A_1230] : memref<8x128x64xf32, #tpu.memory_space<vmem>> -> memref<1x128x64xf32, #tpu.memory_space<vmem>>
      %dma_start3A_1232 = tpu.memref_squeeze %dma_start3A_1231 : memref<1x128x64xf32, #tpu.memory_space<vmem>> -> memref<128x64xf32, #tpu.memory_space<vmem>>
      %dma_start3A_1233 = arith.constant 0 : i32
      %dma_start3A_1234 = tpu.memref_slice %arg4[%add3A_1226, %dma_start3A_1233] : memref<819200x64xf32, #tpu.memory_space<hbm>> -> memref<128x64xf32, #tpu.memory_space<hbm>>
      %dma_start3A_1235 = tpu.memref_slice %arg8[%dma_start3A_1228] : memref<8x!tpu.dma_semaphore, #tpu.memory_space<semaphore_mem>> -> memref<1x!tpu.dma_semaphore, #tpu.memory_space<semaphore_mem>>
      %dma_start3A_1236 = tpu.memref_squeeze %dma_start3A_1235 : memref<1x!tpu.dma_semaphore, #tpu.memory_space<semaphore_mem>> -> memref<!tpu.dma_semaphore, #tpu.memory_space<semaphore_mem>>
      %dma_start3A_1237 = arith.constant 0 : i32
      %dma_start3A_1238 = tpu.memref_slice %arg4[%add3A_1226, %dma_start3A_1237] : memref<819200x64xf32, #tpu.memory_space<hbm>> -> memref<128x64xf32, #tpu.memory_space<hbm>>
      %dma_start3A_1239 = arith.constant 0 : i32
      %dma_start3A_1240 = arith.constant 0 : i32
      %dma_start3A_1241 = tpu.memref_slice %arg6[%dma_start3A_1227, %dma_start3A_1239, %dma_start3A_1240] : memref<8x128x64xf32, #tpu.memory_space<vmem>> -> memref<1x128x64xf32, #tpu.memory_space<vmem>>
      %dma_start3A_1242 = tpu.memref_squeeze %dma_start3A_1241 : memref<1x128x64xf32, #tpu.memory_space<vmem>> -> memref<128x64xf32, #tpu.memory_space<vmem>>
      tpu.enqueue_dma source(%dma_start3A_1242 : memref<128x64xf32, #tpu.memory_space<vmem>>) target(%dma_start3A_1238 : memref<128x64xf32, #tpu.memory_space<hbm>>) target_semaphore(%dma_start3A_1236 : memref<!tpu.dma_semaphore, #tpu.memory_space<semaphore_mem>>)
      %sub3A_1243 = arith.constant 4 : i32
      %sub3A_1244 = arith.subi %add3A_1209, %sub3A_1243 : i32
      %mul3A_1245 = arith.constant 128 : i32
      %mul3A_1246 = arith.muli %sub3A_1244, %mul3A_1245 : i32
      %add3A_1247 = arith.addi %mul3A_2, %mul3A_1246 : i32
      %dma_wait3A_1248 = arith.constant 6 : i32
      %dma_wait3A_1249 = arith.constant 6 : i32
      %dma_wait3A_1250 = arith.constant 0 : i32
      %dma_wait3A_1251 = arith.constant 0 : i32
      %dma_wait3A_1252 = tpu.memref_slice %arg6[%dma_wait3A_1248, %dma_wait3A_1250, %dma_wait3A_1251] : memref<8x128x64xf32, #tpu.memory_space<vmem>> -> memref<1x128x64xf32, #tpu.memory_space<vmem>>
      %dma_wait3A_1253 = tpu.memref_squeeze %dma_wait3A_1252 : memref<1x128x64xf32, #tpu.memory_space<vmem>> -> memref<128x64xf32, #tpu.memory_space<vmem>>
      %dma_wait3A_1254 = arith.constant 0 : i32
      %dma_wait3A_1255 = tpu.memref_slice %arg4[%add3A_1247, %dma_wait3A_1254] : memref<819200x64xf32, #tpu.memory_space<hbm>> -> memref<128x64xf32, #tpu.memory_space<hbm>>
      %dma_wait3A_1256 = tpu.memref_slice %arg8[%dma_wait3A_1249] : memref<8x!tpu.dma_semaphore, #tpu.memory_space<semaphore_mem>> -> memref<1x!tpu.dma_semaphore, #tpu.memory_space<semaphore_mem>>
      %dma_wait3A_1257 = tpu.memref_squeeze %dma_wait3A_1256 : memref<1x!tpu.dma_semaphore, #tpu.memory_space<semaphore_mem>> -> memref<!tpu.dma_semaphore, #tpu.memory_space<semaphore_mem>>
      %dma_wait3A_1258 = arith.constant 0 : i32
      %dma_wait3A_1259 = tpu.memref_slice %arg4[%add3A_1247, %dma_wait3A_1258] : memref<819200x64xf32, #tpu.memory_space<hbm>> -> memref<128x64xf32, #tpu.memory_space<hbm>>
      %dma_wait3A_1260 = arith.constant 0 : i32
      %dma_wait3A_1261 = arith.constant 0 : i32
      %dma_wait3A_1262 = tpu.memref_slice %arg6[%dma_wait3A_1248, %dma_wait3A_1260, %dma_wait3A_1261] : memref<8x128x64xf32, #tpu.memory_space<vmem>> -> memref<1x128x64xf32, #tpu.memory_space<vmem>>
      %dma_wait3A_1263 = tpu.memref_squeeze %dma_wait3A_1262 : memref<1x128x64xf32, #tpu.memory_space<vmem>> -> memref<128x64xf32, #tpu.memory_space<vmem>>
      tpu.wait_dma2 semaphore(%dma_wait3A_1257 : memref<!tpu.dma_semaphore, #tpu.memory_space<semaphore_mem>>) src(%dma_wait3A_1263 : memref<128x64xf32, #tpu.memory_space<vmem>>) dst(%dma_wait3A_1259 : memref<128x64xf32, #tpu.memory_space<hbm>>)
      %add3A_1264 = arith.constant 4 : i32
      %add3A_1265 = arith.addi %add3A_1209, %add3A_1264 : i32
      %dma_start3A_1266 = arith.constant 6 : i32
      %dma_start3A_1267 = arith.constant 6 : i32
      %dma_start3A_1268 = arith.constant 0 : i32
      %dma_start3A_1269 = arith.constant 0 : i32
      %dma_start3A_1270 = tpu.memref_slice %arg6[%dma_start3A_1266, %dma_start3A_1268, %dma_start3A_1269] : memref<8x128x64xf32, #tpu.memory_space<vmem>> -> memref<1x128x64xf32, #tpu.memory_space<vmem>>
      %dma_start3A_1271 = tpu.memref_squeeze %dma_start3A_1270 : memref<1x128x64xf32, #tpu.memory_space<vmem>> -> memref<128x64xf32, #tpu.memory_space<vmem>>
      %dma_start3A_1272 = arith.constant 0 : i32
      %dma_start3A_1273 = tpu.memref_slice %arg5[%add3A_1265, %dma_start3A_1272] : memref<200x128xi32, #tpu.memory_space<vmem>> -> memref<1x128xi32, #tpu.memory_space<vmem>>
      %dma_start3A_1274 = tpu.memref_squeeze %dma_start3A_1273 : memref<1x128xi32, #tpu.memory_space<vmem>> -> memref<128xi32, #tpu.memory_space<vmem>>
      %dma_start3A_1275 = arith.constant 0 : i32
      %dma_start3A_1276 = arith.constant 0 : i32
      %dma_start3A_1277 = tpu.memref_slice %arg3[%dma_start3A_1275, %dma_start3A_1276] : memref<1000000x64xf32, #tpu.memory_space<hbm>> -> memref<1000000x64xf32, #tpu.memory_space<hbm>>
      %dma_start3A_1278 = tpu.memref_slice %arg7[%dma_start3A_1267] : memref<8x!tpu.dma_semaphore, #tpu.memory_space<semaphore_mem>> -> memref<1x!tpu.dma_semaphore, #tpu.memory_space<semaphore_mem>>
      %dma_start3A_1279 = tpu.memref_squeeze %dma_start3A_1278 : memref<1x!tpu.dma_semaphore, #tpu.memory_space<semaphore_mem>> -> memref<!tpu.dma_semaphore, #tpu.memory_space<semaphore_mem>>
      tpu.enqueue_indirect_dma source(%dma_start3A_1277 : memref<1000000x64xf32, #tpu.memory_space<hbm>>) target(%dma_start3A_1271 : memref<128x64xf32, #tpu.memory_space<vmem>>) offsets(%dma_start3A_1274 : memref<128xi32, #tpu.memory_space<vmem>>) semaphore(%dma_start3A_1279 : memref<!tpu.dma_semaphore, #tpu.memory_space<semaphore_mem>>)
      %add3A_1280 = arith.constant 3 : i32
      %add3A_1281 = arith.addi %mul3A_1064, %add3A_1280 : i32
      %dma_wait3A_1282 = arith.constant 3 : i32
      %dma_wait3A_1283 = arith.constant 3 : i32
      %dma_wait3A_1284 = arith.constant 0 : i32
      %dma_wait3A_1285 = arith.constant 0 : i32
      %dma_wait3A_1286 = tpu.memref_slice %arg6[%dma_wait3A_1282, %dma_wait3A_1284, %dma_wait3A_1285] : memref<8x128x64xf32, #tpu.memory_space<vmem>> -> memref<1x128x64xf32, #tpu.memory_space<vmem>>
      %dma_wait3A_1287 = tpu.memref_squeeze %dma_wait3A_1286 : memref<1x128x64xf32, #tpu.memory_space<vmem>> -> memref<128x64xf32, #tpu.memory_space<vmem>>
      %dma_wait3A_1288 = arith.constant 0 : i32
      %dma_wait3A_1289 = tpu.memref_slice %arg5[%add3A_1281, %dma_wait3A_1288] : memref<200x128xi32, #tpu.memory_space<vmem>> -> memref<1x128xi32, #tpu.memory_space<vmem>>
      %dma_wait3A_1290 = tpu.memref_squeeze %dma_wait3A_1289 : memref<1x128xi32, #tpu.memory_space<vmem>> -> memref<128xi32, #tpu.memory_space<vmem>>
      %dma_wait3A_1291 = arith.constant 0 : i32
      %dma_wait3A_1292 = arith.constant 0 : i32
      %dma_wait3A_1293 = tpu.memref_slice %arg3[%dma_wait3A_1291, %dma_wait3A_1292] : memref<1000000x64xf32, #tpu.memory_space<hbm>> -> memref<1000000x64xf32, #tpu.memory_space<hbm>>
      %dma_wait3A_1294 = tpu.memref_slice %arg7[%dma_wait3A_1283] : memref<8x!tpu.dma_semaphore, #tpu.memory_space<semaphore_mem>> -> memref<1x!tpu.dma_semaphore, #tpu.memory_space<semaphore_mem>>
      %dma_wait3A_1295 = tpu.memref_squeeze %dma_wait3A_1294 : memref<1x!tpu.dma_semaphore, #tpu.memory_space<semaphore_mem>> -> memref<!tpu.dma_semaphore, #tpu.memory_space<semaphore_mem>>
      tpu.wait_indirect_dma semaphore(%dma_wait3A_1295 : memref<!tpu.dma_semaphore, #tpu.memory_space<semaphore_mem>>) src(%dma_wait3A_1293 : memref<1000000x64xf32, #tpu.memory_space<hbm>>) dst(%dma_wait3A_1287 : memref<128x64xf32, #tpu.memory_space<vmem>>)
      %mul3A_1296 = arith.constant 128 : i32
      %mul3A_1297 = arith.muli %add3A_1281, %mul3A_1296 : i32
      %add3A_1298 = arith.addi %mul3A_2, %mul3A_1297 : i32
      %dma_start3A_1299 = arith.constant 3 : i32
      %dma_start3A_1300 = arith.constant 3 : i32
      %dma_start3A_1301 = arith.constant 0 : i32
      %dma_start3A_1302 = arith.constant 0 : i32
      %dma_start3A_1303 = tpu.memref_slice %arg6[%dma_start3A_1299, %dma_start3A_1301, %dma_start3A_1302] : memref<8x128x64xf32, #tpu.memory_space<vmem>> -> memref<1x128x64xf32, #tpu.memory_space<vmem>>
      %dma_start3A_1304 = tpu.memref_squeeze %dma_start3A_1303 : memref<1x128x64xf32, #tpu.memory_space<vmem>> -> memref<128x64xf32, #tpu.memory_space<vmem>>
      %dma_start3A_1305 = arith.constant 0 : i32
      %dma_start3A_1306 = tpu.memref_slice %arg4[%add3A_1298, %dma_start3A_1305] : memref<819200x64xf32, #tpu.memory_space<hbm>> -> memref<128x64xf32, #tpu.memory_space<hbm>>
      %dma_start3A_1307 = tpu.memref_slice %arg8[%dma_start3A_1300] : memref<8x!tpu.dma_semaphore, #tpu.memory_space<semaphore_mem>> -> memref<1x!tpu.dma_semaphore, #tpu.memory_space<semaphore_mem>>
      %dma_start3A_1308 = tpu.memref_squeeze %dma_start3A_1307 : memref<1x!tpu.dma_semaphore, #tpu.memory_space<semaphore_mem>> -> memref<!tpu.dma_semaphore, #tpu.memory_space<semaphore_mem>>
      %dma_start3A_1309 = arith.constant 0 : i32
      %dma_start3A_1310 = tpu.memref_slice %arg4[%add3A_1298, %dma_start3A_1309] : memref<819200x64xf32, #tpu.memory_space<hbm>> -> memref<128x64xf32, #tpu.memory_space<hbm>>
      %dma_start3A_1311 = arith.constant 0 : i32
      %dma_start3A_1312 = arith.constant 0 : i32
      %dma_start3A_1313 = tpu.memref_slice %arg6[%dma_start3A_1299, %dma_start3A_1311, %dma_start3A_1312] : memref<8x128x64xf32, #tpu.memory_space<vmem>> -> memref<1x128x64xf32, #tpu.memory_space<vmem>>
      %dma_start3A_1314 = tpu.memref_squeeze %dma_start3A_1313 : memref<1x128x64xf32, #tpu.memory_space<vmem>> -> memref<128x64xf32, #tpu.memory_space<vmem>>
      tpu.enqueue_dma source(%dma_start3A_1314 : memref<128x64xf32, #tpu.memory_space<vmem>>) target(%dma_start3A_1310 : memref<128x64xf32, #tpu.memory_space<hbm>>) target_semaphore(%dma_start3A_1308 : memref<!tpu.dma_semaphore, #tpu.memory_space<semaphore_mem>>)
      %sub3A_1315 = arith.constant 4 : i32
      %sub3A_1316 = arith.subi %add3A_1281, %sub3A_1315 : i32
      %mul3A_1317 = arith.constant 128 : i32
      %mul3A_1318 = arith.muli %sub3A_1316, %mul3A_1317 : i32
      %add3A_1319 = arith.addi %mul3A_2, %mul3A_1318 : i32
      %dma_wait3A_1320 = arith.constant 7 : i32
      %dma_wait3A_1321 = arith.constant 7 : i32
      %dma_wait3A_1322 = arith.constant 0 : i32
      %dma_wait3A_1323 = arith.constant 0 : i32
      %dma_wait3A_1324 = tpu.memref_slice %arg6[%dma_wait3A_1320, %dma_wait3A_1322, %dma_wait3A_1323] : memref<8x128x64xf32, #tpu.memory_space<vmem>> -> memref<1x128x64xf32, #tpu.memory_space<vmem>>
      %dma_wait3A_1325 = tpu.memref_squeeze %dma_wait3A_1324 : memref<1x128x64xf32, #tpu.memory_space<vmem>> -> memref<128x64xf32, #tpu.memory_space<vmem>>
      %dma_wait3A_1326 = arith.constant 0 : i32
      %dma_wait3A_1327 = tpu.memref_slice %arg4[%add3A_1319, %dma_wait3A_1326] : memref<819200x64xf32, #tpu.memory_space<hbm>> -> memref<128x64xf32, #tpu.memory_space<hbm>>
      %dma_wait3A_1328 = tpu.memref_slice %arg8[%dma_wait3A_1321] : memref<8x!tpu.dma_semaphore, #tpu.memory_space<semaphore_mem>> -> memref<1x!tpu.dma_semaphore, #tpu.memory_space<semaphore_mem>>
      %dma_wait3A_1329 = tpu.memref_squeeze %dma_wait3A_1328 : memref<1x!tpu.dma_semaphore, #tpu.memory_space<semaphore_mem>> -> memref<!tpu.dma_semaphore, #tpu.memory_space<semaphore_mem>>
      %dma_wait3A_1330 = arith.constant 0 : i32
      %dma_wait3A_1331 = tpu.memref_slice %arg4[%add3A_1319, %dma_wait3A_1330] : memref<819200x64xf32, #tpu.memory_space<hbm>> -> memref<128x64xf32, #tpu.memory_space<hbm>>
      %dma_wait3A_1332 = arith.constant 0 : i32
      %dma_wait3A_1333 = arith.constant 0 : i32
      %dma_wait3A_1334 = tpu.memref_slice %arg6[%dma_wait3A_1320, %dma_wait3A_1332, %dma_wait3A_1333] : memref<8x128x64xf32, #tpu.memory_space<vmem>> -> memref<1x128x64xf32, #tpu.memory_space<vmem>>
      %dma_wait3A_1335 = tpu.memref_squeeze %dma_wait3A_1334 : memref<1x128x64xf32, #tpu.memory_space<vmem>> -> memref<128x64xf32, #tpu.memory_space<vmem>>
      tpu.wait_dma2 semaphore(%dma_wait3A_1329 : memref<!tpu.dma_semaphore, #tpu.memory_space<semaphore_mem>>) src(%dma_wait3A_1335 : memref<128x64xf32, #tpu.memory_space<vmem>>) dst(%dma_wait3A_1331 : memref<128x64xf32, #tpu.memory_space<hbm>>)
      %add3A_1336 = arith.constant 4 : i32
      %add3A_1337 = arith.addi %add3A_1281, %add3A_1336 : i32
      %dma_start3A_1338 = arith.constant 7 : i32
      %dma_start3A_1339 = arith.constant 7 : i32
      %dma_start3A_1340 = arith.constant 0 : i32
      %dma_start3A_1341 = arith.constant 0 : i32
      %dma_start3A_1342 = tpu.memref_slice %arg6[%dma_start3A_1338, %dma_start3A_1340, %dma_start3A_1341] : memref<8x128x64xf32, #tpu.memory_space<vmem>> -> memref<1x128x64xf32, #tpu.memory_space<vmem>>
      %dma_start3A_1343 = tpu.memref_squeeze %dma_start3A_1342 : memref<1x128x64xf32, #tpu.memory_space<vmem>> -> memref<128x64xf32, #tpu.memory_space<vmem>>
      %dma_start3A_1344 = arith.constant 0 : i32
      %dma_start3A_1345 = tpu.memref_slice %arg5[%add3A_1337, %dma_start3A_1344] : memref<200x128xi32, #tpu.memory_space<vmem>> -> memref<1x128xi32, #tpu.memory_space<vmem>>
      %dma_start3A_1346 = tpu.memref_squeeze %dma_start3A_1345 : memref<1x128xi32, #tpu.memory_space<vmem>> -> memref<128xi32, #tpu.memory_space<vmem>>
      %dma_start3A_1347 = arith.constant 0 : i32
      %dma_start3A_1348 = arith.constant 0 : i32
      %dma_start3A_1349 = tpu.memref_slice %arg3[%dma_start3A_1347, %dma_start3A_1348] : memref<1000000x64xf32, #tpu.memory_space<hbm>> -> memref<1000000x64xf32, #tpu.memory_space<hbm>>
      %dma_start3A_1350 = tpu.memref_slice %arg7[%dma_start3A_1339] : memref<8x!tpu.dma_semaphore, #tpu.memory_space<semaphore_mem>> -> memref<1x!tpu.dma_semaphore, #tpu.memory_space<semaphore_mem>>
      %dma_start3A_1351 = tpu.memref_squeeze %dma_start3A_1350 : memref<1x!tpu.dma_semaphore, #tpu.memory_space<semaphore_mem>> -> memref<!tpu.dma_semaphore, #tpu.memory_space<semaphore_mem>>
      tpu.enqueue_indirect_dma source(%dma_start3A_1349 : memref<1000000x64xf32, #tpu.memory_space<hbm>>) target(%dma_start3A_1343 : memref<128x64xf32, #tpu.memory_space<vmem>>) offsets(%dma_start3A_1346 : memref<128xi32, #tpu.memory_space<vmem>>) semaphore(%dma_start3A_1351 : memref<!tpu.dma_semaphore, #tpu.memory_space<semaphore_mem>>)
      %add3A_1352 = arith.constant 4 : i32
      %add3A_1353 = arith.addi %mul3A_1064, %add3A_1352 : i32
      %dma_wait3A_1354 = arith.constant 4 : i32
      %dma_wait3A_1355 = arith.constant 4 : i32
      %dma_wait3A_1356 = arith.constant 0 : i32
      %dma_wait3A_1357 = arith.constant 0 : i32
      %dma_wait3A_1358 = tpu.memref_slice %arg6[%dma_wait3A_1354, %dma_wait3A_1356, %dma_wait3A_1357] : memref<8x128x64xf32, #tpu.memory_space<vmem>> -> memref<1x128x64xf32, #tpu.memory_space<vmem>>
      %dma_wait3A_1359 = tpu.memref_squeeze %dma_wait3A_1358 : memref<1x128x64xf32, #tpu.memory_space<vmem>> -> memref<128x64xf32, #tpu.memory_space<vmem>>
      %dma_wait3A_1360 = arith.constant 0 : i32
      %dma_wait3A_1361 = tpu.memref_slice %arg5[%add3A_1353, %dma_wait3A_1360] : memref<200x128xi32, #tpu.memory_space<vmem>> -> memref<1x128xi32, #tpu.memory_space<vmem>>
      %dma_wait3A_1362 = tpu.memref_squeeze %dma_wait3A_1361 : memref<1x128xi32, #tpu.memory_space<vmem>> -> memref<128xi32, #tpu.memory_space<vmem>>
      %dma_wait3A_1363 = arith.constant 0 : i32
      %dma_wait3A_1364 = arith.constant 0 : i32
      %dma_wait3A_1365 = tpu.memref_slice %arg3[%dma_wait3A_1363, %dma_wait3A_1364] : memref<1000000x64xf32, #tpu.memory_space<hbm>> -> memref<1000000x64xf32, #tpu.memory_space<hbm>>
      %dma_wait3A_1366 = tpu.memref_slice %arg7[%dma_wait3A_1355] : memref<8x!tpu.dma_semaphore, #tpu.memory_space<semaphore_mem>> -> memref<1x!tpu.dma_semaphore, #tpu.memory_space<semaphore_mem>>
      %dma_wait3A_1367 = tpu.memref_squeeze %dma_wait3A_1366 : memref<1x!tpu.dma_semaphore, #tpu.memory_space<semaphore_mem>> -> memref<!tpu.dma_semaphore, #tpu.memory_space<semaphore_mem>>
      tpu.wait_indirect_dma semaphore(%dma_wait3A_1367 : memref<!tpu.dma_semaphore, #tpu.memory_space<semaphore_mem>>) src(%dma_wait3A_1365 : memref<1000000x64xf32, #tpu.memory_space<hbm>>) dst(%dma_wait3A_1359 : memref<128x64xf32, #tpu.memory_space<vmem>>)
      %mul3A_1368 = arith.constant 128 : i32
      %mul3A_1369 = arith.muli %add3A_1353, %mul3A_1368 : i32
      %add3A_1370 = arith.addi %mul3A_2, %mul3A_1369 : i32
      %dma_start3A_1371 = arith.constant 4 : i32
      %dma_start3A_1372 = arith.constant 4 : i32
      %dma_start3A_1373 = arith.constant 0 : i32
      %dma_start3A_1374 = arith.constant 0 : i32
      %dma_start3A_1375 = tpu.memref_slice %arg6[%dma_start3A_1371, %dma_start3A_1373, %dma_start3A_1374] : memref<8x128x64xf32, #tpu.memory_space<vmem>> -> memref<1x128x64xf32, #tpu.memory_space<vmem>>
      %dma_start3A_1376 = tpu.memref_squeeze %dma_start3A_1375 : memref<1x128x64xf32, #tpu.memory_space<vmem>> -> memref<128x64xf32, #tpu.memory_space<vmem>>
      %dma_start3A_1377 = arith.constant 0 : i32
      %dma_start3A_1378 = tpu.memref_slice %arg4[%add3A_1370, %dma_start3A_1377] : memref<819200x64xf32, #tpu.memory_space<hbm>> -> memref<128x64xf32, #tpu.memory_space<hbm>>
      %dma_start3A_1379 = tpu.memref_slice %arg8[%dma_start3A_1372] : memref<8x!tpu.dma_semaphore, #tpu.memory_space<semaphore_mem>> -> memref<1x!tpu.dma_semaphore, #tpu.memory_space<semaphore_mem>>
      %dma_start3A_1380 = tpu.memref_squeeze %dma_start3A_1379 : memref<1x!tpu.dma_semaphore, #tpu.memory_space<semaphore_mem>> -> memref<!tpu.dma_semaphore, #tpu.memory_space<semaphore_mem>>
      %dma_start3A_1381 = arith.constant 0 : i32
      %dma_start3A_1382 = tpu.memref_slice %arg4[%add3A_1370, %dma_start3A_1381] : memref<819200x64xf32, #tpu.memory_space<hbm>> -> memref<128x64xf32, #tpu.memory_space<hbm>>
      %dma_start3A_1383 = arith.constant 0 : i32
      %dma_start3A_1384 = arith.constant 0 : i32
      %dma_start3A_1385 = tpu.memref_slice %arg6[%dma_start3A_1371, %dma_start3A_1383, %dma_start3A_1384] : memref<8x128x64xf32, #tpu.memory_space<vmem>> -> memref<1x128x64xf32, #tpu.memory_space<vmem>>
      %dma_start3A_1386 = tpu.memref_squeeze %dma_start3A_1385 : memref<1x128x64xf32, #tpu.memory_space<vmem>> -> memref<128x64xf32, #tpu.memory_space<vmem>>
      tpu.enqueue_dma source(%dma_start3A_1386 : memref<128x64xf32, #tpu.memory_space<vmem>>) target(%dma_start3A_1382 : memref<128x64xf32, #tpu.memory_space<hbm>>) target_semaphore(%dma_start3A_1380 : memref<!tpu.dma_semaphore, #tpu.memory_space<semaphore_mem>>)
      %sub3A_1387 = arith.constant 4 : i32
      %sub3A_1388 = arith.subi %add3A_1353, %sub3A_1387 : i32
      %mul3A_1389 = arith.constant 128 : i32
      %mul3A_1390 = arith.muli %sub3A_1388, %mul3A_1389 : i32
      %add3A_1391 = arith.addi %mul3A_2, %mul3A_1390 : i32
      %dma_wait3A_1392 = arith.constant 0 : i32
      %dma_wait3A_1393 = arith.constant 0 : i32
      %dma_wait3A_1394 = arith.constant 0 : i32
      %dma_wait3A_1395 = arith.constant 0 : i32
      %dma_wait3A_1396 = tpu.memref_slice %arg6[%dma_wait3A_1392, %dma_wait3A_1394, %dma_wait3A_1395] : memref<8x128x64xf32, #tpu.memory_space<vmem>> -> memref<1x128x64xf32, #tpu.memory_space<vmem>>
      %dma_wait3A_1397 = tpu.memref_squeeze %dma_wait3A_1396 : memref<1x128x64xf32, #tpu.memory_space<vmem>> -> memref<128x64xf32, #tpu.memory_space<vmem>>
      %dma_wait3A_1398 = arith.constant 0 : i32
      %dma_wait3A_1399 = tpu.memref_slice %arg4[%add3A_1391, %dma_wait3A_1398] : memref<819200x64xf32, #tpu.memory_space<hbm>> -> memref<128x64xf32, #tpu.memory_space<hbm>>
      %dma_wait3A_1400 = tpu.memref_slice %arg8[%dma_wait3A_1393] : memref<8x!tpu.dma_semaphore, #tpu.memory_space<semaphore_mem>> -> memref<1x!tpu.dma_semaphore, #tpu.memory_space<semaphore_mem>>
      %dma_wait3A_1401 = tpu.memref_squeeze %dma_wait3A_1400 : memref<1x!tpu.dma_semaphore, #tpu.memory_space<semaphore_mem>> -> memref<!tpu.dma_semaphore, #tpu.memory_space<semaphore_mem>>
      %dma_wait3A_1402 = arith.constant 0 : i32
      %dma_wait3A_1403 = tpu.memref_slice %arg4[%add3A_1391, %dma_wait3A_1402] : memref<819200x64xf32, #tpu.memory_space<hbm>> -> memref<128x64xf32, #tpu.memory_space<hbm>>
      %dma_wait3A_1404 = arith.constant 0 : i32
      %dma_wait3A_1405 = arith.constant 0 : i32
      %dma_wait3A_1406 = tpu.memref_slice %arg6[%dma_wait3A_1392, %dma_wait3A_1404, %dma_wait3A_1405] : memref<8x128x64xf32, #tpu.memory_space<vmem>> -> memref<1x128x64xf32, #tpu.memory_space<vmem>>
      %dma_wait3A_1407 = tpu.memref_squeeze %dma_wait3A_1406 : memref<1x128x64xf32, #tpu.memory_space<vmem>> -> memref<128x64xf32, #tpu.memory_space<vmem>>
      tpu.wait_dma2 semaphore(%dma_wait3A_1401 : memref<!tpu.dma_semaphore, #tpu.memory_space<semaphore_mem>>) src(%dma_wait3A_1407 : memref<128x64xf32, #tpu.memory_space<vmem>>) dst(%dma_wait3A_1403 : memref<128x64xf32, #tpu.memory_space<hbm>>)
      %add3A_1408 = arith.constant 4 : i32
      %add3A_1409 = arith.addi %add3A_1353, %add3A_1408 : i32
      %dma_start3A_1410 = arith.constant 0 : i32
      %dma_start3A_1411 = arith.constant 0 : i32
      %dma_start3A_1412 = arith.constant 0 : i32
      %dma_start3A_1413 = arith.constant 0 : i32
      %dma_start3A_1414 = tpu.memref_slice %arg6[%dma_start3A_1410, %dma_start3A_1412, %dma_start3A_1413] : memref<8x128x64xf32, #tpu.memory_space<vmem>> -> memref<1x128x64xf32, #tpu.memory_space<vmem>>
      %dma_start3A_1415 = tpu.memref_squeeze %dma_start3A_1414 : memref<1x128x64xf32, #tpu.memory_space<vmem>> -> memref<128x64xf32, #tpu.memory_space<vmem>>
      %dma_start3A_1416 = arith.constant 0 : i32
      %dma_start3A_1417 = tpu.memref_slice %arg5[%add3A_1409, %dma_start3A_1416] : memref<200x128xi32, #tpu.memory_space<vmem>> -> memref<1x128xi32, #tpu.memory_space<vmem>>
      %dma_start3A_1418 = tpu.memref_squeeze %dma_start3A_1417 : memref<1x128xi32, #tpu.memory_space<vmem>> -> memref<128xi32, #tpu.memory_space<vmem>>
      %dma_start3A_1419 = arith.constant 0 : i32
      %dma_start3A_1420 = arith.constant 0 : i32
      %dma_start3A_1421 = tpu.memref_slice %arg3[%dma_start3A_1419, %dma_start3A_1420] : memref<1000000x64xf32, #tpu.memory_space<hbm>> -> memref<1000000x64xf32, #tpu.memory_space<hbm>>
      %dma_start3A_1422 = tpu.memref_slice %arg7[%dma_start3A_1411] : memref<8x!tpu.dma_semaphore, #tpu.memory_space<semaphore_mem>> -> memref<1x!tpu.dma_semaphore, #tpu.memory_space<semaphore_mem>>
      %dma_start3A_1423 = tpu.memref_squeeze %dma_start3A_1422 : memref<1x!tpu.dma_semaphore, #tpu.memory_space<semaphore_mem>> -> memref<!tpu.dma_semaphore, #tpu.memory_space<semaphore_mem>>
      tpu.enqueue_indirect_dma source(%dma_start3A_1421 : memref<1000000x64xf32, #tpu.memory_space<hbm>>) target(%dma_start3A_1415 : memref<128x64xf32, #tpu.memory_space<vmem>>) offsets(%dma_start3A_1418 : memref<128xi32, #tpu.memory_space<vmem>>) semaphore(%dma_start3A_1423 : memref<!tpu.dma_semaphore, #tpu.memory_space<semaphore_mem>>)
      %add3A_1424 = arith.constant 5 : i32
      %add3A_1425 = arith.addi %mul3A_1064, %add3A_1424 : i32
      %dma_wait3A_1426 = arith.constant 5 : i32
      %dma_wait3A_1427 = arith.constant 5 : i32
      %dma_wait3A_1428 = arith.constant 0 : i32
      %dma_wait3A_1429 = arith.constant 0 : i32
      %dma_wait3A_1430 = tpu.memref_slice %arg6[%dma_wait3A_1426, %dma_wait3A_1428, %dma_wait3A_1429] : memref<8x128x64xf32, #tpu.memory_space<vmem>> -> memref<1x128x64xf32, #tpu.memory_space<vmem>>
      %dma_wait3A_1431 = tpu.memref_squeeze %dma_wait3A_1430 : memref<1x128x64xf32, #tpu.memory_space<vmem>> -> memref<128x64xf32, #tpu.memory_space<vmem>>
      %dma_wait3A_1432 = arith.constant 0 : i32
      %dma_wait3A_1433 = tpu.memref_slice %arg5[%add3A_1425, %dma_wait3A_1432] : memref<200x128xi32, #tpu.memory_space<vmem>> -> memref<1x128xi32, #tpu.memory_space<vmem>>
      %dma_wait3A_1434 = tpu.memref_squeeze %dma_wait3A_1433 : memref<1x128xi32, #tpu.memory_space<vmem>> -> memref<128xi32, #tpu.memory_space<vmem>>
      %dma_wait3A_1435 = arith.constant 0 : i32
      %dma_wait3A_1436 = arith.constant 0 : i32
      %dma_wait3A_1437 = tpu.memref_slice %arg3[%dma_wait3A_1435, %dma_wait3A_1436] : memref<1000000x64xf32, #tpu.memory_space<hbm>> -> memref<1000000x64xf32, #tpu.memory_space<hbm>>
      %dma_wait3A_1438 = tpu.memref_slice %arg7[%dma_wait3A_1427] : memref<8x!tpu.dma_semaphore, #tpu.memory_space<semaphore_mem>> -> memref<1x!tpu.dma_semaphore, #tpu.memory_space<semaphore_mem>>
      %dma_wait3A_1439 = tpu.memref_squeeze %dma_wait3A_1438 : memref<1x!tpu.dma_semaphore, #tpu.memory_space<semaphore_mem>> -> memref<!tpu.dma_semaphore, #tpu.memory_space<semaphore_mem>>
      tpu.wait_indirect_dma semaphore(%dma_wait3A_1439 : memref<!tpu.dma_semaphore, #tpu.memory_space<semaphore_mem>>) src(%dma_wait3A_1437 : memref<1000000x64xf32, #tpu.memory_space<hbm>>) dst(%dma_wait3A_1431 : memref<128x64xf32, #tpu.memory_space<vmem>>)
      %mul3A_1440 = arith.constant 128 : i32
      %mul3A_1441 = arith.muli %add3A_1425, %mul3A_1440 : i32
      %add3A_1442 = arith.addi %mul3A_2, %mul3A_1441 : i32
      %dma_start3A_1443 = arith.constant 5 : i32
      %dma_start3A_1444 = arith.constant 5 : i32
      %dma_start3A_1445 = arith.constant 0 : i32
      %dma_start3A_1446 = arith.constant 0 : i32
      %dma_start3A_1447 = tpu.memref_slice %arg6[%dma_start3A_1443, %dma_start3A_1445, %dma_start3A_1446] : memref<8x128x64xf32, #tpu.memory_space<vmem>> -> memref<1x128x64xf32, #tpu.memory_space<vmem>>
      %dma_start3A_1448 = tpu.memref_squeeze %dma_start3A_1447 : memref<1x128x64xf32, #tpu.memory_space<vmem>> -> memref<128x64xf32, #tpu.memory_space<vmem>>
      %dma_start3A_1449 = arith.constant 0 : i32
      %dma_start3A_1450 = tpu.memref_slice %arg4[%add3A_1442, %dma_start3A_1449] : memref<819200x64xf32, #tpu.memory_space<hbm>> -> memref<128x64xf32, #tpu.memory_space<hbm>>
      %dma_start3A_1451 = tpu.memref_slice %arg8[%dma_start3A_1444] : memref<8x!tpu.dma_semaphore, #tpu.memory_space<semaphore_mem>> -> memref<1x!tpu.dma_semaphore, #tpu.memory_space<semaphore_mem>>
      %dma_start3A_1452 = tpu.memref_squeeze %dma_start3A_1451 : memref<1x!tpu.dma_semaphore, #tpu.memory_space<semaphore_mem>> -> memref<!tpu.dma_semaphore, #tpu.memory_space<semaphore_mem>>
      %dma_start3A_1453 = arith.constant 0 : i32
      %dma_start3A_1454 = tpu.memref_slice %arg4[%add3A_1442, %dma_start3A_1453] : memref<819200x64xf32, #tpu.memory_space<hbm>> -> memref<128x64xf32, #tpu.memory_space<hbm>>
      %dma_start3A_1455 = arith.constant 0 : i32
      %dma_start3A_1456 = arith.constant 0 : i32
      %dma_start3A_1457 = tpu.memref_slice %arg6[%dma_start3A_1443, %dma_start3A_1455, %dma_start3A_1456] : memref<8x128x64xf32, #tpu.memory_space<vmem>> -> memref<1x128x64xf32, #tpu.memory_space<vmem>>
      %dma_start3A_1458 = tpu.memref_squeeze %dma_start3A_1457 : memref<1x128x64xf32, #tpu.memory_space<vmem>> -> memref<128x64xf32, #tpu.memory_space<vmem>>
      tpu.enqueue_dma source(%dma_start3A_1458 : memref<128x64xf32, #tpu.memory_space<vmem>>) target(%dma_start3A_1454 : memref<128x64xf32, #tpu.memory_space<hbm>>) target_semaphore(%dma_start3A_1452 : memref<!tpu.dma_semaphore, #tpu.memory_space<semaphore_mem>>)
      %sub3A_1459 = arith.constant 4 : i32
      %sub3A_1460 = arith.subi %add3A_1425, %sub3A_1459 : i32
      %mul3A_1461 = arith.constant 128 : i32
      %mul3A_1462 = arith.muli %sub3A_1460, %mul3A_1461 : i32
      %add3A_1463 = arith.addi %mul3A_2, %mul3A_1462 : i32
      %dma_wait3A_1464 = arith.constant 1 : i32
      %dma_wait3A_1465 = arith.constant 1 : i32
      %dma_wait3A_1466 = arith.constant 0 : i32
      %dma_wait3A_1467 = arith.constant 0 : i32
      %dma_wait3A_1468 = tpu.memref_slice %arg6[%dma_wait3A_1464, %dma_wait3A_1466, %dma_wait3A_1467] : memref<8x128x64xf32, #tpu.memory_space<vmem>> -> memref<1x128x64xf32, #tpu.memory_space<vmem>>
      %dma_wait3A_1469 = tpu.memref_squeeze %dma_wait3A_1468 : memref<1x128x64xf32, #tpu.memory_space<vmem>> -> memref<128x64xf32, #tpu.memory_space<vmem>>
      %dma_wait3A_1470 = arith.constant 0 : i32
      %dma_wait3A_1471 = tpu.memref_slice %arg4[%add3A_1463, %dma_wait3A_1470] : memref<819200x64xf32, #tpu.memory_space<hbm>> -> memref<128x64xf32, #tpu.memory_space<hbm>>
      %dma_wait3A_1472 = tpu.memref_slice %arg8[%dma_wait3A_1465] : memref<8x!tpu.dma_semaphore, #tpu.memory_space<semaphore_mem>> -> memref<1x!tpu.dma_semaphore, #tpu.memory_space<semaphore_mem>>
      %dma_wait3A_1473 = tpu.memref_squeeze %dma_wait3A_1472 : memref<1x!tpu.dma_semaphore, #tpu.memory_space<semaphore_mem>> -> memref<!tpu.dma_semaphore, #tpu.memory_space<semaphore_mem>>
      %dma_wait3A_1474 = arith.constant 0 : i32
      %dma_wait3A_1475 = tpu.memref_slice %arg4[%add3A_1463, %dma_wait3A_1474] : memref<819200x64xf32, #tpu.memory_space<hbm>> -> memref<128x64xf32, #tpu.memory_space<hbm>>
      %dma_wait3A_1476 = arith.constant 0 : i32
      %dma_wait3A_1477 = arith.constant 0 : i32
      %dma_wait3A_1478 = tpu.memref_slice %arg6[%dma_wait3A_1464, %dma_wait3A_1476, %dma_wait3A_1477] : memref<8x128x64xf32, #tpu.memory_space<vmem>> -> memref<1x128x64xf32, #tpu.memory_space<vmem>>
      %dma_wait3A_1479 = tpu.memref_squeeze %dma_wait3A_1478 : memref<1x128x64xf32, #tpu.memory_space<vmem>> -> memref<128x64xf32, #tpu.memory_space<vmem>>
      tpu.wait_dma2 semaphore(%dma_wait3A_1473 : memref<!tpu.dma_semaphore, #tpu.memory_space<semaphore_mem>>) src(%dma_wait3A_1479 : memref<128x64xf32, #tpu.memory_space<vmem>>) dst(%dma_wait3A_1475 : memref<128x64xf32, #tpu.memory_space<hbm>>)
      %add3A_1480 = arith.constant 4 : i32
      %add3A_1481 = arith.addi %add3A_1425, %add3A_1480 : i32
      %dma_start3A_1482 = arith.constant 1 : i32
      %dma_start3A_1483 = arith.constant 1 : i32
      %dma_start3A_1484 = arith.constant 0 : i32
      %dma_start3A_1485 = arith.constant 0 : i32
      %dma_start3A_1486 = tpu.memref_slice %arg6[%dma_start3A_1482, %dma_start3A_1484, %dma_start3A_1485] : memref<8x128x64xf32, #tpu.memory_space<vmem>> -> memref<1x128x64xf32, #tpu.memory_space<vmem>>
      %dma_start3A_1487 = tpu.memref_squeeze %dma_start3A_1486 : memref<1x128x64xf32, #tpu.memory_space<vmem>> -> memref<128x64xf32, #tpu.memory_space<vmem>>
      %dma_start3A_1488 = arith.constant 0 : i32
      %dma_start3A_1489 = tpu.memref_slice %arg5[%add3A_1481, %dma_start3A_1488] : memref<200x128xi32, #tpu.memory_space<vmem>> -> memref<1x128xi32, #tpu.memory_space<vmem>>
      %dma_start3A_1490 = tpu.memref_squeeze %dma_start3A_1489 : memref<1x128xi32, #tpu.memory_space<vmem>> -> memref<128xi32, #tpu.memory_space<vmem>>
      %dma_start3A_1491 = arith.constant 0 : i32
      %dma_start3A_1492 = arith.constant 0 : i32
      %dma_start3A_1493 = tpu.memref_slice %arg3[%dma_start3A_1491, %dma_start3A_1492] : memref<1000000x64xf32, #tpu.memory_space<hbm>> -> memref<1000000x64xf32, #tpu.memory_space<hbm>>
      %dma_start3A_1494 = tpu.memref_slice %arg7[%dma_start3A_1483] : memref<8x!tpu.dma_semaphore, #tpu.memory_space<semaphore_mem>> -> memref<1x!tpu.dma_semaphore, #tpu.memory_space<semaphore_mem>>
      %dma_start3A_1495 = tpu.memref_squeeze %dma_start3A_1494 : memref<1x!tpu.dma_semaphore, #tpu.memory_space<semaphore_mem>> -> memref<!tpu.dma_semaphore, #tpu.memory_space<semaphore_mem>>
      tpu.enqueue_indirect_dma source(%dma_start3A_1493 : memref<1000000x64xf32, #tpu.memory_space<hbm>>) target(%dma_start3A_1487 : memref<128x64xf32, #tpu.memory_space<vmem>>) offsets(%dma_start3A_1490 : memref<128xi32, #tpu.memory_space<vmem>>) semaphore(%dma_start3A_1495 : memref<!tpu.dma_semaphore, #tpu.memory_space<semaphore_mem>>)
      %add3A_1496 = arith.constant 6 : i32
      %add3A_1497 = arith.addi %mul3A_1064, %add3A_1496 : i32
      %dma_wait3A_1498 = arith.constant 6 : i32
      %dma_wait3A_1499 = arith.constant 6 : i32
      %dma_wait3A_1500 = arith.constant 0 : i32
      %dma_wait3A_1501 = arith.constant 0 : i32
      %dma_wait3A_1502 = tpu.memref_slice %arg6[%dma_wait3A_1498, %dma_wait3A_1500, %dma_wait3A_1501] : memref<8x128x64xf32, #tpu.memory_space<vmem>> -> memref<1x128x64xf32, #tpu.memory_space<vmem>>
      %dma_wait3A_1503 = tpu.memref_squeeze %dma_wait3A_1502 : memref<1x128x64xf32, #tpu.memory_space<vmem>> -> memref<128x64xf32, #tpu.memory_space<vmem>>
      %dma_wait3A_1504 = arith.constant 0 : i32
      %dma_wait3A_1505 = tpu.memref_slice %arg5[%add3A_1497, %dma_wait3A_1504] : memref<200x128xi32, #tpu.memory_space<vmem>> -> memref<1x128xi32, #tpu.memory_space<vmem>>
      %dma_wait3A_1506 = tpu.memref_squeeze %dma_wait3A_1505 : memref<1x128xi32, #tpu.memory_space<vmem>> -> memref<128xi32, #tpu.memory_space<vmem>>
      %dma_wait3A_1507 = arith.constant 0 : i32
      %dma_wait3A_1508 = arith.constant 0 : i32
      %dma_wait3A_1509 = tpu.memref_slice %arg3[%dma_wait3A_1507, %dma_wait3A_1508] : memref<1000000x64xf32, #tpu.memory_space<hbm>> -> memref<1000000x64xf32, #tpu.memory_space<hbm>>
      %dma_wait3A_1510 = tpu.memref_slice %arg7[%dma_wait3A_1499] : memref<8x!tpu.dma_semaphore, #tpu.memory_space<semaphore_mem>> -> memref<1x!tpu.dma_semaphore, #tpu.memory_space<semaphore_mem>>
      %dma_wait3A_1511 = tpu.memref_squeeze %dma_wait3A_1510 : memref<1x!tpu.dma_semaphore, #tpu.memory_space<semaphore_mem>> -> memref<!tpu.dma_semaphore, #tpu.memory_space<semaphore_mem>>
      tpu.wait_indirect_dma semaphore(%dma_wait3A_1511 : memref<!tpu.dma_semaphore, #tpu.memory_space<semaphore_mem>>) src(%dma_wait3A_1509 : memref<1000000x64xf32, #tpu.memory_space<hbm>>) dst(%dma_wait3A_1503 : memref<128x64xf32, #tpu.memory_space<vmem>>)
      %mul3A_1512 = arith.constant 128 : i32
      %mul3A_1513 = arith.muli %add3A_1497, %mul3A_1512 : i32
      %add3A_1514 = arith.addi %mul3A_2, %mul3A_1513 : i32
      %dma_start3A_1515 = arith.constant 6 : i32
      %dma_start3A_1516 = arith.constant 6 : i32
      %dma_start3A_1517 = arith.constant 0 : i32
      %dma_start3A_1518 = arith.constant 0 : i32
      %dma_start3A_1519 = tpu.memref_slice %arg6[%dma_start3A_1515, %dma_start3A_1517, %dma_start3A_1518] : memref<8x128x64xf32, #tpu.memory_space<vmem>> -> memref<1x128x64xf32, #tpu.memory_space<vmem>>
      %dma_start3A_1520 = tpu.memref_squeeze %dma_start3A_1519 : memref<1x128x64xf32, #tpu.memory_space<vmem>> -> memref<128x64xf32, #tpu.memory_space<vmem>>
      %dma_start3A_1521 = arith.constant 0 : i32
      %dma_start3A_1522 = tpu.memref_slice %arg4[%add3A_1514, %dma_start3A_1521] : memref<819200x64xf32, #tpu.memory_space<hbm>> -> memref<128x64xf32, #tpu.memory_space<hbm>>
      %dma_start3A_1523 = tpu.memref_slice %arg8[%dma_start3A_1516] : memref<8x!tpu.dma_semaphore, #tpu.memory_space<semaphore_mem>> -> memref<1x!tpu.dma_semaphore, #tpu.memory_space<semaphore_mem>>
      %dma_start3A_1524 = tpu.memref_squeeze %dma_start3A_1523 : memref<1x!tpu.dma_semaphore, #tpu.memory_space<semaphore_mem>> -> memref<!tpu.dma_semaphore, #tpu.memory_space<semaphore_mem>>
      %dma_start3A_1525 = arith.constant 0 : i32
      %dma_start3A_1526 = tpu.memref_slice %arg4[%add3A_1514, %dma_start3A_1525] : memref<819200x64xf32, #tpu.memory_space<hbm>> -> memref<128x64xf32, #tpu.memory_space<hbm>>
      %dma_start3A_1527 = arith.constant 0 : i32
      %dma_start3A_1528 = arith.constant 0 : i32
      %dma_start3A_1529 = tpu.memref_slice %arg6[%dma_start3A_1515, %dma_start3A_1527, %dma_start3A_1528] : memref<8x128x64xf32, #tpu.memory_space<vmem>> -> memref<1x128x64xf32, #tpu.memory_space<vmem>>
      %dma_start3A_1530 = tpu.memref_squeeze %dma_start3A_1529 : memref<1x128x64xf32, #tpu.memory_space<vmem>> -> memref<128x64xf32, #tpu.memory_space<vmem>>
      tpu.enqueue_dma source(%dma_start3A_1530 : memref<128x64xf32, #tpu.memory_space<vmem>>) target(%dma_start3A_1526 : memref<128x64xf32, #tpu.memory_space<hbm>>) target_semaphore(%dma_start3A_1524 : memref<!tpu.dma_semaphore, #tpu.memory_space<semaphore_mem>>)
      %sub3A_1531 = arith.constant 4 : i32
      %sub3A_1532 = arith.subi %add3A_1497, %sub3A_1531 : i32
      %mul3A_1533 = arith.constant 128 : i32
      %mul3A_1534 = arith.muli %sub3A_1532, %mul3A_1533 : i32
      %add3A_1535 = arith.addi %mul3A_2, %mul3A_1534 : i32
      %dma_wait3A_1536 = arith.constant 2 : i32
      %dma_wait3A_1537 = arith.constant 2 : i32
      %dma_wait3A_1538 = arith.constant 0 : i32
      %dma_wait3A_1539 = arith.constant 0 : i32
      %dma_wait3A_1540 = tpu.memref_slice %arg6[%dma_wait3A_1536, %dma_wait3A_1538, %dma_wait3A_1539] : memref<8x128x64xf32, #tpu.memory_space<vmem>> -> memref<1x128x64xf32, #tpu.memory_space<vmem>>
      %dma_wait3A_1541 = tpu.memref_squeeze %dma_wait3A_1540 : memref<1x128x64xf32, #tpu.memory_space<vmem>> -> memref<128x64xf32, #tpu.memory_space<vmem>>
      %dma_wait3A_1542 = arith.constant 0 : i32
      %dma_wait3A_1543 = tpu.memref_slice %arg4[%add3A_1535, %dma_wait3A_1542] : memref<819200x64xf32, #tpu.memory_space<hbm>> -> memref<128x64xf32, #tpu.memory_space<hbm>>
      %dma_wait3A_1544 = tpu.memref_slice %arg8[%dma_wait3A_1537] : memref<8x!tpu.dma_semaphore, #tpu.memory_space<semaphore_mem>> -> memref<1x!tpu.dma_semaphore, #tpu.memory_space<semaphore_mem>>
      %dma_wait3A_1545 = tpu.memref_squeeze %dma_wait3A_1544 : memref<1x!tpu.dma_semaphore, #tpu.memory_space<semaphore_mem>> -> memref<!tpu.dma_semaphore, #tpu.memory_space<semaphore_mem>>
      %dma_wait3A_1546 = arith.constant 0 : i32
      %dma_wait3A_1547 = tpu.memref_slice %arg4[%add3A_1535, %dma_wait3A_1546] : memref<819200x64xf32, #tpu.memory_space<hbm>> -> memref<128x64xf32, #tpu.memory_space<hbm>>
      %dma_wait3A_1548 = arith.constant 0 : i32
      %dma_wait3A_1549 = arith.constant 0 : i32
      %dma_wait3A_1550 = tpu.memref_slice %arg6[%dma_wait3A_1536, %dma_wait3A_1548, %dma_wait3A_1549] : memref<8x128x64xf32, #tpu.memory_space<vmem>> -> memref<1x128x64xf32, #tpu.memory_space<vmem>>
      %dma_wait3A_1551 = tpu.memref_squeeze %dma_wait3A_1550 : memref<1x128x64xf32, #tpu.memory_space<vmem>> -> memref<128x64xf32, #tpu.memory_space<vmem>>
      tpu.wait_dma2 semaphore(%dma_wait3A_1545 : memref<!tpu.dma_semaphore, #tpu.memory_space<semaphore_mem>>) src(%dma_wait3A_1551 : memref<128x64xf32, #tpu.memory_space<vmem>>) dst(%dma_wait3A_1547 : memref<128x64xf32, #tpu.memory_space<hbm>>)
      %add3A_1552 = arith.constant 4 : i32
      %add3A_1553 = arith.addi %add3A_1497, %add3A_1552 : i32
      %dma_start3A_1554 = arith.constant 2 : i32
      %dma_start3A_1555 = arith.constant 2 : i32
      %dma_start3A_1556 = arith.constant 0 : i32
      %dma_start3A_1557 = arith.constant 0 : i32
      %dma_start3A_1558 = tpu.memref_slice %arg6[%dma_start3A_1554, %dma_start3A_1556, %dma_start3A_1557] : memref<8x128x64xf32, #tpu.memory_space<vmem>> -> memref<1x128x64xf32, #tpu.memory_space<vmem>>
      %dma_start3A_1559 = tpu.memref_squeeze %dma_start3A_1558 : memref<1x128x64xf32, #tpu.memory_space<vmem>> -> memref<128x64xf32, #tpu.memory_space<vmem>>
      %dma_start3A_1560 = arith.constant 0 : i32
      %dma_start3A_1561 = tpu.memref_slice %arg5[%add3A_1553, %dma_start3A_1560] : memref<200x128xi32, #tpu.memory_space<vmem>> -> memref<1x128xi32, #tpu.memory_space<vmem>>
      %dma_start3A_1562 = tpu.memref_squeeze %dma_start3A_1561 : memref<1x128xi32, #tpu.memory_space<vmem>> -> memref<128xi32, #tpu.memory_space<vmem>>
      %dma_start3A_1563 = arith.constant 0 : i32
      %dma_start3A_1564 = arith.constant 0 : i32
      %dma_start3A_1565 = tpu.memref_slice %arg3[%dma_start3A_1563, %dma_start3A_1564] : memref<1000000x64xf32, #tpu.memory_space<hbm>> -> memref<1000000x64xf32, #tpu.memory_space<hbm>>
      %dma_start3A_1566 = tpu.memref_slice %arg7[%dma_start3A_1555] : memref<8x!tpu.dma_semaphore, #tpu.memory_space<semaphore_mem>> -> memref<1x!tpu.dma_semaphore, #tpu.memory_space<semaphore_mem>>
      %dma_start3A_1567 = tpu.memref_squeeze %dma_start3A_1566 : memref<1x!tpu.dma_semaphore, #tpu.memory_space<semaphore_mem>> -> memref<!tpu.dma_semaphore, #tpu.memory_space<semaphore_mem>>
      tpu.enqueue_indirect_dma source(%dma_start3A_1565 : memref<1000000x64xf32, #tpu.memory_space<hbm>>) target(%dma_start3A_1559 : memref<128x64xf32, #tpu.memory_space<vmem>>) offsets(%dma_start3A_1562 : memref<128xi32, #tpu.memory_space<vmem>>) semaphore(%dma_start3A_1567 : memref<!tpu.dma_semaphore, #tpu.memory_space<semaphore_mem>>)
      %add3A_1568 = arith.constant 7 : i32
      %add3A_1569 = arith.addi %mul3A_1064, %add3A_1568 : i32
      %dma_wait3A_1570 = arith.constant 7 : i32
      %dma_wait3A_1571 = arith.constant 7 : i32
      %dma_wait3A_1572 = arith.constant 0 : i32
      %dma_wait3A_1573 = arith.constant 0 : i32
      %dma_wait3A_1574 = tpu.memref_slice %arg6[%dma_wait3A_1570, %dma_wait3A_1572, %dma_wait3A_1573] : memref<8x128x64xf32, #tpu.memory_space<vmem>> -> memref<1x128x64xf32, #tpu.memory_space<vmem>>
      %dma_wait3A_1575 = tpu.memref_squeeze %dma_wait3A_1574 : memref<1x128x64xf32, #tpu.memory_space<vmem>> -> memref<128x64xf32, #tpu.memory_space<vmem>>
      %dma_wait3A_1576 = arith.constant 0 : i32
      %dma_wait3A_1577 = tpu.memref_slice %arg5[%add3A_1569, %dma_wait3A_1576] : memref<200x128xi32, #tpu.memory_space<vmem>> -> memref<1x128xi32, #tpu.memory_space<vmem>>
      %dma_wait3A_1578 = tpu.memref_squeeze %dma_wait3A_1577 : memref<1x128xi32, #tpu.memory_space<vmem>> -> memref<128xi32, #tpu.memory_space<vmem>>
      %dma_wait3A_1579 = arith.constant 0 : i32
      %dma_wait3A_1580 = arith.constant 0 : i32
      %dma_wait3A_1581 = tpu.memref_slice %arg3[%dma_wait3A_1579, %dma_wait3A_1580] : memref<1000000x64xf32, #tpu.memory_space<hbm>> -> memref<1000000x64xf32, #tpu.memory_space<hbm>>
      %dma_wait3A_1582 = tpu.memref_slice %arg7[%dma_wait3A_1571] : memref<8x!tpu.dma_semaphore, #tpu.memory_space<semaphore_mem>> -> memref<1x!tpu.dma_semaphore, #tpu.memory_space<semaphore_mem>>
      %dma_wait3A_1583 = tpu.memref_squeeze %dma_wait3A_1582 : memref<1x!tpu.dma_semaphore, #tpu.memory_space<semaphore_mem>> -> memref<!tpu.dma_semaphore, #tpu.memory_space<semaphore_mem>>
      tpu.wait_indirect_dma semaphore(%dma_wait3A_1583 : memref<!tpu.dma_semaphore, #tpu.memory_space<semaphore_mem>>) src(%dma_wait3A_1581 : memref<1000000x64xf32, #tpu.memory_space<hbm>>) dst(%dma_wait3A_1575 : memref<128x64xf32, #tpu.memory_space<vmem>>)
      %mul3A_1584 = arith.constant 128 : i32
      %mul3A_1585 = arith.muli %add3A_1569, %mul3A_1584 : i32
      %add3A_1586 = arith.addi %mul3A_2, %mul3A_1585 : i32
      %dma_start3A_1587 = arith.constant 7 : i32
      %dma_start3A_1588 = arith.constant 7 : i32
      %dma_start3A_1589 = arith.constant 0 : i32
      %dma_start3A_1590 = arith.constant 0 : i32
      %dma_start3A_1591 = tpu.memref_slice %arg6[%dma_start3A_1587, %dma_start3A_1589, %dma_start3A_1590] : memref<8x128x64xf32, #tpu.memory_space<vmem>> -> memref<1x128x64xf32, #tpu.memory_space<vmem>>
      %dma_start3A_1592 = tpu.memref_squeeze %dma_start3A_1591 : memref<1x128x64xf32, #tpu.memory_space<vmem>> -> memref<128x64xf32, #tpu.memory_space<vmem>>
      %dma_start3A_1593 = arith.constant 0 : i32
      %dma_start3A_1594 = tpu.memref_slice %arg4[%add3A_1586, %dma_start3A_1593] : memref<819200x64xf32, #tpu.memory_space<hbm>> -> memref<128x64xf32, #tpu.memory_space<hbm>>
      %dma_start3A_1595 = tpu.memref_slice %arg8[%dma_start3A_1588] : memref<8x!tpu.dma_semaphore, #tpu.memory_space<semaphore_mem>> -> memref<1x!tpu.dma_semaphore, #tpu.memory_space<semaphore_mem>>
      %dma_start3A_1596 = tpu.memref_squeeze %dma_start3A_1595 : memref<1x!tpu.dma_semaphore, #tpu.memory_space<semaphore_mem>> -> memref<!tpu.dma_semaphore, #tpu.memory_space<semaphore_mem>>
      %dma_start3A_1597 = arith.constant 0 : i32
      %dma_start3A_1598 = tpu.memref_slice %arg4[%add3A_1586, %dma_start3A_1597] : memref<819200x64xf32, #tpu.memory_space<hbm>> -> memref<128x64xf32, #tpu.memory_space<hbm>>
      %dma_start3A_1599 = arith.constant 0 : i32
      %dma_start3A_1600 = arith.constant 0 : i32
      %dma_start3A_1601 = tpu.memref_slice %arg6[%dma_start3A_1587, %dma_start3A_1599, %dma_start3A_1600] : memref<8x128x64xf32, #tpu.memory_space<vmem>> -> memref<1x128x64xf32, #tpu.memory_space<vmem>>
      %dma_start3A_1602 = tpu.memref_squeeze %dma_start3A_1601 : memref<1x128x64xf32, #tpu.memory_space<vmem>> -> memref<128x64xf32, #tpu.memory_space<vmem>>
      tpu.enqueue_dma source(%dma_start3A_1602 : memref<128x64xf32, #tpu.memory_space<vmem>>) target(%dma_start3A_1598 : memref<128x64xf32, #tpu.memory_space<hbm>>) target_semaphore(%dma_start3A_1596 : memref<!tpu.dma_semaphore, #tpu.memory_space<semaphore_mem>>)
      %sub3A_1603 = arith.constant 4 : i32
      %sub3A_1604 = arith.subi %add3A_1569, %sub3A_1603 : i32
      %mul3A_1605 = arith.constant 128 : i32
      %mul3A_1606 = arith.muli %sub3A_1604, %mul3A_1605 : i32
      %add3A_1607 = arith.addi %mul3A_2, %mul3A_1606 : i32
      %dma_wait3A_1608 = arith.constant 3 : i32
      %dma_wait3A_1609 = arith.constant 3 : i32
      %dma_wait3A_1610 = arith.constant 0 : i32
      %dma_wait3A_1611 = arith.constant 0 : i32
      %dma_wait3A_1612 = tpu.memref_slice %arg6[%dma_wait3A_1608, %dma_wait3A_1610, %dma_wait3A_1611] : memref<8x128x64xf32, #tpu.memory_space<vmem>> -> memref<1x128x64xf32, #tpu.memory_space<vmem>>
      %dma_wait3A_1613 = tpu.memref_squeeze %dma_wait3A_1612 : memref<1x128x64xf32, #tpu.memory_space<vmem>> -> memref<128x64xf32, #tpu.memory_space<vmem>>
      %dma_wait3A_1614 = arith.constant 0 : i32
      %dma_wait3A_1615 = tpu.memref_slice %arg4[%add3A_1607, %dma_wait3A_1614] : memref<819200x64xf32, #tpu.memory_space<hbm>> -> memref<128x64xf32, #tpu.memory_space<hbm>>
      %dma_wait3A_1616 = tpu.memref_slice %arg8[%dma_wait3A_1609] : memref<8x!tpu.dma_semaphore, #tpu.memory_space<semaphore_mem>> -> memref<1x!tpu.dma_semaphore, #tpu.memory_space<semaphore_mem>>
      %dma_wait3A_1617 = tpu.memref_squeeze %dma_wait3A_1616 : memref<1x!tpu.dma_semaphore, #tpu.memory_space<semaphore_mem>> -> memref<!tpu.dma_semaphore, #tpu.memory_space<semaphore_mem>>
      %dma_wait3A_1618 = arith.constant 0 : i32
      %dma_wait3A_1619 = tpu.memref_slice %arg4[%add3A_1607, %dma_wait3A_1618] : memref<819200x64xf32, #tpu.memory_space<hbm>> -> memref<128x64xf32, #tpu.memory_space<hbm>>
      %dma_wait3A_1620 = arith.constant 0 : i32
      %dma_wait3A_1621 = arith.constant 0 : i32
      %dma_wait3A_1622 = tpu.memref_slice %arg6[%dma_wait3A_1608, %dma_wait3A_1620, %dma_wait3A_1621] : memref<8x128x64xf32, #tpu.memory_space<vmem>> -> memref<1x128x64xf32, #tpu.memory_space<vmem>>
      %dma_wait3A_1623 = tpu.memref_squeeze %dma_wait3A_1622 : memref<1x128x64xf32, #tpu.memory_space<vmem>> -> memref<128x64xf32, #tpu.memory_space<vmem>>
      tpu.wait_dma2 semaphore(%dma_wait3A_1617 : memref<!tpu.dma_semaphore, #tpu.memory_space<semaphore_mem>>) src(%dma_wait3A_1623 : memref<128x64xf32, #tpu.memory_space<vmem>>) dst(%dma_wait3A_1619 : memref<128x64xf32, #tpu.memory_space<hbm>>)
      %add3A_1624 = arith.constant 4 : i32
      %add3A_1625 = arith.addi %add3A_1569, %add3A_1624 : i32
      %dma_start3A_1626 = arith.constant 3 : i32
      %dma_start3A_1627 = arith.constant 3 : i32
      %dma_start3A_1628 = arith.constant 0 : i32
      %dma_start3A_1629 = arith.constant 0 : i32
      %dma_start3A_1630 = tpu.memref_slice %arg6[%dma_start3A_1626, %dma_start3A_1628, %dma_start3A_1629] : memref<8x128x64xf32, #tpu.memory_space<vmem>> -> memref<1x128x64xf32, #tpu.memory_space<vmem>>
      %dma_start3A_1631 = tpu.memref_squeeze %dma_start3A_1630 : memref<1x128x64xf32, #tpu.memory_space<vmem>> -> memref<128x64xf32, #tpu.memory_space<vmem>>
      %dma_start3A_1632 = arith.constant 0 : i32
      %dma_start3A_1633 = tpu.memref_slice %arg5[%add3A_1625, %dma_start3A_1632] : memref<200x128xi32, #tpu.memory_space<vmem>> -> memref<1x128xi32, #tpu.memory_space<vmem>>
      %dma_start3A_1634 = tpu.memref_squeeze %dma_start3A_1633 : memref<1x128xi32, #tpu.memory_space<vmem>> -> memref<128xi32, #tpu.memory_space<vmem>>
      %dma_start3A_1635 = arith.constant 0 : i32
      %dma_start3A_1636 = arith.constant 0 : i32
      %dma_start3A_1637 = tpu.memref_slice %arg3[%dma_start3A_1635, %dma_start3A_1636] : memref<1000000x64xf32, #tpu.memory_space<hbm>> -> memref<1000000x64xf32, #tpu.memory_space<hbm>>
      %dma_start3A_1638 = tpu.memref_slice %arg7[%dma_start3A_1627] : memref<8x!tpu.dma_semaphore, #tpu.memory_space<semaphore_mem>> -> memref<1x!tpu.dma_semaphore, #tpu.memory_space<semaphore_mem>>
      %dma_start3A_1639 = tpu.memref_squeeze %dma_start3A_1638 : memref<1x!tpu.dma_semaphore, #tpu.memory_space<semaphore_mem>> -> memref<!tpu.dma_semaphore, #tpu.memory_space<semaphore_mem>>
      tpu.enqueue_indirect_dma source(%dma_start3A_1637 : memref<1000000x64xf32, #tpu.memory_space<hbm>>) target(%dma_start3A_1631 : memref<128x64xf32, #tpu.memory_space<vmem>>) offsets(%dma_start3A_1634 : memref<128xi32, #tpu.memory_space<vmem>>) semaphore(%dma_start3A_1639 : memref<!tpu.dma_semaphore, #tpu.memory_space<semaphore_mem>>)
    }
    %scan3A_521 = arith.constant 23 : i32
    %dma_wait3A_522 = arith.constant 192 : i32
    %dma_wait3A_523 = arith.constant 0 : i32
    %dma_wait3A_524 = arith.constant 0 : i32
    %dma_wait3A_525 = arith.constant 0 : i32
    %dma_wait3A_526 = arith.constant 0 : i32
    %dma_wait3A_527 = tpu.memref_slice %arg6[%dma_wait3A_523, %dma_wait3A_525, %dma_wait3A_526] : memref<8x128x64xf32, #tpu.memory_space<vmem>> -> memref<1x128x64xf32, #tpu.memory_space<vmem>>
    %dma_wait3A_528 = tpu.memref_squeeze %dma_wait3A_527 : memref<1x128x64xf32, #tpu.memory_space<vmem>> -> memref<128x64xf32, #tpu.memory_space<vmem>>
    %dma_wait3A_529 = arith.constant 0 : i32
    %dma_wait3A_530 = tpu.memref_slice %arg5[%dma_wait3A_522, %dma_wait3A_529] : memref<200x128xi32, #tpu.memory_space<vmem>> -> memref<1x128xi32, #tpu.memory_space<vmem>>
    %dma_wait3A_531 = tpu.memref_squeeze %dma_wait3A_530 : memref<1x128xi32, #tpu.memory_space<vmem>> -> memref<128xi32, #tpu.memory_space<vmem>>
    %dma_wait3A_532 = arith.constant 0 : i32
    %dma_wait3A_533 = arith.constant 0 : i32
    %dma_wait3A_534 = tpu.memref_slice %arg3[%dma_wait3A_532, %dma_wait3A_533] : memref<1000000x64xf32, #tpu.memory_space<hbm>> -> memref<1000000x64xf32, #tpu.memory_space<hbm>>
    %dma_wait3A_535 = tpu.memref_slice %arg7[%dma_wait3A_524] : memref<8x!tpu.dma_semaphore, #tpu.memory_space<semaphore_mem>> -> memref<1x!tpu.dma_semaphore, #tpu.memory_space<semaphore_mem>>
    %dma_wait3A_536 = tpu.memref_squeeze %dma_wait3A_535 : memref<1x!tpu.dma_semaphore, #tpu.memory_space<semaphore_mem>> -> memref<!tpu.dma_semaphore, #tpu.memory_space<semaphore_mem>>
    tpu.wait_indirect_dma semaphore(%dma_wait3A_536 : memref<!tpu.dma_semaphore, #tpu.memory_space<semaphore_mem>>) src(%dma_wait3A_534 : memref<1000000x64xf32, #tpu.memory_space<hbm>>) dst(%dma_wait3A_528 : memref<128x64xf32, #tpu.memory_space<vmem>>)
    %add3A_537 = arith.constant 24576 : i32
    %add3A_538 = arith.addi %mul3A_2, %add3A_537 : i32
    %dma_start3A_539 = arith.constant 0 : i32
    %dma_start3A_540 = arith.constant 0 : i32
    %dma_start3A_541 = arith.constant 0 : i32
    %dma_start3A_542 = arith.constant 0 : i32
    %dma_start3A_543 = tpu.memref_slice %arg6[%dma_start3A_539, %dma_start3A_541, %dma_start3A_542] : memref<8x128x64xf32, #tpu.memory_space<vmem>> -> memref<1x128x64xf32, #tpu.memory_space<vmem>>
    %dma_start3A_544 = tpu.memref_squeeze %dma_start3A_543 : memref<1x128x64xf32, #tpu.memory_space<vmem>> -> memref<128x64xf32, #tpu.memory_space<vmem>>
    %dma_start3A_545 = arith.constant 0 : i32
    %dma_start3A_546 = tpu.memref_slice %arg4[%add3A_538, %dma_start3A_545] : memref<819200x64xf32, #tpu.memory_space<hbm>> -> memref<128x64xf32, #tpu.memory_space<hbm>>
    %dma_start3A_547 = tpu.memref_slice %arg8[%dma_start3A_540] : memref<8x!tpu.dma_semaphore, #tpu.memory_space<semaphore_mem>> -> memref<1x!tpu.dma_semaphore, #tpu.memory_space<semaphore_mem>>
    %dma_start3A_548 = tpu.memref_squeeze %dma_start3A_547 : memref<1x!tpu.dma_semaphore, #tpu.memory_space<semaphore_mem>> -> memref<!tpu.dma_semaphore, #tpu.memory_space<semaphore_mem>>
    %dma_start3A_549 = arith.constant 0 : i32
    %dma_start3A_550 = tpu.memref_slice %arg4[%add3A_538, %dma_start3A_549] : memref<819200x64xf32, #tpu.memory_space<hbm>> -> memref<128x64xf32, #tpu.memory_space<hbm>>
    %dma_start3A_551 = arith.constant 0 : i32
    %dma_start3A_552 = arith.constant 0 : i32
    %dma_start3A_553 = tpu.memref_slice %arg6[%dma_start3A_539, %dma_start3A_551, %dma_start3A_552] : memref<8x128x64xf32, #tpu.memory_space<vmem>> -> memref<1x128x64xf32, #tpu.memory_space<vmem>>
    %dma_start3A_554 = tpu.memref_squeeze %dma_start3A_553 : memref<1x128x64xf32, #tpu.memory_space<vmem>> -> memref<128x64xf32, #tpu.memory_space<vmem>>
    tpu.enqueue_dma source(%dma_start3A_554 : memref<128x64xf32, #tpu.memory_space<vmem>>) target(%dma_start3A_550 : memref<128x64xf32, #tpu.memory_space<hbm>>) target_semaphore(%dma_start3A_548 : memref<!tpu.dma_semaphore, #tpu.memory_space<semaphore_mem>>)
    %add3A_555 = arith.constant 24064 : i32
    %add3A_556 = arith.addi %mul3A_2, %add3A_555 : i32
    %dma_wait3A_557 = arith.constant 4 : i32
    %dma_wait3A_558 = arith.constant 4 : i32
    %dma_wait3A_559 = arith.constant 0 : i32
    %dma_wait3A_560 = arith.constant 0 : i32
    %dma_wait3A_561 = tpu.memref_slice %arg6[%dma_wait3A_557, %dma_wait3A_559, %dma_wait3A_560] : memref<8x128x64xf32, #tpu.memory_space<vmem>> -> memref<1x128x64xf32, #tpu.memory_space<vmem>>
    %dma_wait3A_562 = tpu.memref_squeeze %dma_wait3A_561 : memref<1x128x64xf32, #tpu.memory_space<vmem>> -> memref<128x64xf32, #tpu.memory_space<vmem>>
    %dma_wait3A_563 = arith.constant 0 : i32
    %dma_wait3A_564 = tpu.memref_slice %arg4[%add3A_556, %dma_wait3A_563] : memref<819200x64xf32, #tpu.memory_space<hbm>> -> memref<128x64xf32, #tpu.memory_space<hbm>>
    %dma_wait3A_565 = tpu.memref_slice %arg8[%dma_wait3A_558] : memref<8x!tpu.dma_semaphore, #tpu.memory_space<semaphore_mem>> -> memref<1x!tpu.dma_semaphore, #tpu.memory_space<semaphore_mem>>
    %dma_wait3A_566 = tpu.memref_squeeze %dma_wait3A_565 : memref<1x!tpu.dma_semaphore, #tpu.memory_space<semaphore_mem>> -> memref<!tpu.dma_semaphore, #tpu.memory_space<semaphore_mem>>
    %dma_wait3A_567 = arith.constant 0 : i32
    %dma_wait3A_568 = tpu.memref_slice %arg4[%add3A_556, %dma_wait3A_567] : memref<819200x64xf32, #tpu.memory_space<hbm>> -> memref<128x64xf32, #tpu.memory_space<hbm>>
    %dma_wait3A_569 = arith.constant 0 : i32
    %dma_wait3A_570 = arith.constant 0 : i32
    %dma_wait3A_571 = tpu.memref_slice %arg6[%dma_wait3A_557, %dma_wait3A_569, %dma_wait3A_570] : memref<8x128x64xf32, #tpu.memory_space<vmem>> -> memref<1x128x64xf32, #tpu.memory_space<vmem>>
    %dma_wait3A_572 = tpu.memref_squeeze %dma_wait3A_571 : memref<1x128x64xf32, #tpu.memory_space<vmem>> -> memref<128x64xf32, #tpu.memory_space<vmem>>
    tpu.wait_dma2 semaphore(%dma_wait3A_566 : memref<!tpu.dma_semaphore, #tpu.memory_space<semaphore_mem>>) src(%dma_wait3A_572 : memref<128x64xf32, #tpu.memory_space<vmem>>) dst(%dma_wait3A_568 : memref<128x64xf32, #tpu.memory_space<hbm>>)
    %dma_start3A_573 = arith.constant 196 : i32
    %dma_start3A_574 = arith.constant 4 : i32
    %dma_start3A_575 = arith.constant 4 : i32
    %dma_start3A_576 = arith.constant 0 : i32
    %dma_start3A_577 = arith.constant 0 : i32
    %dma_start3A_578 = tpu.memref_slice %arg6[%dma_start3A_574, %dma_start3A_576, %dma_start3A_577] : memref<8x128x64xf32, #tpu.memory_space<vmem>> -> memref<1x128x64xf32, #tpu.memory_space<vmem>>
    %dma_start3A_579 = tpu.memref_squeeze %dma_start3A_578 : memref<1x128x64xf32, #tpu.memory_space<vmem>> -> memref<128x64xf32, #tpu.memory_space<vmem>>
    %dma_start3A_580 = arith.constant 0 : i32
    %dma_start3A_581 = tpu.memref_slice %arg5[%dma_start3A_573, %dma_start3A_580] : memref<200x128xi32, #tpu.memory_space<vmem>> -> memref<1x128xi32, #tpu.memory_space<vmem>>
    %dma_start3A_582 = tpu.memref_squeeze %dma_start3A_581 : memref<1x128xi32, #tpu.memory_space<vmem>> -> memref<128xi32, #tpu.memory_space<vmem>>
    %dma_start3A_583 = arith.constant 0 : i32
    %dma_start3A_584 = arith.constant 0 : i32
    %dma_start3A_585 = tpu.memref_slice %arg3[%dma_start3A_583, %dma_start3A_584] : memref<1000000x64xf32, #tpu.memory_space<hbm>> -> memref<1000000x64xf32, #tpu.memory_space<hbm>>
    %dma_start3A_586 = tpu.memref_slice %arg7[%dma_start3A_575] : memref<8x!tpu.dma_semaphore, #tpu.memory_space<semaphore_mem>> -> memref<1x!tpu.dma_semaphore, #tpu.memory_space<semaphore_mem>>
    %dma_start3A_587 = tpu.memref_squeeze %dma_start3A_586 : memref<1x!tpu.dma_semaphore, #tpu.memory_space<semaphore_mem>> -> memref<!tpu.dma_semaphore, #tpu.memory_space<semaphore_mem>>
    tpu.enqueue_indirect_dma source(%dma_start3A_585 : memref<1000000x64xf32, #tpu.memory_space<hbm>>) target(%dma_start3A_579 : memref<128x64xf32, #tpu.memory_space<vmem>>) offsets(%dma_start3A_582 : memref<128xi32, #tpu.memory_space<vmem>>) semaphore(%dma_start3A_587 : memref<!tpu.dma_semaphore, #tpu.memory_space<semaphore_mem>>)
    %dma_wait3A_588 = arith.constant 193 : i32
    %dma_wait3A_589 = arith.constant 1 : i32
    %dma_wait3A_590 = arith.constant 1 : i32
    %dma_wait3A_591 = arith.constant 0 : i32
    %dma_wait3A_592 = arith.constant 0 : i32
    %dma_wait3A_593 = tpu.memref_slice %arg6[%dma_wait3A_589, %dma_wait3A_591, %dma_wait3A_592] : memref<8x128x64xf32, #tpu.memory_space<vmem>> -> memref<1x128x64xf32, #tpu.memory_space<vmem>>
    %dma_wait3A_594 = tpu.memref_squeeze %dma_wait3A_593 : memref<1x128x64xf32, #tpu.memory_space<vmem>> -> memref<128x64xf32, #tpu.memory_space<vmem>>
    %dma_wait3A_595 = arith.constant 0 : i32
    %dma_wait3A_596 = tpu.memref_slice %arg5[%dma_wait3A_588, %dma_wait3A_595] : memref<200x128xi32, #tpu.memory_space<vmem>> -> memref<1x128xi32, #tpu.memory_space<vmem>>
    %dma_wait3A_597 = tpu.memref_squeeze %dma_wait3A_596 : memref<1x128xi32, #tpu.memory_space<vmem>> -> memref<128xi32, #tpu.memory_space<vmem>>
    %dma_wait3A_598 = arith.constant 0 : i32
    %dma_wait3A_599 = arith.constant 0 : i32
    %dma_wait3A_600 = tpu.memref_slice %arg3[%dma_wait3A_598, %dma_wait3A_599] : memref<1000000x64xf32, #tpu.memory_space<hbm>> -> memref<1000000x64xf32, #tpu.memory_space<hbm>>
    %dma_wait3A_601 = tpu.memref_slice %arg7[%dma_wait3A_590] : memref<8x!tpu.dma_semaphore, #tpu.memory_space<semaphore_mem>> -> memref<1x!tpu.dma_semaphore, #tpu.memory_space<semaphore_mem>>
    %dma_wait3A_602 = tpu.memref_squeeze %dma_wait3A_601 : memref<1x!tpu.dma_semaphore, #tpu.memory_space<semaphore_mem>> -> memref<!tpu.dma_semaphore, #tpu.memory_space<semaphore_mem>>
    tpu.wait_indirect_dma semaphore(%dma_wait3A_602 : memref<!tpu.dma_semaphore, #tpu.memory_space<semaphore_mem>>) src(%dma_wait3A_600 : memref<1000000x64xf32, #tpu.memory_space<hbm>>) dst(%dma_wait3A_594 : memref<128x64xf32, #tpu.memory_space<vmem>>)
    %add3A_603 = arith.constant 24704 : i32
    %add3A_604 = arith.addi %mul3A_2, %add3A_603 : i32
    %dma_start3A_605 = arith.constant 1 : i32
    %dma_start3A_606 = arith.constant 1 : i32
    %dma_start3A_607 = arith.constant 0 : i32
    %dma_start3A_608 = arith.constant 0 : i32
    %dma_start3A_609 = tpu.memref_slice %arg6[%dma_start3A_605, %dma_start3A_607, %dma_start3A_608] : memref<8x128x64xf32, #tpu.memory_space<vmem>> -> memref<1x128x64xf32, #tpu.memory_space<vmem>>
    %dma_start3A_610 = tpu.memref_squeeze %dma_start3A_609 : memref<1x128x64xf32, #tpu.memory_space<vmem>> -> memref<128x64xf32, #tpu.memory_space<vmem>>
    %dma_start3A_611 = arith.constant 0 : i32
    %dma_start3A_612 = tpu.memref_slice %arg4[%add3A_604, %dma_start3A_611] : memref<819200x64xf32, #tpu.memory_space<hbm>> -> memref<128x64xf32, #tpu.memory_space<hbm>>
    %dma_start3A_613 = tpu.memref_slice %arg8[%dma_start3A_606] : memref<8x!tpu.dma_semaphore, #tpu.memory_space<semaphore_mem>> -> memref<1x!tpu.dma_semaphore, #tpu.memory_space<semaphore_mem>>
    %dma_start3A_614 = tpu.memref_squeeze %dma_start3A_613 : memref<1x!tpu.dma_semaphore, #tpu.memory_space<semaphore_mem>> -> memref<!tpu.dma_semaphore, #tpu.memory_space<semaphore_mem>>
    %dma_start3A_615 = arith.constant 0 : i32
    %dma_start3A_616 = tpu.memref_slice %arg4[%add3A_604, %dma_start3A_615] : memref<819200x64xf32, #tpu.memory_space<hbm>> -> memref<128x64xf32, #tpu.memory_space<hbm>>
    %dma_start3A_617 = arith.constant 0 : i32
    %dma_start3A_618 = arith.constant 0 : i32
    %dma_start3A_619 = tpu.memref_slice %arg6[%dma_start3A_605, %dma_start3A_617, %dma_start3A_618] : memref<8x128x64xf32, #tpu.memory_space<vmem>> -> memref<1x128x64xf32, #tpu.memory_space<vmem>>
    %dma_start3A_620 = tpu.memref_squeeze %dma_start3A_619 : memref<1x128x64xf32, #tpu.memory_space<vmem>> -> memref<128x64xf32, #tpu.memory_space<vmem>>
    tpu.enqueue_dma source(%dma_start3A_620 : memref<128x64xf32, #tpu.memory_space<vmem>>) target(%dma_start3A_616 : memref<128x64xf32, #tpu.memory_space<hbm>>) target_semaphore(%dma_start3A_614 : memref<!tpu.dma_semaphore, #tpu.memory_space<semaphore_mem>>)
    %add3A_621 = arith.constant 24192 : i32
    %add3A_622 = arith.addi %mul3A_2, %add3A_621 : i32
    %dma_wait3A_623 = arith.constant 5 : i32
    %dma_wait3A_624 = arith.constant 5 : i32
    %dma_wait3A_625 = arith.constant 0 : i32
    %dma_wait3A_626 = arith.constant 0 : i32
    %dma_wait3A_627 = tpu.memref_slice %arg6[%dma_wait3A_623, %dma_wait3A_625, %dma_wait3A_626] : memref<8x128x64xf32, #tpu.memory_space<vmem>> -> memref<1x128x64xf32, #tpu.memory_space<vmem>>
    %dma_wait3A_628 = tpu.memref_squeeze %dma_wait3A_627 : memref<1x128x64xf32, #tpu.memory_space<vmem>> -> memref<128x64xf32, #tpu.memory_space<vmem>>
    %dma_wait3A_629 = arith.constant 0 : i32
    %dma_wait3A_630 = tpu.memref_slice %arg4[%add3A_622, %dma_wait3A_629] : memref<819200x64xf32, #tpu.memory_space<hbm>> -> memref<128x64xf32, #tpu.memory_space<hbm>>
    %dma_wait3A_631 = tpu.memref_slice %arg8[%dma_wait3A_624] : memref<8x!tpu.dma_semaphore, #tpu.memory_space<semaphore_mem>> -> memref<1x!tpu.dma_semaphore, #tpu.memory_space<semaphore_mem>>
    %dma_wait3A_632 = tpu.memref_squeeze %dma_wait3A_631 : memref<1x!tpu.dma_semaphore, #tpu.memory_space<semaphore_mem>> -> memref<!tpu.dma_semaphore, #tpu.memory_space<semaphore_mem>>
    %dma_wait3A_633 = arith.constant 0 : i32
    %dma_wait3A_634 = tpu.memref_slice %arg4[%add3A_622, %dma_wait3A_633] : memref<819200x64xf32, #tpu.memory_space<hbm>> -> memref<128x64xf32, #tpu.memory_space<hbm>>
    %dma_wait3A_635 = arith.constant 0 : i32
    %dma_wait3A_636 = arith.constant 0 : i32
    %dma_wait3A_637 = tpu.memref_slice %arg6[%dma_wait3A_623, %dma_wait3A_635, %dma_wait3A_636] : memref<8x128x64xf32, #tpu.memory_space<vmem>> -> memref<1x128x64xf32, #tpu.memory_space<vmem>>
    %dma_wait3A_638 = tpu.memref_squeeze %dma_wait3A_637 : memref<1x128x64xf32, #tpu.memory_space<vmem>> -> memref<128x64xf32, #tpu.memory_space<vmem>>
    tpu.wait_dma2 semaphore(%dma_wait3A_632 : memref<!tpu.dma_semaphore, #tpu.memory_space<semaphore_mem>>) src(%dma_wait3A_638 : memref<128x64xf32, #tpu.memory_space<vmem>>) dst(%dma_wait3A_634 : memref<128x64xf32, #tpu.memory_space<hbm>>)
    %dma_start3A_639 = arith.constant 197 : i32
    %dma_start3A_640 = arith.constant 5 : i32
    %dma_start3A_641 = arith.constant 5 : i32
    %dma_start3A_642 = arith.constant 0 : i32
    %dma_start3A_643 = arith.constant 0 : i32
    %dma_start3A_644 = tpu.memref_slice %arg6[%dma_start3A_640, %dma_start3A_642, %dma_start3A_643] : memref<8x128x64xf32, #tpu.memory_space<vmem>> -> memref<1x128x64xf32, #tpu.memory_space<vmem>>
    %dma_start3A_645 = tpu.memref_squeeze %dma_start3A_644 : memref<1x128x64xf32, #tpu.memory_space<vmem>> -> memref<128x64xf32, #tpu.memory_space<vmem>>
    %dma_start3A_646 = arith.constant 0 : i32
    %dma_start3A_647 = tpu.memref_slice %arg5[%dma_start3A_639, %dma_start3A_646] : memref<200x128xi32, #tpu.memory_space<vmem>> -> memref<1x128xi32, #tpu.memory_space<vmem>>
    %dma_start3A_648 = tpu.memref_squeeze %dma_start3A_647 : memref<1x128xi32, #tpu.memory_space<vmem>> -> memref<128xi32, #tpu.memory_space<vmem>>
    %dma_start3A_649 = arith.constant 0 : i32
    %dma_start3A_650 = arith.constant 0 : i32
    %dma_start3A_651 = tpu.memref_slice %arg3[%dma_start3A_649, %dma_start3A_650] : memref<1000000x64xf32, #tpu.memory_space<hbm>> -> memref<1000000x64xf32, #tpu.memory_space<hbm>>
    %dma_start3A_652 = tpu.memref_slice %arg7[%dma_start3A_641] : memref<8x!tpu.dma_semaphore, #tpu.memory_space<semaphore_mem>> -> memref<1x!tpu.dma_semaphore, #tpu.memory_space<semaphore_mem>>
    %dma_start3A_653 = tpu.memref_squeeze %dma_start3A_652 : memref<1x!tpu.dma_semaphore, #tpu.memory_space<semaphore_mem>> -> memref<!tpu.dma_semaphore, #tpu.memory_space<semaphore_mem>>
    tpu.enqueue_indirect_dma source(%dma_start3A_651 : memref<1000000x64xf32, #tpu.memory_space<hbm>>) target(%dma_start3A_645 : memref<128x64xf32, #tpu.memory_space<vmem>>) offsets(%dma_start3A_648 : memref<128xi32, #tpu.memory_space<vmem>>) semaphore(%dma_start3A_653 : memref<!tpu.dma_semaphore, #tpu.memory_space<semaphore_mem>>)
    %dma_wait3A_654 = arith.constant 194 : i32
    %dma_wait3A_655 = arith.constant 2 : i32
    %dma_wait3A_656 = arith.constant 2 : i32
    %dma_wait3A_657 = arith.constant 0 : i32
    %dma_wait3A_658 = arith.constant 0 : i32
    %dma_wait3A_659 = tpu.memref_slice %arg6[%dma_wait3A_655, %dma_wait3A_657, %dma_wait3A_658] : memref<8x128x64xf32, #tpu.memory_space<vmem>> -> memref<1x128x64xf32, #tpu.memory_space<vmem>>
    %dma_wait3A_660 = tpu.memref_squeeze %dma_wait3A_659 : memref<1x128x64xf32, #tpu.memory_space<vmem>> -> memref<128x64xf32, #tpu.memory_space<vmem>>
    %dma_wait3A_661 = arith.constant 0 : i32
    %dma_wait3A_662 = tpu.memref_slice %arg5[%dma_wait3A_654, %dma_wait3A_661] : memref<200x128xi32, #tpu.memory_space<vmem>> -> memref<1x128xi32, #tpu.memory_space<vmem>>
    %dma_wait3A_663 = tpu.memref_squeeze %dma_wait3A_662 : memref<1x128xi32, #tpu.memory_space<vmem>> -> memref<128xi32, #tpu.memory_space<vmem>>
    %dma_wait3A_664 = arith.constant 0 : i32
    %dma_wait3A_665 = arith.constant 0 : i32
    %dma_wait3A_666 = tpu.memref_slice %arg3[%dma_wait3A_664, %dma_wait3A_665] : memref<1000000x64xf32, #tpu.memory_space<hbm>> -> memref<1000000x64xf32, #tpu.memory_space<hbm>>
    %dma_wait3A_667 = tpu.memref_slice %arg7[%dma_wait3A_656] : memref<8x!tpu.dma_semaphore, #tpu.memory_space<semaphore_mem>> -> memref<1x!tpu.dma_semaphore, #tpu.memory_space<semaphore_mem>>
    %dma_wait3A_668 = tpu.memref_squeeze %dma_wait3A_667 : memref<1x!tpu.dma_semaphore, #tpu.memory_space<semaphore_mem>> -> memref<!tpu.dma_semaphore, #tpu.memory_space<semaphore_mem>>
    tpu.wait_indirect_dma semaphore(%dma_wait3A_668 : memref<!tpu.dma_semaphore, #tpu.memory_space<semaphore_mem>>) src(%dma_wait3A_666 : memref<1000000x64xf32, #tpu.memory_space<hbm>>) dst(%dma_wait3A_660 : memref<128x64xf32, #tpu.memory_space<vmem>>)
    %add3A_669 = arith.constant 24832 : i32
    %add3A_670 = arith.addi %mul3A_2, %add3A_669 : i32
    %dma_start3A_671 = arith.constant 2 : i32
    %dma_start3A_672 = arith.constant 2 : i32
    %dma_start3A_673 = arith.constant 0 : i32
    %dma_start3A_674 = arith.constant 0 : i32
    %dma_start3A_675 = tpu.memref_slice %arg6[%dma_start3A_671, %dma_start3A_673, %dma_start3A_674] : memref<8x128x64xf32, #tpu.memory_space<vmem>> -> memref<1x128x64xf32, #tpu.memory_space<vmem>>
    %dma_start3A_676 = tpu.memref_squeeze %dma_start3A_675 : memref<1x128x64xf32, #tpu.memory_space<vmem>> -> memref<128x64xf32, #tpu.memory_space<vmem>>
    %dma_start3A_677 = arith.constant 0 : i32
    %dma_start3A_678 = tpu.memref_slice %arg4[%add3A_670, %dma_start3A_677] : memref<819200x64xf32, #tpu.memory_space<hbm>> -> memref<128x64xf32, #tpu.memory_space<hbm>>
    %dma_start3A_679 = tpu.memref_slice %arg8[%dma_start3A_672] : memref<8x!tpu.dma_semaphore, #tpu.memory_space<semaphore_mem>> -> memref<1x!tpu.dma_semaphore, #tpu.memory_space<semaphore_mem>>
    %dma_start3A_680 = tpu.memref_squeeze %dma_start3A_679 : memref<1x!tpu.dma_semaphore, #tpu.memory_space<semaphore_mem>> -> memref<!tpu.dma_semaphore, #tpu.memory_space<semaphore_mem>>
    %dma_start3A_681 = arith.constant 0 : i32
    %dma_start3A_682 = tpu.memref_slice %arg4[%add3A_670, %dma_start3A_681] : memref<819200x64xf32, #tpu.memory_space<hbm>> -> memref<128x64xf32, #tpu.memory_space<hbm>>
    %dma_start3A_683 = arith.constant 0 : i32
    %dma_start3A_684 = arith.constant 0 : i32
    %dma_start3A_685 = tpu.memref_slice %arg6[%dma_start3A_671, %dma_start3A_683, %dma_start3A_684] : memref<8x128x64xf32, #tpu.memory_space<vmem>> -> memref<1x128x64xf32, #tpu.memory_space<vmem>>
    %dma_start3A_686 = tpu.memref_squeeze %dma_start3A_685 : memref<1x128x64xf32, #tpu.memory_space<vmem>> -> memref<128x64xf32, #tpu.memory_space<vmem>>
    tpu.enqueue_dma source(%dma_start3A_686 : memref<128x64xf32, #tpu.memory_space<vmem>>) target(%dma_start3A_682 : memref<128x64xf32, #tpu.memory_space<hbm>>) target_semaphore(%dma_start3A_680 : memref<!tpu.dma_semaphore, #tpu.memory_space<semaphore_mem>>)
    %add3A_687 = arith.constant 24320 : i32
    %add3A_688 = arith.addi %mul3A_2, %add3A_687 : i32
    %dma_wait3A_689 = arith.constant 6 : i32
    %dma_wait3A_690 = arith.constant 6 : i32
    %dma_wait3A_691 = arith.constant 0 : i32
    %dma_wait3A_692 = arith.constant 0 : i32
    %dma_wait3A_693 = tpu.memref_slice %arg6[%dma_wait3A_689, %dma_wait3A_691, %dma_wait3A_692] : memref<8x128x64xf32, #tpu.memory_space<vmem>> -> memref<1x128x64xf32, #tpu.memory_space<vmem>>
    %dma_wait3A_694 = tpu.memref_squeeze %dma_wait3A_693 : memref<1x128x64xf32, #tpu.memory_space<vmem>> -> memref<128x64xf32, #tpu.memory_space<vmem>>
    %dma_wait3A_695 = arith.constant 0 : i32
    %dma_wait3A_696 = tpu.memref_slice %arg4[%add3A_688, %dma_wait3A_695] : memref<819200x64xf32, #tpu.memory_space<hbm>> -> memref<128x64xf32, #tpu.memory_space<hbm>>
    %dma_wait3A_697 = tpu.memref_slice %arg8[%dma_wait3A_690] : memref<8x!tpu.dma_semaphore, #tpu.memory_space<semaphore_mem>> -> memref<1x!tpu.dma_semaphore, #tpu.memory_space<semaphore_mem>>
    %dma_wait3A_698 = tpu.memref_squeeze %dma_wait3A_697 : memref<1x!tpu.dma_semaphore, #tpu.memory_space<semaphore_mem>> -> memref<!tpu.dma_semaphore, #tpu.memory_space<semaphore_mem>>
    %dma_wait3A_699 = arith.constant 0 : i32
    %dma_wait3A_700 = tpu.memref_slice %arg4[%add3A_688, %dma_wait3A_699] : memref<819200x64xf32, #tpu.memory_space<hbm>> -> memref<128x64xf32, #tpu.memory_space<hbm>>
    %dma_wait3A_701 = arith.constant 0 : i32
    %dma_wait3A_702 = arith.constant 0 : i32
    %dma_wait3A_703 = tpu.memref_slice %arg6[%dma_wait3A_689, %dma_wait3A_701, %dma_wait3A_702] : memref<8x128x64xf32, #tpu.memory_space<vmem>> -> memref<1x128x64xf32, #tpu.memory_space<vmem>>
    %dma_wait3A_704 = tpu.memref_squeeze %dma_wait3A_703 : memref<1x128x64xf32, #tpu.memory_space<vmem>> -> memref<128x64xf32, #tpu.memory_space<vmem>>
    tpu.wait_dma2 semaphore(%dma_wait3A_698 : memref<!tpu.dma_semaphore, #tpu.memory_space<semaphore_mem>>) src(%dma_wait3A_704 : memref<128x64xf32, #tpu.memory_space<vmem>>) dst(%dma_wait3A_700 : memref<128x64xf32, #tpu.memory_space<hbm>>)
    %dma_start3A_705 = arith.constant 198 : i32
    %dma_start3A_706 = arith.constant 6 : i32
    %dma_start3A_707 = arith.constant 6 : i32
    %dma_start3A_708 = arith.constant 0 : i32
    %dma_start3A_709 = arith.constant 0 : i32
    %dma_start3A_710 = tpu.memref_slice %arg6[%dma_start3A_706, %dma_start3A_708, %dma_start3A_709] : memref<8x128x64xf32, #tpu.memory_space<vmem>> -> memref<1x128x64xf32, #tpu.memory_space<vmem>>
    %dma_start3A_711 = tpu.memref_squeeze %dma_start3A_710 : memref<1x128x64xf32, #tpu.memory_space<vmem>> -> memref<128x64xf32, #tpu.memory_space<vmem>>
    %dma_start3A_712 = arith.constant 0 : i32
    %dma_start3A_713 = tpu.memref_slice %arg5[%dma_start3A_705, %dma_start3A_712] : memref<200x128xi32, #tpu.memory_space<vmem>> -> memref<1x128xi32, #tpu.memory_space<vmem>>
    %dma_start3A_714 = tpu.memref_squeeze %dma_start3A_713 : memref<1x128xi32, #tpu.memory_space<vmem>> -> memref<128xi32, #tpu.memory_space<vmem>>
    %dma_start3A_715 = arith.constant 0 : i32
    %dma_start3A_716 = arith.constant 0 : i32
    %dma_start3A_717 = tpu.memref_slice %arg3[%dma_start3A_715, %dma_start3A_716] : memref<1000000x64xf32, #tpu.memory_space<hbm>> -> memref<1000000x64xf32, #tpu.memory_space<hbm>>
    %dma_start3A_718 = tpu.memref_slice %arg7[%dma_start3A_707] : memref<8x!tpu.dma_semaphore, #tpu.memory_space<semaphore_mem>> -> memref<1x!tpu.dma_semaphore, #tpu.memory_space<semaphore_mem>>
    %dma_start3A_719 = tpu.memref_squeeze %dma_start3A_718 : memref<1x!tpu.dma_semaphore, #tpu.memory_space<semaphore_mem>> -> memref<!tpu.dma_semaphore, #tpu.memory_space<semaphore_mem>>
    tpu.enqueue_indirect_dma source(%dma_start3A_717 : memref<1000000x64xf32, #tpu.memory_space<hbm>>) target(%dma_start3A_711 : memref<128x64xf32, #tpu.memory_space<vmem>>) offsets(%dma_start3A_714 : memref<128xi32, #tpu.memory_space<vmem>>) semaphore(%dma_start3A_719 : memref<!tpu.dma_semaphore, #tpu.memory_space<semaphore_mem>>)
    %dma_wait3A_720 = arith.constant 195 : i32
    %dma_wait3A_721 = arith.constant 3 : i32
    %dma_wait3A_722 = arith.constant 3 : i32
    %dma_wait3A_723 = arith.constant 0 : i32
    %dma_wait3A_724 = arith.constant 0 : i32
    %dma_wait3A_725 = tpu.memref_slice %arg6[%dma_wait3A_721, %dma_wait3A_723, %dma_wait3A_724] : memref<8x128x64xf32, #tpu.memory_space<vmem>> -> memref<1x128x64xf32, #tpu.memory_space<vmem>>
    %dma_wait3A_726 = tpu.memref_squeeze %dma_wait3A_725 : memref<1x128x64xf32, #tpu.memory_space<vmem>> -> memref<128x64xf32, #tpu.memory_space<vmem>>
    %dma_wait3A_727 = arith.constant 0 : i32
    %dma_wait3A_728 = tpu.memref_slice %arg5[%dma_wait3A_720, %dma_wait3A_727] : memref<200x128xi32, #tpu.memory_space<vmem>> -> memref<1x128xi32, #tpu.memory_space<vmem>>
    %dma_wait3A_729 = tpu.memref_squeeze %dma_wait3A_728 : memref<1x128xi32, #tpu.memory_space<vmem>> -> memref<128xi32, #tpu.memory_space<vmem>>
    %dma_wait3A_730 = arith.constant 0 : i32
    %dma_wait3A_731 = arith.constant 0 : i32
    %dma_wait3A_732 = tpu.memref_slice %arg3[%dma_wait3A_730, %dma_wait3A_731] : memref<1000000x64xf32, #tpu.memory_space<hbm>> -> memref<1000000x64xf32, #tpu.memory_space<hbm>>
    %dma_wait3A_733 = tpu.memref_slice %arg7[%dma_wait3A_722] : memref<8x!tpu.dma_semaphore, #tpu.memory_space<semaphore_mem>> -> memref<1x!tpu.dma_semaphore, #tpu.memory_space<semaphore_mem>>
    %dma_wait3A_734 = tpu.memref_squeeze %dma_wait3A_733 : memref<1x!tpu.dma_semaphore, #tpu.memory_space<semaphore_mem>> -> memref<!tpu.dma_semaphore, #tpu.memory_space<semaphore_mem>>
    tpu.wait_indirect_dma semaphore(%dma_wait3A_734 : memref<!tpu.dma_semaphore, #tpu.memory_space<semaphore_mem>>) src(%dma_wait3A_732 : memref<1000000x64xf32, #tpu.memory_space<hbm>>) dst(%dma_wait3A_726 : memref<128x64xf32, #tpu.memory_space<vmem>>)
    %add3A_735 = arith.constant 24960 : i32
    %add3A_736 = arith.addi %mul3A_2, %add3A_735 : i32
    %dma_start3A_737 = arith.constant 3 : i32
    %dma_start3A_738 = arith.constant 3 : i32
    %dma_start3A_739 = arith.constant 0 : i32
    %dma_start3A_740 = arith.constant 0 : i32
    %dma_start3A_741 = tpu.memref_slice %arg6[%dma_start3A_737, %dma_start3A_739, %dma_start3A_740] : memref<8x128x64xf32, #tpu.memory_space<vmem>> -> memref<1x128x64xf32, #tpu.memory_space<vmem>>
    %dma_start3A_742 = tpu.memref_squeeze %dma_start3A_741 : memref<1x128x64xf32, #tpu.memory_space<vmem>> -> memref<128x64xf32, #tpu.memory_space<vmem>>
    %dma_start3A_743 = arith.constant 0 : i32
    %dma_start3A_744 = tpu.memref_slice %arg4[%add3A_736, %dma_start3A_743] : memref<819200x64xf32, #tpu.memory_space<hbm>> -> memref<128x64xf32, #tpu.memory_space<hbm>>
    %dma_start3A_745 = tpu.memref_slice %arg8[%dma_start3A_738] : memref<8x!tpu.dma_semaphore, #tpu.memory_space<semaphore_mem>> -> memref<1x!tpu.dma_semaphore, #tpu.memory_space<semaphore_mem>>
    %dma_start3A_746 = tpu.memref_squeeze %dma_start3A_745 : memref<1x!tpu.dma_semaphore, #tpu.memory_space<semaphore_mem>> -> memref<!tpu.dma_semaphore, #tpu.memory_space<semaphore_mem>>
    %dma_start3A_747 = arith.constant 0 : i32
    %dma_start3A_748 = tpu.memref_slice %arg4[%add3A_736, %dma_start3A_747] : memref<819200x64xf32, #tpu.memory_space<hbm>> -> memref<128x64xf32, #tpu.memory_space<hbm>>
    %dma_start3A_749 = arith.constant 0 : i32
    %dma_start3A_750 = arith.constant 0 : i32
    %dma_start3A_751 = tpu.memref_slice %arg6[%dma_start3A_737, %dma_start3A_749, %dma_start3A_750] : memref<8x128x64xf32, #tpu.memory_space<vmem>> -> memref<1x128x64xf32, #tpu.memory_space<vmem>>
    %dma_start3A_752 = tpu.memref_squeeze %dma_start3A_751 : memref<1x128x64xf32, #tpu.memory_space<vmem>> -> memref<128x64xf32, #tpu.memory_space<vmem>>
    tpu.enqueue_dma source(%dma_start3A_752 : memref<128x64xf32, #tpu.memory_space<vmem>>) target(%dma_start3A_748 : memref<128x64xf32, #tpu.memory_space<hbm>>) target_semaphore(%dma_start3A_746 : memref<!tpu.dma_semaphore, #tpu.memory_space<semaphore_mem>>)
    %add3A_753 = arith.constant 24448 : i32
    %add3A_754 = arith.addi %mul3A_2, %add3A_753 : i32
    %dma_wait3A_755 = arith.constant 7 : i32
    %dma_wait3A_756 = arith.constant 7 : i32
    %dma_wait3A_757 = arith.constant 0 : i32
    %dma_wait3A_758 = arith.constant 0 : i32
    %dma_wait3A_759 = tpu.memref_slice %arg6[%dma_wait3A_755, %dma_wait3A_757, %dma_wait3A_758] : memref<8x128x64xf32, #tpu.memory_space<vmem>> -> memref<1x128x64xf32, #tpu.memory_space<vmem>>
    %dma_wait3A_760 = tpu.memref_squeeze %dma_wait3A_759 : memref<1x128x64xf32, #tpu.memory_space<vmem>> -> memref<128x64xf32, #tpu.memory_space<vmem>>
    %dma_wait3A_761 = arith.constant 0 : i32
    %dma_wait3A_762 = tpu.memref_slice %arg4[%add3A_754, %dma_wait3A_761] : memref<819200x64xf32, #tpu.memory_space<hbm>> -> memref<128x64xf32, #tpu.memory_space<hbm>>
    %dma_wait3A_763 = tpu.memref_slice %arg8[%dma_wait3A_756] : memref<8x!tpu.dma_semaphore, #tpu.memory_space<semaphore_mem>> -> memref<1x!tpu.dma_semaphore, #tpu.memory_space<semaphore_mem>>
    %dma_wait3A_764 = tpu.memref_squeeze %dma_wait3A_763 : memref<1x!tpu.dma_semaphore, #tpu.memory_space<semaphore_mem>> -> memref<!tpu.dma_semaphore, #tpu.memory_space<semaphore_mem>>
    %dma_wait3A_765 = arith.constant 0 : i32
    %dma_wait3A_766 = tpu.memref_slice %arg4[%add3A_754, %dma_wait3A_765] : memref<819200x64xf32, #tpu.memory_space<hbm>> -> memref<128x64xf32, #tpu.memory_space<hbm>>
    %dma_wait3A_767 = arith.constant 0 : i32
    %dma_wait3A_768 = arith.constant 0 : i32
    %dma_wait3A_769 = tpu.memref_slice %arg6[%dma_wait3A_755, %dma_wait3A_767, %dma_wait3A_768] : memref<8x128x64xf32, #tpu.memory_space<vmem>> -> memref<1x128x64xf32, #tpu.memory_space<vmem>>
    %dma_wait3A_770 = tpu.memref_squeeze %dma_wait3A_769 : memref<1x128x64xf32, #tpu.memory_space<vmem>> -> memref<128x64xf32, #tpu.memory_space<vmem>>
    tpu.wait_dma2 semaphore(%dma_wait3A_764 : memref<!tpu.dma_semaphore, #tpu.memory_space<semaphore_mem>>) src(%dma_wait3A_770 : memref<128x64xf32, #tpu.memory_space<vmem>>) dst(%dma_wait3A_766 : memref<128x64xf32, #tpu.memory_space<hbm>>)
    %dma_start3A_771 = arith.constant 199 : i32
    %dma_start3A_772 = arith.constant 7 : i32
    %dma_start3A_773 = arith.constant 7 : i32
    %dma_start3A_774 = arith.constant 0 : i32
    %dma_start3A_775 = arith.constant 0 : i32
    %dma_start3A_776 = tpu.memref_slice %arg6[%dma_start3A_772, %dma_start3A_774, %dma_start3A_775] : memref<8x128x64xf32, #tpu.memory_space<vmem>> -> memref<1x128x64xf32, #tpu.memory_space<vmem>>
    %dma_start3A_777 = tpu.memref_squeeze %dma_start3A_776 : memref<1x128x64xf32, #tpu.memory_space<vmem>> -> memref<128x64xf32, #tpu.memory_space<vmem>>
    %dma_start3A_778 = arith.constant 0 : i32
    %dma_start3A_779 = tpu.memref_slice %arg5[%dma_start3A_771, %dma_start3A_778] : memref<200x128xi32, #tpu.memory_space<vmem>> -> memref<1x128xi32, #tpu.memory_space<vmem>>
    %dma_start3A_780 = tpu.memref_squeeze %dma_start3A_779 : memref<1x128xi32, #tpu.memory_space<vmem>> -> memref<128xi32, #tpu.memory_space<vmem>>
    %dma_start3A_781 = arith.constant 0 : i32
    %dma_start3A_782 = arith.constant 0 : i32
    %dma_start3A_783 = tpu.memref_slice %arg3[%dma_start3A_781, %dma_start3A_782] : memref<1000000x64xf32, #tpu.memory_space<hbm>> -> memref<1000000x64xf32, #tpu.memory_space<hbm>>
    %dma_start3A_784 = tpu.memref_slice %arg7[%dma_start3A_773] : memref<8x!tpu.dma_semaphore, #tpu.memory_space<semaphore_mem>> -> memref<1x!tpu.dma_semaphore, #tpu.memory_space<semaphore_mem>>
    %dma_start3A_785 = tpu.memref_squeeze %dma_start3A_784 : memref<1x!tpu.dma_semaphore, #tpu.memory_space<semaphore_mem>> -> memref<!tpu.dma_semaphore, #tpu.memory_space<semaphore_mem>>
    tpu.enqueue_indirect_dma source(%dma_start3A_783 : memref<1000000x64xf32, #tpu.memory_space<hbm>>) target(%dma_start3A_777 : memref<128x64xf32, #tpu.memory_space<vmem>>) offsets(%dma_start3A_780 : memref<128xi32, #tpu.memory_space<vmem>>) semaphore(%dma_start3A_785 : memref<!tpu.dma_semaphore, #tpu.memory_space<semaphore_mem>>)
    %dma_wait3A_786 = arith.constant 196 : i32
    %dma_wait3A_787 = arith.constant 4 : i32
    %dma_wait3A_788 = arith.constant 4 : i32
    %dma_wait3A_789 = arith.constant 0 : i32
    %dma_wait3A_790 = arith.constant 0 : i32
    %dma_wait3A_791 = tpu.memref_slice %arg6[%dma_wait3A_787, %dma_wait3A_789, %dma_wait3A_790] : memref<8x128x64xf32, #tpu.memory_space<vmem>> -> memref<1x128x64xf32, #tpu.memory_space<vmem>>
    %dma_wait3A_792 = tpu.memref_squeeze %dma_wait3A_791 : memref<1x128x64xf32, #tpu.memory_space<vmem>> -> memref<128x64xf32, #tpu.memory_space<vmem>>
    %dma_wait3A_793 = arith.constant 0 : i32
    %dma_wait3A_794 = tpu.memref_slice %arg5[%dma_wait3A_786, %dma_wait3A_793] : memref<200x128xi32, #tpu.memory_space<vmem>> -> memref<1x128xi32, #tpu.memory_space<vmem>>
    %dma_wait3A_795 = tpu.memref_squeeze %dma_wait3A_794 : memref<1x128xi32, #tpu.memory_space<vmem>> -> memref<128xi32, #tpu.memory_space<vmem>>
    %dma_wait3A_796 = arith.constant 0 : i32
    %dma_wait3A_797 = arith.constant 0 : i32
    %dma_wait3A_798 = tpu.memref_slice %arg3[%dma_wait3A_796, %dma_wait3A_797] : memref<1000000x64xf32, #tpu.memory_space<hbm>> -> memref<1000000x64xf32, #tpu.memory_space<hbm>>
    %dma_wait3A_799 = tpu.memref_slice %arg7[%dma_wait3A_788] : memref<8x!tpu.dma_semaphore, #tpu.memory_space<semaphore_mem>> -> memref<1x!tpu.dma_semaphore, #tpu.memory_space<semaphore_mem>>
    %dma_wait3A_800 = tpu.memref_squeeze %dma_wait3A_799 : memref<1x!tpu.dma_semaphore, #tpu.memory_space<semaphore_mem>> -> memref<!tpu.dma_semaphore, #tpu.memory_space<semaphore_mem>>
    tpu.wait_indirect_dma semaphore(%dma_wait3A_800 : memref<!tpu.dma_semaphore, #tpu.memory_space<semaphore_mem>>) src(%dma_wait3A_798 : memref<1000000x64xf32, #tpu.memory_space<hbm>>) dst(%dma_wait3A_792 : memref<128x64xf32, #tpu.memory_space<vmem>>)
    %add3A_801 = arith.constant 25088 : i32
    %add3A_802 = arith.addi %mul3A_2, %add3A_801 : i32
    %dma_start3A_803 = arith.constant 4 : i32
    %dma_start3A_804 = arith.constant 4 : i32
    %dma_start3A_805 = arith.constant 0 : i32
    %dma_start3A_806 = arith.constant 0 : i32
    %dma_start3A_807 = tpu.memref_slice %arg6[%dma_start3A_803, %dma_start3A_805, %dma_start3A_806] : memref<8x128x64xf32, #tpu.memory_space<vmem>> -> memref<1x128x64xf32, #tpu.memory_space<vmem>>
    %dma_start3A_808 = tpu.memref_squeeze %dma_start3A_807 : memref<1x128x64xf32, #tpu.memory_space<vmem>> -> memref<128x64xf32, #tpu.memory_space<vmem>>
    %dma_start3A_809 = arith.constant 0 : i32
    %dma_start3A_810 = tpu.memref_slice %arg4[%add3A_802, %dma_start3A_809] : memref<819200x64xf32, #tpu.memory_space<hbm>> -> memref<128x64xf32, #tpu.memory_space<hbm>>
    %dma_start3A_811 = tpu.memref_slice %arg8[%dma_start3A_804] : memref<8x!tpu.dma_semaphore, #tpu.memory_space<semaphore_mem>> -> memref<1x!tpu.dma_semaphore, #tpu.memory_space<semaphore_mem>>
    %dma_start3A_812 = tpu.memref_squeeze %dma_start3A_811 : memref<1x!tpu.dma_semaphore, #tpu.memory_space<semaphore_mem>> -> memref<!tpu.dma_semaphore, #tpu.memory_space<semaphore_mem>>
    %dma_start3A_813 = arith.constant 0 : i32
    %dma_start3A_814 = tpu.memref_slice %arg4[%add3A_802, %dma_start3A_813] : memref<819200x64xf32, #tpu.memory_space<hbm>> -> memref<128x64xf32, #tpu.memory_space<hbm>>
    %dma_start3A_815 = arith.constant 0 : i32
    %dma_start3A_816 = arith.constant 0 : i32
    %dma_start3A_817 = tpu.memref_slice %arg6[%dma_start3A_803, %dma_start3A_815, %dma_start3A_816] : memref<8x128x64xf32, #tpu.memory_space<vmem>> -> memref<1x128x64xf32, #tpu.memory_space<vmem>>
    %dma_start3A_818 = tpu.memref_squeeze %dma_start3A_817 : memref<1x128x64xf32, #tpu.memory_space<vmem>> -> memref<128x64xf32, #tpu.memory_space<vmem>>
    tpu.enqueue_dma source(%dma_start3A_818 : memref<128x64xf32, #tpu.memory_space<vmem>>) target(%dma_start3A_814 : memref<128x64xf32, #tpu.memory_space<hbm>>) target_semaphore(%dma_start3A_812 : memref<!tpu.dma_semaphore, #tpu.memory_space<semaphore_mem>>)
    %dma_wait3A_819 = arith.constant 197 : i32
    %dma_wait3A_820 = arith.constant 5 : i32
    %dma_wait3A_821 = arith.constant 5 : i32
    %dma_wait3A_822 = arith.constant 0 : i32
    %dma_wait3A_823 = arith.constant 0 : i32
    %dma_wait3A_824 = tpu.memref_slice %arg6[%dma_wait3A_820, %dma_wait3A_822, %dma_wait3A_823] : memref<8x128x64xf32, #tpu.memory_space<vmem>> -> memref<1x128x64xf32, #tpu.memory_space<vmem>>
    %dma_wait3A_825 = tpu.memref_squeeze %dma_wait3A_824 : memref<1x128x64xf32, #tpu.memory_space<vmem>> -> memref<128x64xf32, #tpu.memory_space<vmem>>
    %dma_wait3A_826 = arith.constant 0 : i32
    %dma_wait3A_827 = tpu.memref_slice %arg5[%dma_wait3A_819, %dma_wait3A_826] : memref<200x128xi32, #tpu.memory_space<vmem>> -> memref<1x128xi32, #tpu.memory_space<vmem>>
    %dma_wait3A_828 = tpu.memref_squeeze %dma_wait3A_827 : memref<1x128xi32, #tpu.memory_space<vmem>> -> memref<128xi32, #tpu.memory_space<vmem>>
    %dma_wait3A_829 = arith.constant 0 : i32
    %dma_wait3A_830 = arith.constant 0 : i32
    %dma_wait3A_831 = tpu.memref_slice %arg3[%dma_wait3A_829, %dma_wait3A_830] : memref<1000000x64xf32, #tpu.memory_space<hbm>> -> memref<1000000x64xf32, #tpu.memory_space<hbm>>
    %dma_wait3A_832 = tpu.memref_slice %arg7[%dma_wait3A_821] : memref<8x!tpu.dma_semaphore, #tpu.memory_space<semaphore_mem>> -> memref<1x!tpu.dma_semaphore, #tpu.memory_space<semaphore_mem>>
    %dma_wait3A_833 = tpu.memref_squeeze %dma_wait3A_832 : memref<1x!tpu.dma_semaphore, #tpu.memory_space<semaphore_mem>> -> memref<!tpu.dma_semaphore, #tpu.memory_space<semaphore_mem>>
    tpu.wait_indirect_dma semaphore(%dma_wait3A_833 : memref<!tpu.dma_semaphore, #tpu.memory_space<semaphore_mem>>) src(%dma_wait3A_831 : memref<1000000x64xf32, #tpu.memory_space<hbm>>) dst(%dma_wait3A_825 : memref<128x64xf32, #tpu.memory_space<vmem>>)
    %add3A_834 = arith.constant 25216 : i32
    %add3A_835 = arith.addi %mul3A_2, %add3A_834 : i32
    %dma_start3A_836 = arith.constant 5 : i32
    %dma_start3A_837 = arith.constant 5 : i32
    %dma_start3A_838 = arith.constant 0 : i32
    %dma_start3A_839 = arith.constant 0 : i32
    %dma_start3A_840 = tpu.memref_slice %arg6[%dma_start3A_836, %dma_start3A_838, %dma_start3A_839] : memref<8x128x64xf32, #tpu.memory_space<vmem>> -> memref<1x128x64xf32, #tpu.memory_space<vmem>>
    %dma_start3A_841 = tpu.memref_squeeze %dma_start3A_840 : memref<1x128x64xf32, #tpu.memory_space<vmem>> -> memref<128x64xf32, #tpu.memory_space<vmem>>
    %dma_start3A_842 = arith.constant 0 : i32
    %dma_start3A_843 = tpu.memref_slice %arg4[%add3A_835, %dma_start3A_842] : memref<819200x64xf32, #tpu.memory_space<hbm>> -> memref<128x64xf32, #tpu.memory_space<hbm>>
    %dma_start3A_844 = tpu.memref_slice %arg8[%dma_start3A_837] : memref<8x!tpu.dma_semaphore, #tpu.memory_space<semaphore_mem>> -> memref<1x!tpu.dma_semaphore, #tpu.memory_space<semaphore_mem>>
    %dma_start3A_845 = tpu.memref_squeeze %dma_start3A_844 : memref<1x!tpu.dma_semaphore, #tpu.memory_space<semaphore_mem>> -> memref<!tpu.dma_semaphore, #tpu.memory_space<semaphore_mem>>
    %dma_start3A_846 = arith.constant 0 : i32
    %dma_start3A_847 = tpu.memref_slice %arg4[%add3A_835, %dma_start3A_846] : memref<819200x64xf32, #tpu.memory_space<hbm>> -> memref<128x64xf32, #tpu.memory_space<hbm>>
    %dma_start3A_848 = arith.constant 0 : i32
    %dma_start3A_849 = arith.constant 0 : i32
    %dma_start3A_850 = tpu.memref_slice %arg6[%dma_start3A_836, %dma_start3A_848, %dma_start3A_849] : memref<8x128x64xf32, #tpu.memory_space<vmem>> -> memref<1x128x64xf32, #tpu.memory_space<vmem>>
    %dma_start3A_851 = tpu.memref_squeeze %dma_start3A_850 : memref<1x128x64xf32, #tpu.memory_space<vmem>> -> memref<128x64xf32, #tpu.memory_space<vmem>>
    tpu.enqueue_dma source(%dma_start3A_851 : memref<128x64xf32, #tpu.memory_space<vmem>>) target(%dma_start3A_847 : memref<128x64xf32, #tpu.memory_space<hbm>>) target_semaphore(%dma_start3A_845 : memref<!tpu.dma_semaphore, #tpu.memory_space<semaphore_mem>>)
    %dma_wait3A_852 = arith.constant 198 : i32
    %dma_wait3A_853 = arith.constant 6 : i32
    %dma_wait3A_854 = arith.constant 6 : i32
    %dma_wait3A_855 = arith.constant 0 : i32
    %dma_wait3A_856 = arith.constant 0 : i32
    %dma_wait3A_857 = tpu.memref_slice %arg6[%dma_wait3A_853, %dma_wait3A_855, %dma_wait3A_856] : memref<8x128x64xf32, #tpu.memory_space<vmem>> -> memref<1x128x64xf32, #tpu.memory_space<vmem>>
    %dma_wait3A_858 = tpu.memref_squeeze %dma_wait3A_857 : memref<1x128x64xf32, #tpu.memory_space<vmem>> -> memref<128x64xf32, #tpu.memory_space<vmem>>
    %dma_wait3A_859 = arith.constant 0 : i32
    %dma_wait3A_860 = tpu.memref_slice %arg5[%dma_wait3A_852, %dma_wait3A_859] : memref<200x128xi32, #tpu.memory_space<vmem>> -> memref<1x128xi32, #tpu.memory_space<vmem>>
    %dma_wait3A_861 = tpu.memref_squeeze %dma_wait3A_860 : memref<1x128xi32, #tpu.memory_space<vmem>> -> memref<128xi32, #tpu.memory_space<vmem>>
    %dma_wait3A_862 = arith.constant 0 : i32
    %dma_wait3A_863 = arith.constant 0 : i32
    %dma_wait3A_864 = tpu.memref_slice %arg3[%dma_wait3A_862, %dma_wait3A_863] : memref<1000000x64xf32, #tpu.memory_space<hbm>> -> memref<1000000x64xf32, #tpu.memory_space<hbm>>
    %dma_wait3A_865 = tpu.memref_slice %arg7[%dma_wait3A_854] : memref<8x!tpu.dma_semaphore, #tpu.memory_space<semaphore_mem>> -> memref<1x!tpu.dma_semaphore, #tpu.memory_space<semaphore_mem>>
    %dma_wait3A_866 = tpu.memref_squeeze %dma_wait3A_865 : memref<1x!tpu.dma_semaphore, #tpu.memory_space<semaphore_mem>> -> memref<!tpu.dma_semaphore, #tpu.memory_space<semaphore_mem>>
    tpu.wait_indirect_dma semaphore(%dma_wait3A_866 : memref<!tpu.dma_semaphore, #tpu.memory_space<semaphore_mem>>) src(%dma_wait3A_864 : memref<1000000x64xf32, #tpu.memory_space<hbm>>) dst(%dma_wait3A_858 : memref<128x64xf32, #tpu.memory_space<vmem>>)
    %add3A_867 = arith.constant 25344 : i32
    %add3A_868 = arith.addi %mul3A_2, %add3A_867 : i32
    %dma_start3A_869 = arith.constant 6 : i32
    %dma_start3A_870 = arith.constant 6 : i32
    %dma_start3A_871 = arith.constant 0 : i32
    %dma_start3A_872 = arith.constant 0 : i32
    %dma_start3A_873 = tpu.memref_slice %arg6[%dma_start3A_869, %dma_start3A_871, %dma_start3A_872] : memref<8x128x64xf32, #tpu.memory_space<vmem>> -> memref<1x128x64xf32, #tpu.memory_space<vmem>>
    %dma_start3A_874 = tpu.memref_squeeze %dma_start3A_873 : memref<1x128x64xf32, #tpu.memory_space<vmem>> -> memref<128x64xf32, #tpu.memory_space<vmem>>
    %dma_start3A_875 = arith.constant 0 : i32
    %dma_start3A_876 = tpu.memref_slice %arg4[%add3A_868, %dma_start3A_875] : memref<819200x64xf32, #tpu.memory_space<hbm>> -> memref<128x64xf32, #tpu.memory_space<hbm>>
    %dma_start3A_877 = tpu.memref_slice %arg8[%dma_start3A_870] : memref<8x!tpu.dma_semaphore, #tpu.memory_space<semaphore_mem>> -> memref<1x!tpu.dma_semaphore, #tpu.memory_space<semaphore_mem>>
    %dma_start3A_878 = tpu.memref_squeeze %dma_start3A_877 : memref<1x!tpu.dma_semaphore, #tpu.memory_space<semaphore_mem>> -> memref<!tpu.dma_semaphore, #tpu.memory_space<semaphore_mem>>
    %dma_start3A_879 = arith.constant 0 : i32
    %dma_start3A_880 = tpu.memref_slice %arg4[%add3A_868, %dma_start3A_879] : memref<819200x64xf32, #tpu.memory_space<hbm>> -> memref<128x64xf32, #tpu.memory_space<hbm>>
    %dma_start3A_881 = arith.constant 0 : i32
    %dma_start3A_882 = arith.constant 0 : i32
    %dma_start3A_883 = tpu.memref_slice %arg6[%dma_start3A_869, %dma_start3A_881, %dma_start3A_882] : memref<8x128x64xf32, #tpu.memory_space<vmem>> -> memref<1x128x64xf32, #tpu.memory_space<vmem>>
    %dma_start3A_884 = tpu.memref_squeeze %dma_start3A_883 : memref<1x128x64xf32, #tpu.memory_space<vmem>> -> memref<128x64xf32, #tpu.memory_space<vmem>>
    tpu.enqueue_dma source(%dma_start3A_884 : memref<128x64xf32, #tpu.memory_space<vmem>>) target(%dma_start3A_880 : memref<128x64xf32, #tpu.memory_space<hbm>>) target_semaphore(%dma_start3A_878 : memref<!tpu.dma_semaphore, #tpu.memory_space<semaphore_mem>>)
    %dma_wait3A_885 = arith.constant 199 : i32
    %dma_wait3A_886 = arith.constant 7 : i32
    %dma_wait3A_887 = arith.constant 7 : i32
    %dma_wait3A_888 = arith.constant 0 : i32
    %dma_wait3A_889 = arith.constant 0 : i32
    %dma_wait3A_890 = tpu.memref_slice %arg6[%dma_wait3A_886, %dma_wait3A_888, %dma_wait3A_889] : memref<8x128x64xf32, #tpu.memory_space<vmem>> -> memref<1x128x64xf32, #tpu.memory_space<vmem>>
    %dma_wait3A_891 = tpu.memref_squeeze %dma_wait3A_890 : memref<1x128x64xf32, #tpu.memory_space<vmem>> -> memref<128x64xf32, #tpu.memory_space<vmem>>
    %dma_wait3A_892 = arith.constant 0 : i32
    %dma_wait3A_893 = tpu.memref_slice %arg5[%dma_wait3A_885, %dma_wait3A_892] : memref<200x128xi32, #tpu.memory_space<vmem>> -> memref<1x128xi32, #tpu.memory_space<vmem>>
    %dma_wait3A_894 = tpu.memref_squeeze %dma_wait3A_893 : memref<1x128xi32, #tpu.memory_space<vmem>> -> memref<128xi32, #tpu.memory_space<vmem>>
    %dma_wait3A_895 = arith.constant 0 : i32
    %dma_wait3A_896 = arith.constant 0 : i32
    %dma_wait3A_897 = tpu.memref_slice %arg3[%dma_wait3A_895, %dma_wait3A_896] : memref<1000000x64xf32, #tpu.memory_space<hbm>> -> memref<1000000x64xf32, #tpu.memory_space<hbm>>
    %dma_wait3A_898 = tpu.memref_slice %arg7[%dma_wait3A_887] : memref<8x!tpu.dma_semaphore, #tpu.memory_space<semaphore_mem>> -> memref<1x!tpu.dma_semaphore, #tpu.memory_space<semaphore_mem>>
    %dma_wait3A_899 = tpu.memref_squeeze %dma_wait3A_898 : memref<1x!tpu.dma_semaphore, #tpu.memory_space<semaphore_mem>> -> memref<!tpu.dma_semaphore, #tpu.memory_space<semaphore_mem>>
    tpu.wait_indirect_dma semaphore(%dma_wait3A_899 : memref<!tpu.dma_semaphore, #tpu.memory_space<semaphore_mem>>) src(%dma_wait3A_897 : memref<1000000x64xf32, #tpu.memory_space<hbm>>) dst(%dma_wait3A_891 : memref<128x64xf32, #tpu.memory_space<vmem>>)
    %add3A_900 = arith.constant 25472 : i32
    %add3A_901 = arith.addi %mul3A_2, %add3A_900 : i32
    %dma_start3A_902 = arith.constant 7 : i32
    %dma_start3A_903 = arith.constant 7 : i32
    %dma_start3A_904 = arith.constant 0 : i32
    %dma_start3A_905 = arith.constant 0 : i32
    %dma_start3A_906 = tpu.memref_slice %arg6[%dma_start3A_902, %dma_start3A_904, %dma_start3A_905] : memref<8x128x64xf32, #tpu.memory_space<vmem>> -> memref<1x128x64xf32, #tpu.memory_space<vmem>>
    %dma_start3A_907 = tpu.memref_squeeze %dma_start3A_906 : memref<1x128x64xf32, #tpu.memory_space<vmem>> -> memref<128x64xf32, #tpu.memory_space<vmem>>
    %dma_start3A_908 = arith.constant 0 : i32
    %dma_start3A_909 = tpu.memref_slice %arg4[%add3A_901, %dma_start3A_908] : memref<819200x64xf32, #tpu.memory_space<hbm>> -> memref<128x64xf32, #tpu.memory_space<hbm>>
    %dma_start3A_910 = tpu.memref_slice %arg8[%dma_start3A_903] : memref<8x!tpu.dma_semaphore, #tpu.memory_space<semaphore_mem>> -> memref<1x!tpu.dma_semaphore, #tpu.memory_space<semaphore_mem>>
    %dma_start3A_911 = tpu.memref_squeeze %dma_start3A_910 : memref<1x!tpu.dma_semaphore, #tpu.memory_space<semaphore_mem>> -> memref<!tpu.dma_semaphore, #tpu.memory_space<semaphore_mem>>
    %dma_start3A_912 = arith.constant 0 : i32
    %dma_start3A_913 = tpu.memref_slice %arg4[%add3A_901, %dma_start3A_912] : memref<819200x64xf32, #tpu.memory_space<hbm>> -> memref<128x64xf32, #tpu.memory_space<hbm>>
    %dma_start3A_914 = arith.constant 0 : i32
    %dma_start3A_915 = arith.constant 0 : i32
    %dma_start3A_916 = tpu.memref_slice %arg6[%dma_start3A_902, %dma_start3A_914, %dma_start3A_915] : memref<8x128x64xf32, #tpu.memory_space<vmem>> -> memref<1x128x64xf32, #tpu.memory_space<vmem>>
    %dma_start3A_917 = tpu.memref_squeeze %dma_start3A_916 : memref<1x128x64xf32, #tpu.memory_space<vmem>> -> memref<128x64xf32, #tpu.memory_space<vmem>>
    tpu.enqueue_dma source(%dma_start3A_917 : memref<128x64xf32, #tpu.memory_space<vmem>>) target(%dma_start3A_913 : memref<128x64xf32, #tpu.memory_space<hbm>>) target_semaphore(%dma_start3A_911 : memref<!tpu.dma_semaphore, #tpu.memory_space<semaphore_mem>>)
    %add3A_918 = arith.constant 24576 : i32
    %add3A_919 = arith.addi %mul3A_2, %add3A_918 : i32
    %dma_wait3A_920 = arith.constant 0 : i32
    %dma_wait3A_921 = arith.constant 0 : i32
    %dma_wait3A_922 = arith.constant 0 : i32
    %dma_wait3A_923 = arith.constant 0 : i32
    %dma_wait3A_924 = tpu.memref_slice %arg6[%dma_wait3A_920, %dma_wait3A_922, %dma_wait3A_923] : memref<8x128x64xf32, #tpu.memory_space<vmem>> -> memref<1x128x64xf32, #tpu.memory_space<vmem>>
    %dma_wait3A_925 = tpu.memref_squeeze %dma_wait3A_924 : memref<1x128x64xf32, #tpu.memory_space<vmem>> -> memref<128x64xf32, #tpu.memory_space<vmem>>
    %dma_wait3A_926 = arith.constant 0 : i32
    %dma_wait3A_927 = tpu.memref_slice %arg4[%add3A_919, %dma_wait3A_926] : memref<819200x64xf32, #tpu.memory_space<hbm>> -> memref<128x64xf32, #tpu.memory_space<hbm>>
    %dma_wait3A_928 = tpu.memref_slice %arg8[%dma_wait3A_921] : memref<8x!tpu.dma_semaphore, #tpu.memory_space<semaphore_mem>> -> memref<1x!tpu.dma_semaphore, #tpu.memory_space<semaphore_mem>>
    %dma_wait3A_929 = tpu.memref_squeeze %dma_wait3A_928 : memref<1x!tpu.dma_semaphore, #tpu.memory_space<semaphore_mem>> -> memref<!tpu.dma_semaphore, #tpu.memory_space<semaphore_mem>>
    %dma_wait3A_930 = arith.constant 0 : i32
    %dma_wait3A_931 = tpu.memref_slice %arg4[%add3A_919, %dma_wait3A_930] : memref<819200x64xf32, #tpu.memory_space<hbm>> -> memref<128x64xf32, #tpu.memory_space<hbm>>
    %dma_wait3A_932 = arith.constant 0 : i32
    %dma_wait3A_933 = arith.constant 0 : i32
    %dma_wait3A_934 = tpu.memref_slice %arg6[%dma_wait3A_920, %dma_wait3A_932, %dma_wait3A_933] : memref<8x128x64xf32, #tpu.memory_space<vmem>> -> memref<1x128x64xf32, #tpu.memory_space<vmem>>
    %dma_wait3A_935 = tpu.memref_squeeze %dma_wait3A_934 : memref<1x128x64xf32, #tpu.memory_space<vmem>> -> memref<128x64xf32, #tpu.memory_space<vmem>>
    tpu.wait_dma2 semaphore(%dma_wait3A_929 : memref<!tpu.dma_semaphore, #tpu.memory_space<semaphore_mem>>) src(%dma_wait3A_935 : memref<128x64xf32, #tpu.memory_space<vmem>>) dst(%dma_wait3A_931 : memref<128x64xf32, #tpu.memory_space<hbm>>)
    %add3A_936 = arith.constant 24704 : i32
    %add3A_937 = arith.addi %mul3A_2, %add3A_936 : i32
    %dma_wait3A_938 = arith.constant 1 : i32
    %dma_wait3A_939 = arith.constant 1 : i32
    %dma_wait3A_940 = arith.constant 0 : i32
    %dma_wait3A_941 = arith.constant 0 : i32
    %dma_wait3A_942 = tpu.memref_slice %arg6[%dma_wait3A_938, %dma_wait3A_940, %dma_wait3A_941] : memref<8x128x64xf32, #tpu.memory_space<vmem>> -> memref<1x128x64xf32, #tpu.memory_space<vmem>>
    %dma_wait3A_943 = tpu.memref_squeeze %dma_wait3A_942 : memref<1x128x64xf32, #tpu.memory_space<vmem>> -> memref<128x64xf32, #tpu.memory_space<vmem>>
    %dma_wait3A_944 = arith.constant 0 : i32
    %dma_wait3A_945 = tpu.memref_slice %arg4[%add3A_937, %dma_wait3A_944] : memref<819200x64xf32, #tpu.memory_space<hbm>> -> memref<128x64xf32, #tpu.memory_space<hbm>>
    %dma_wait3A_946 = tpu.memref_slice %arg8[%dma_wait3A_939] : memref<8x!tpu.dma_semaphore, #tpu.memory_space<semaphore_mem>> -> memref<1x!tpu.dma_semaphore, #tpu.memory_space<semaphore_mem>>
    %dma_wait3A_947 = tpu.memref_squeeze %dma_wait3A_946 : memref<1x!tpu.dma_semaphore, #tpu.memory_space<semaphore_mem>> -> memref<!tpu.dma_semaphore, #tpu.memory_space<semaphore_mem>>
    %dma_wait3A_948 = arith.constant 0 : i32
    %dma_wait3A_949 = tpu.memref_slice %arg4[%add3A_937, %dma_wait3A_948] : memref<819200x64xf32, #tpu.memory_space<hbm>> -> memref<128x64xf32, #tpu.memory_space<hbm>>
    %dma_wait3A_950 = arith.constant 0 : i32
    %dma_wait3A_951 = arith.constant 0 : i32
    %dma_wait3A_952 = tpu.memref_slice %arg6[%dma_wait3A_938, %dma_wait3A_950, %dma_wait3A_951] : memref<8x128x64xf32, #tpu.memory_space<vmem>> -> memref<1x128x64xf32, #tpu.memory_space<vmem>>
    %dma_wait3A_953 = tpu.memref_squeeze %dma_wait3A_952 : memref<1x128x64xf32, #tpu.memory_space<vmem>> -> memref<128x64xf32, #tpu.memory_space<vmem>>
    tpu.wait_dma2 semaphore(%dma_wait3A_947 : memref<!tpu.dma_semaphore, #tpu.memory_space<semaphore_mem>>) src(%dma_wait3A_953 : memref<128x64xf32, #tpu.memory_space<vmem>>) dst(%dma_wait3A_949 : memref<128x64xf32, #tpu.memory_space<hbm>>)
    %add3A_954 = arith.constant 24832 : i32
    %add3A_955 = arith.addi %mul3A_2, %add3A_954 : i32
    %dma_wait3A_956 = arith.constant 2 : i32
    %dma_wait3A_957 = arith.constant 2 : i32
    %dma_wait3A_958 = arith.constant 0 : i32
    %dma_wait3A_959 = arith.constant 0 : i32
    %dma_wait3A_960 = tpu.memref_slice %arg6[%dma_wait3A_956, %dma_wait3A_958, %dma_wait3A_959] : memref<8x128x64xf32, #tpu.memory_space<vmem>> -> memref<1x128x64xf32, #tpu.memory_space<vmem>>
    %dma_wait3A_961 = tpu.memref_squeeze %dma_wait3A_960 : memref<1x128x64xf32, #tpu.memory_space<vmem>> -> memref<128x64xf32, #tpu.memory_space<vmem>>
    %dma_wait3A_962 = arith.constant 0 : i32
    %dma_wait3A_963 = tpu.memref_slice %arg4[%add3A_955, %dma_wait3A_962] : memref<819200x64xf32, #tpu.memory_space<hbm>> -> memref<128x64xf32, #tpu.memory_space<hbm>>
    %dma_wait3A_964 = tpu.memref_slice %arg8[%dma_wait3A_957] : memref<8x!tpu.dma_semaphore, #tpu.memory_space<semaphore_mem>> -> memref<1x!tpu.dma_semaphore, #tpu.memory_space<semaphore_mem>>
    %dma_wait3A_965 = tpu.memref_squeeze %dma_wait3A_964 : memref<1x!tpu.dma_semaphore, #tpu.memory_space<semaphore_mem>> -> memref<!tpu.dma_semaphore, #tpu.memory_space<semaphore_mem>>
    %dma_wait3A_966 = arith.constant 0 : i32
    %dma_wait3A_967 = tpu.memref_slice %arg4[%add3A_955, %dma_wait3A_966] : memref<819200x64xf32, #tpu.memory_space<hbm>> -> memref<128x64xf32, #tpu.memory_space<hbm>>
    %dma_wait3A_968 = arith.constant 0 : i32
    %dma_wait3A_969 = arith.constant 0 : i32
    %dma_wait3A_970 = tpu.memref_slice %arg6[%dma_wait3A_956, %dma_wait3A_968, %dma_wait3A_969] : memref<8x128x64xf32, #tpu.memory_space<vmem>> -> memref<1x128x64xf32, #tpu.memory_space<vmem>>
    %dma_wait3A_971 = tpu.memref_squeeze %dma_wait3A_970 : memref<1x128x64xf32, #tpu.memory_space<vmem>> -> memref<128x64xf32, #tpu.memory_space<vmem>>
    tpu.wait_dma2 semaphore(%dma_wait3A_965 : memref<!tpu.dma_semaphore, #tpu.memory_space<semaphore_mem>>) src(%dma_wait3A_971 : memref<128x64xf32, #tpu.memory_space<vmem>>) dst(%dma_wait3A_967 : memref<128x64xf32, #tpu.memory_space<hbm>>)
    %add3A_972 = arith.constant 24960 : i32
    %add3A_973 = arith.addi %mul3A_2, %add3A_972 : i32
    %dma_wait3A_974 = arith.constant 3 : i32
    %dma_wait3A_975 = arith.constant 3 : i32
    %dma_wait3A_976 = arith.constant 0 : i32
    %dma_wait3A_977 = arith.constant 0 : i32
    %dma_wait3A_978 = tpu.memref_slice %arg6[%dma_wait3A_974, %dma_wait3A_976, %dma_wait3A_977] : memref<8x128x64xf32, #tpu.memory_space<vmem>> -> memref<1x128x64xf32, #tpu.memory_space<vmem>>
    %dma_wait3A_979 = tpu.memref_squeeze %dma_wait3A_978 : memref<1x128x64xf32, #tpu.memory_space<vmem>> -> memref<128x64xf32, #tpu.memory_space<vmem>>
    %dma_wait3A_980 = arith.constant 0 : i32
    %dma_wait3A_981 = tpu.memref_slice %arg4[%add3A_973, %dma_wait3A_980] : memref<819200x64xf32, #tpu.memory_space<hbm>> -> memref<128x64xf32, #tpu.memory_space<hbm>>
    %dma_wait3A_982 = tpu.memref_slice %arg8[%dma_wait3A_975] : memref<8x!tpu.dma_semaphore, #tpu.memory_space<semaphore_mem>> -> memref<1x!tpu.dma_semaphore, #tpu.memory_space<semaphore_mem>>
    %dma_wait3A_983 = tpu.memref_squeeze %dma_wait3A_982 : memref<1x!tpu.dma_semaphore, #tpu.memory_space<semaphore_mem>> -> memref<!tpu.dma_semaphore, #tpu.memory_space<semaphore_mem>>
    %dma_wait3A_984 = arith.constant 0 : i32
    %dma_wait3A_985 = tpu.memref_slice %arg4[%add3A_973, %dma_wait3A_984] : memref<819200x64xf32, #tpu.memory_space<hbm>> -> memref<128x64xf32, #tpu.memory_space<hbm>>
    %dma_wait3A_986 = arith.constant 0 : i32
    %dma_wait3A_987 = arith.constant 0 : i32
    %dma_wait3A_988 = tpu.memref_slice %arg6[%dma_wait3A_974, %dma_wait3A_986, %dma_wait3A_987] : memref<8x128x64xf32, #tpu.memory_space<vmem>> -> memref<1x128x64xf32, #tpu.memory_space<vmem>>
    %dma_wait3A_989 = tpu.memref_squeeze %dma_wait3A_988 : memref<1x128x64xf32, #tpu.memory_space<vmem>> -> memref<128x64xf32, #tpu.memory_space<vmem>>
    tpu.wait_dma2 semaphore(%dma_wait3A_983 : memref<!tpu.dma_semaphore, #tpu.memory_space<semaphore_mem>>) src(%dma_wait3A_989 : memref<128x64xf32, #tpu.memory_space<vmem>>) dst(%dma_wait3A_985 : memref<128x64xf32, #tpu.memory_space<hbm>>)
    %add3A_990 = arith.constant 25088 : i32
    %add3A_991 = arith.addi %mul3A_2, %add3A_990 : i32
    %dma_wait3A_992 = arith.constant 4 : i32
    %dma_wait3A_993 = arith.constant 4 : i32
    %dma_wait3A_994 = arith.constant 0 : i32
    %dma_wait3A_995 = arith.constant 0 : i32
    %dma_wait3A_996 = tpu.memref_slice %arg6[%dma_wait3A_992, %dma_wait3A_994, %dma_wait3A_995] : memref<8x128x64xf32, #tpu.memory_space<vmem>> -> memref<1x128x64xf32, #tpu.memory_space<vmem>>
    %dma_wait3A_997 = tpu.memref_squeeze %dma_wait3A_996 : memref<1x128x64xf32, #tpu.memory_space<vmem>> -> memref<128x64xf32, #tpu.memory_space<vmem>>
    %dma_wait3A_998 = arith.constant 0 : i32
    %dma_wait3A_999 = tpu.memref_slice %arg4[%add3A_991, %dma_wait3A_998] : memref<819200x64xf32, #tpu.memory_space<hbm>> -> memref<128x64xf32, #tpu.memory_space<hbm>>
    %dma_wait3A_1000 = tpu.memref_slice %arg8[%dma_wait3A_993] : memref<8x!tpu.dma_semaphore, #tpu.memory_space<semaphore_mem>> -> memref<1x!tpu.dma_semaphore, #tpu.memory_space<semaphore_mem>>
    %dma_wait3A_1001 = tpu.memref_squeeze %dma_wait3A_1000 : memref<1x!tpu.dma_semaphore, #tpu.memory_space<semaphore_mem>> -> memref<!tpu.dma_semaphore, #tpu.memory_space<semaphore_mem>>
    %dma_wait3A_1002 = arith.constant 0 : i32
    %dma_wait3A_1003 = tpu.memref_slice %arg4[%add3A_991, %dma_wait3A_1002] : memref<819200x64xf32, #tpu.memory_space<hbm>> -> memref<128x64xf32, #tpu.memory_space<hbm>>
    %dma_wait3A_1004 = arith.constant 0 : i32
    %dma_wait3A_1005 = arith.constant 0 : i32
    %dma_wait3A_1006 = tpu.memref_slice %arg6[%dma_wait3A_992, %dma_wait3A_1004, %dma_wait3A_1005] : memref<8x128x64xf32, #tpu.memory_space<vmem>> -> memref<1x128x64xf32, #tpu.memory_space<vmem>>
    %dma_wait3A_1007 = tpu.memref_squeeze %dma_wait3A_1006 : memref<1x128x64xf32, #tpu.memory_space<vmem>> -> memref<128x64xf32, #tpu.memory_space<vmem>>
    tpu.wait_dma2 semaphore(%dma_wait3A_1001 : memref<!tpu.dma_semaphore, #tpu.memory_space<semaphore_mem>>) src(%dma_wait3A_1007 : memref<128x64xf32, #tpu.memory_space<vmem>>) dst(%dma_wait3A_1003 : memref<128x64xf32, #tpu.memory_space<hbm>>)
    %add3A_1008 = arith.constant 25216 : i32
    %add3A_1009 = arith.addi %mul3A_2, %add3A_1008 : i32
    %dma_wait3A_1010 = arith.constant 5 : i32
    %dma_wait3A_1011 = arith.constant 5 : i32
    %dma_wait3A_1012 = arith.constant 0 : i32
    %dma_wait3A_1013 = arith.constant 0 : i32
    %dma_wait3A_1014 = tpu.memref_slice %arg6[%dma_wait3A_1010, %dma_wait3A_1012, %dma_wait3A_1013] : memref<8x128x64xf32, #tpu.memory_space<vmem>> -> memref<1x128x64xf32, #tpu.memory_space<vmem>>
    %dma_wait3A_1015 = tpu.memref_squeeze %dma_wait3A_1014 : memref<1x128x64xf32, #tpu.memory_space<vmem>> -> memref<128x64xf32, #tpu.memory_space<vmem>>
    %dma_wait3A_1016 = arith.constant 0 : i32
    %dma_wait3A_1017 = tpu.memref_slice %arg4[%add3A_1009, %dma_wait3A_1016] : memref<819200x64xf32, #tpu.memory_space<hbm>> -> memref<128x64xf32, #tpu.memory_space<hbm>>
    %dma_wait3A_1018 = tpu.memref_slice %arg8[%dma_wait3A_1011] : memref<8x!tpu.dma_semaphore, #tpu.memory_space<semaphore_mem>> -> memref<1x!tpu.dma_semaphore, #tpu.memory_space<semaphore_mem>>
    %dma_wait3A_1019 = tpu.memref_squeeze %dma_wait3A_1018 : memref<1x!tpu.dma_semaphore, #tpu.memory_space<semaphore_mem>> -> memref<!tpu.dma_semaphore, #tpu.memory_space<semaphore_mem>>
    %dma_wait3A_1020 = arith.constant 0 : i32
    %dma_wait3A_1021 = tpu.memref_slice %arg4[%add3A_1009, %dma_wait3A_1020] : memref<819200x64xf32, #tpu.memory_space<hbm>> -> memref<128x64xf32, #tpu.memory_space<hbm>>
    %dma_wait3A_1022 = arith.constant 0 : i32
    %dma_wait3A_1023 = arith.constant 0 : i32
    %dma_wait3A_1024 = tpu.memref_slice %arg6[%dma_wait3A_1010, %dma_wait3A_1022, %dma_wait3A_1023] : memref<8x128x64xf32, #tpu.memory_space<vmem>> -> memref<1x128x64xf32, #tpu.memory_space<vmem>>
    %dma_wait3A_1025 = tpu.memref_squeeze %dma_wait3A_1024 : memref<1x128x64xf32, #tpu.memory_space<vmem>> -> memref<128x64xf32, #tpu.memory_space<vmem>>
    tpu.wait_dma2 semaphore(%dma_wait3A_1019 : memref<!tpu.dma_semaphore, #tpu.memory_space<semaphore_mem>>) src(%dma_wait3A_1025 : memref<128x64xf32, #tpu.memory_space<vmem>>) dst(%dma_wait3A_1021 : memref<128x64xf32, #tpu.memory_space<hbm>>)
    %add3A_1026 = arith.constant 25344 : i32
    %add3A_1027 = arith.addi %mul3A_2, %add3A_1026 : i32
    %dma_wait3A_1028 = arith.constant 6 : i32
    %dma_wait3A_1029 = arith.constant 6 : i32
    %dma_wait3A_1030 = arith.constant 0 : i32
    %dma_wait3A_1031 = arith.constant 0 : i32
    %dma_wait3A_1032 = tpu.memref_slice %arg6[%dma_wait3A_1028, %dma_wait3A_1030, %dma_wait3A_1031] : memref<8x128x64xf32, #tpu.memory_space<vmem>> -> memref<1x128x64xf32, #tpu.memory_space<vmem>>
    %dma_wait3A_1033 = tpu.memref_squeeze %dma_wait3A_1032 : memref<1x128x64xf32, #tpu.memory_space<vmem>> -> memref<128x64xf32, #tpu.memory_space<vmem>>
    %dma_wait3A_1034 = arith.constant 0 : i32
    %dma_wait3A_1035 = tpu.memref_slice %arg4[%add3A_1027, %dma_wait3A_1034] : memref<819200x64xf32, #tpu.memory_space<hbm>> -> memref<128x64xf32, #tpu.memory_space<hbm>>
    %dma_wait3A_1036 = tpu.memref_slice %arg8[%dma_wait3A_1029] : memref<8x!tpu.dma_semaphore, #tpu.memory_space<semaphore_mem>> -> memref<1x!tpu.dma_semaphore, #tpu.memory_space<semaphore_mem>>
    %dma_wait3A_1037 = tpu.memref_squeeze %dma_wait3A_1036 : memref<1x!tpu.dma_semaphore, #tpu.memory_space<semaphore_mem>> -> memref<!tpu.dma_semaphore, #tpu.memory_space<semaphore_mem>>
    %dma_wait3A_1038 = arith.constant 0 : i32
    %dma_wait3A_1039 = tpu.memref_slice %arg4[%add3A_1027, %dma_wait3A_1038] : memref<819200x64xf32, #tpu.memory_space<hbm>> -> memref<128x64xf32, #tpu.memory_space<hbm>>
    %dma_wait3A_1040 = arith.constant 0 : i32
    %dma_wait3A_1041 = arith.constant 0 : i32
    %dma_wait3A_1042 = tpu.memref_slice %arg6[%dma_wait3A_1028, %dma_wait3A_1040, %dma_wait3A_1041] : memref<8x128x64xf32, #tpu.memory_space<vmem>> -> memref<1x128x64xf32, #tpu.memory_space<vmem>>
    %dma_wait3A_1043 = tpu.memref_squeeze %dma_wait3A_1042 : memref<1x128x64xf32, #tpu.memory_space<vmem>> -> memref<128x64xf32, #tpu.memory_space<vmem>>
    tpu.wait_dma2 semaphore(%dma_wait3A_1037 : memref<!tpu.dma_semaphore, #tpu.memory_space<semaphore_mem>>) src(%dma_wait3A_1043 : memref<128x64xf32, #tpu.memory_space<vmem>>) dst(%dma_wait3A_1039 : memref<128x64xf32, #tpu.memory_space<hbm>>)
    %add3A_1044 = arith.constant 25472 : i32
    %add3A_1045 = arith.addi %mul3A_2, %add3A_1044 : i32
    %dma_wait3A_1046 = arith.constant 7 : i32
    %dma_wait3A_1047 = arith.constant 7 : i32
    %dma_wait3A_1048 = arith.constant 0 : i32
    %dma_wait3A_1049 = arith.constant 0 : i32
    %dma_wait3A_1050 = tpu.memref_slice %arg6[%dma_wait3A_1046, %dma_wait3A_1048, %dma_wait3A_1049] : memref<8x128x64xf32, #tpu.memory_space<vmem>> -> memref<1x128x64xf32, #tpu.memory_space<vmem>>
    %dma_wait3A_1051 = tpu.memref_squeeze %dma_wait3A_1050 : memref<1x128x64xf32, #tpu.memory_space<vmem>> -> memref<128x64xf32, #tpu.memory_space<vmem>>
    %dma_wait3A_1052 = arith.constant 0 : i32
    %dma_wait3A_1053 = tpu.memref_slice %arg4[%add3A_1045, %dma_wait3A_1052] : memref<819200x64xf32, #tpu.memory_space<hbm>> -> memref<128x64xf32, #tpu.memory_space<hbm>>
    %dma_wait3A_1054 = tpu.memref_slice %arg8[%dma_wait3A_1047] : memref<8x!tpu.dma_semaphore, #tpu.memory_space<semaphore_mem>> -> memref<1x!tpu.dma_semaphore, #tpu.memory_space<semaphore_mem>>
    %dma_wait3A_1055 = tpu.memref_squeeze %dma_wait3A_1054 : memref<1x!tpu.dma_semaphore, #tpu.memory_space<semaphore_mem>> -> memref<!tpu.dma_semaphore, #tpu.memory_space<semaphore_mem>>
    %dma_wait3A_1056 = arith.constant 0 : i32
    %dma_wait3A_1057 = tpu.memref_slice %arg4[%add3A_1045, %dma_wait3A_1056] : memref<819200x64xf32, #tpu.memory_space<hbm>> -> memref<128x64xf32, #tpu.memory_space<hbm>>
    %dma_wait3A_1058 = arith.constant 0 : i32
    %dma_wait3A_1059 = arith.constant 0 : i32
    %dma_wait3A_1060 = tpu.memref_slice %arg6[%dma_wait3A_1046, %dma_wait3A_1058, %dma_wait3A_1059] : memref<8x128x64xf32, #tpu.memory_space<vmem>> -> memref<1x128x64xf32, #tpu.memory_space<vmem>>
    %dma_wait3A_1061 = tpu.memref_squeeze %dma_wait3A_1060 : memref<1x128x64xf32, #tpu.memory_space<vmem>> -> memref<128x64xf32, #tpu.memory_space<vmem>>
    tpu.wait_dma2 semaphore(%dma_wait3A_1055 : memref<!tpu.dma_semaphore, #tpu.memory_space<semaphore_mem>>) src(%dma_wait3A_1061 : memref<128x64xf32, #tpu.memory_space<vmem>>) dst(%dma_wait3A_1057 : memref<128x64xf32, #tpu.memory_space<hbm>>)
    return
  }
}

</mosaic_0001>

<sc_bundles>
// kernel: kernel.3.cloned.1.call-start
scs
__scs_entry_jumppad:
0x0: {  	(pc) =	sbr.rel $0x88, $3  }
0x1: {  	(tag) =	ssettag $0x0;
	lr =	simm.s32 $0x1  }
0x2: {  	[smem:$0x3F9F] =	sst lr;
	_ =	strace $0xD0000000  }
0x3: {  	_ = 	snop  }
0x4: {  	_ = 	snop  }
0x5: {  	_ = 	snop  }
0x6: {  	_ = 	snop  }
0x7: {  	_ = 	snop  }
__scs_overlays_trampoline_lowered:
0x8: {  	[smem:$0x3FAE] =	sst s0  }
0x9: {  	[smem:$0x3FAF] =	sst s1  }
0xa: {  	[smem:$0x3FB0] =	sst s2  }
0xb: {  	[smem:$0x3FB1] =	sst s3  }
0xc: {  	[smem:$0x3FB2] =	sst s4  }
0xd: {  	[smem:$0x3FB3] =	sst s5  }
0xe: {  	[smem:$0x3FB4] =	sst s6  }
0xf: {  	[smem:$0x3FB5] =	sst s7  }
0x10: {  	[smem:$0x3FB6] =	sst s8  }
0x11: {  	[smem:$0x3FB7] =	sst s9;
	s0 =	simm.s32 @!p0 $0x0  }
0x12: {  	s1 =	sld [smem:$0x3F9D];
	s0 =	simm.s32 @p0 $0x1  }
0x13: {  	[smem:$0x3FB8] =	sst s0;
	s0 =	simm.s32 @!p1 $0x0  }
0x14: {  	s2 =	sld [smem:$0x3F9C];
	s0 =	simm.s32 @p1 $0x1  }
0x15: {  	[smem:$0x3FB9] =	sst s0;
	s0 =	simm.s32 @!p2 $0x0  }
0x16: {  	s3 =	sld [smem:$0x3FDB];
	s0 =	simm.s32 @p2 $0x1  }
0x17: {  	s4 =	simm.s32 $0x1BF5;
	[smem:$0x3FBB] =	sst s0  }
0x18: {  	s0 =	sld [smem:$0x3F9E];
	_ =	swait.ge [sflag:s4], $0x0  }
0x19: {  	s7 =	sld [smem:$0x3F9F]  }
0x1a: {  	s8 =	sadd.s32 $0xFFFFE003, lr  }
0x1b: {  	s9 =	sadd.s32 $0xFFFFFEF7, lr;
	s5 =	simm.s32 $0xFFFFFFFF;
	p2 =	slt.u32 s8, $0xFFFFF086  }
0x1c: {  	p1 =	slt.u32 s9, $0xF7A;
	s5 =	simm.s32 @!p2 $0x0  }
0x1d: {  	s5 =	simm.s32 @p1 $0x1;
	p0 =	seq.s32 s7, s2  }
0x1e: {  	s7 =	smul.u32 @!p0 $0xF7A, s2;
	p2 =	seq.s32 @!p0 s5, $0x0  }
0x1f: {  	s9 =	smul.u32 $0xF7A, s1;
	s8 =	simm.s32 @!p0 $0x1BF5;
	p2 =	por !p2, p0  }
0x20: {  	[sflag:s8] =	ssyncset.s32 @!p0 $0xFFFFF086;
	s6 =	sadd.s32 @!p0 s3, s7;
	s7 =	simm.s32 @!p0 $0x108  }
0x21: {  	s3 =	sadd.s32 s3, s9;
	s6 =	sadd.s32 @!p0 $0x88, s6;
	s7 =	simm.s32 @p2 $0x1082  }
0x22: {  	[simem:s7], [sflag:s8] =	dma.local @!p0 [hbm:s6], $0xF7A  }
0x23: {  	s9 =	sor.u32 $0xD0000000, s2;
	s6 =	simm.s32 $0x108;
	_ =	swait.ge @!p0 [sflag:s8], $0x0  }
0x24: {  	s3 =	sadd.s32 $0x88, s3;
	s6 =	simm.s32 @!p1 $0x1082;
	[sflag:s4] =	ssyncset.s32 $0xFFFFF086  }
0x25: {  	[simem:s6], [sflag:s4] =	dma.local [hbm:s3], $0xF7A  }
0x26: {  	[smem:$0x3F9F] =	sst s1;
	(tag) =	ssettag s2;
	_ =	strace s9  }
0x27: {  	s1 =	sld [smem:$0x3FAF]  }
0x28: {  	s2 =	sld [smem:$0x3FB0]  }
0x29: {  	s4 =	sld [smem:$0x3FB2]  }
0x2a: {  	p0 =	seq.s32 s5, $0x0;
	s5 =	sld [smem:$0x3FB3]  }
0x2b: {  	s6 =	sld [smem:$0x3FB4]  }
0x2c: {  	s7 =	sld [smem:$0x3FB5]  }
0x2d: {  	s3 =	simm.s32 $0x108;
	s8 =	sld [smem:$0x3FB6]  }
0x2e: {  	s3 =	simm.s32 @!p0 $0x1082;
	s9 =	sld [smem:$0x3FB7]  }
0x2f: {  	lr =	sadd.s32 s0, s3;
	s0 =	sld [smem:$0x3FAE]  }
0x30: {  	s3 =	sld [smem:$0x3FB1]  }
0x31: {  	[smem:$0x3FBA] =	sst s10  }
0x32: {  	s10 =	sld [smem:$0x3FB8];
	_ =	sdelay $0x3  }
0x33: {  	p0 =	seq.s32 s10, $0x1;
	s10 =	sld [smem:$0x3FBA];
	_ =	sdelay $0x3  }
0x34: {  	[smem:$0x3FBA] =	sst s10  }
0x35: {  	s10 =	sld [smem:$0x3FB9];
	_ =	sdelay $0x3  }
0x36: {  	p1 =	seq.s32 s10, $0x1;
	s10 =	sld [smem:$0x3FBA];
	_ =	sdelay $0x3  }
0x37: {  	[smem:$0x3FBA] =	sst s10  }
0x38: {  	s10 =	sld [smem:$0x3FBB]  }
0x39: {  	_ = 	snop;
	(pc) =	sbr.ind lr, $3  }
0x3a: {  	_ = 	snop  }
0x3b: {  	_ = 	snop  }
0x3c: {  	p2 =	seq.s32 s10, $0x1;
	s10 =	sld [smem:$0x3FBA]  }
0x3d: {  	_ =	shalt  }
0x3e: {  	_ =	shalt  }
0x3f: {  	_ =	shalt  }
0x40: {  	_ =	shalt  }
0x41: {  	_ =	shalt  }
0x42: {  	_ =	shalt  }
0x43: {  	_ =	shalt  }
0x44: {  	_ =	shalt  }
0x45: {  	_ =	shalt  }
0x46: {  	_ =	shalt  }
0x47: {  	_ =	shalt  }
0x48: {  	_ =	shalt  }
0x49: {  	_ =	shalt  }
0x4a: {  	_ =	shalt  }
0x4b: {  	_ =	shalt  }
0x4c: {  	_ =	shalt  }
0x4d: {  	_ =	shalt  }
0x4e: {  	_ =	shalt  }
0x4f: {  	_ =	shalt  }
0x50: {  	_ =	shalt  }
0x51: {  	_ =	shalt  }
0x52: {  	_ =	shalt  }
0x53: {  	_ =	shalt  }
0x54: {  	_ =	shalt  }
0x55: {  	_ =	shalt  }
0x56: {  	_ =	shalt  }
0x57: {  	_ =	shalt  }
0x58: {  	_ =	shalt  }
0x59: {  	_ =	shalt  }
0x5a: {  	_ =	shalt  }
0x5b: {  	_ =	shalt  }
0x5c: {  	_ =	shalt  }
0x5d: {  	_ =	shalt  }
0x5e: {  	_ =	shalt  }
0x5f: {  	_ =	shalt  }
0x60: {  	_ =	shalt  }
0x61: {  	_ =	shalt  }
0x62: {  	_ =	shalt  }
0x63: {  	_ =	shalt  }
0x64: {  	_ =	shalt  }
0x65: {  	_ =	shalt  }
0x66: {  	_ =	shalt  }
0x67: {  	_ =	shalt  }
0x68: {  	_ =	shalt  }
0x69: {  	_ =	shalt  }
0x6a: {  	_ =	shalt  }
0x6b: {  	_ =	shalt  }
0x6c: {  	_ =	shalt  }
0x6d: {  	_ =	shalt  }
0x6e: {  	_ =	shalt  }
0x6f: {  	_ =	shalt  }
0x70: {  	_ =	shalt  }
0x71: {  	_ =	shalt  }
0x72: {  	_ =	shalt  }
0x73: {  	_ =	shalt  }
0x74: {  	_ =	shalt  }
0x75: {  	_ =	shalt  }
0x76: {  	_ =	shalt  }
0x77: {  	_ =	shalt  }
0x78: {  	_ =	shalt  }
0x79: {  	_ =	shalt  }
0x7a: {  	_ =	shalt  }
0x7b: {  	_ =	shalt  }
0x7c: {  	_ =	shalt  }
0x7d: {  	_ =	shalt  }
0x7e: {  	_ =	shalt  }
0x7f: {  	_ =	shalt  }
0x80: {  	_ =	shalt  }
0x81: {  	_ =	shalt  }
0x82: {  	_ =	shalt  }
0x83: {  	_ =	shalt  }
0x84: {  	_ =	shalt  }
0x85: {  	_ =	shalt  }
0x86: {  	_ =	shalt  }
0x87: {  	_ =	shalt  }
.Lfunc_end0:
.L_simem_size_0:
called_computation.1_lowered:
.L_overlay_start_0:
0x88: {  	s2 =	sld [smem:$0x3FD9]  }
0x89: {  	s3 =	sld [smem:$0x3FFE];
	_ =	sdelay $0x1  }
0x8a: {  	s1 =	srdreg.scid  }
0x8b: {  	s0 =	sand.u32 $0x1, s1  }
0x8c: {  	s17 =	sshll.u32 s0, $0xA;
	s2 =	sadd.s32 s3, s2  }
0x8d: {  	s2 =	sadd.s32 s2, s17  }
0x8e: {  	[smem:$0x3FC6] =	sst s2  }
0x8f: {  	_ = 	snop  }
0x90: {  	s2 =	sld [smem:$0x3FD0];
	(tm) =	ssettm $0x1  }
0x91: {  	s18 =	sld [smem:$0x3FFB];
	_ =	sdelay $0x3  }
0x92: {  	_ =	strace s18  }
0x93: {  	s3 =	sld [smem:$0x3FFC];
	_ =	sdelay $0x3  }
0x94: {  	_ =	strace s3  }
0x95: {  	s3 =	sld [smem:$0x3FFD];
	_ =	sdelay $0x3  }
0x96: {  	_ =	strace s3  }
0x97: {  	_ =	strace $0x8FFFFFFF  }
0x98: {  	s19 =	sld [smem:$0x3FDB];
	_ =	sdelay $0x1  }
0x99: {  	s4 =	simm.s32 $_scs_section_size  }
0x9a: {  	s5 =	simm.s32 $_size__tile_overlayer_lowered;
	s6 =	simm.s32 $_tile_overlayer_lowered  }
0x9b: {  	s22 =	simm.s32 $0x1BFF;
	s21 =	sshll.u32 s6, $0x1;
	s3 =	sadd.s32 s4, s19  }
0x9c: {  	s7 =	simm.s32 $0x0;
	s20 =	sshll.u32 s5, $0x1;
	s5 =	sadd.s32 s21, s3  }
0x9d: {  	[timem:s7], [sflag:s22] =	dma.local [hbm:s5], s20  }
0x9e: {  	_ =	swait.ge [sflag:s22], s20  }
0x9f: {  	s4 =	ssub.s32 $0x0, s20;
	[sflag:s22] =	ssyncset.done $0x0  }
0xa0: {  	[sflag:s22] =	ssyncadd.s32 s4;
	_ =	sdelay $0x1  }
0xa1: {  	s23 =	simm.s32 $0x1B8B  }
0xa2: {  	_ =	swait.ge [sflag:s23], $0x1  }
0xa3: {  	[sflag:s23] =	ssyncset.done $0x0  }
0xa4: {  	s25 =	simm.s32 $0x1B8E;
	s24 =	sld [smem:$0x3FFE];
	[sflag:s23] =	ssyncadd.s32 $0xFFFFFFFF  }
0xa5: {  	s26 =	simm.s32 $execute0_lowered;
	[smem:$0x3FD2] =	sst s25  }
0xa6: {  	s5 =	sshll.u32 s26, $0x1;
	_ =	strace $0x80000046;
	[dreg:$0x1] =	wrdreg $0xFFFFFFFF  }
0xa7: {  	s28 =	simm.s32 $_size_execute0_lowered;
	s3 =	sadd.s32 s3, s5;
	[dreg:$0x0] =	wrdreg $0x0  }
0xa8: {  	s5 =	sshll.u32 s28, $0x1;
	[dreg:$0x2] =	wrdreg s3  }
0xa9: {  	[dreg:$0x3] =	wrdreg s5  }
0xaa: {  	[dreg:$0x4] =	wrdreg $0xC0  }
0xab: {  	_ =	task [dreg:s7], $0x5FFFF  }
0xac: {  	[dreg:$0x1] =	wrdreg $0xFFFFFFFF  }
0xad: {  	[dreg:$0x0] =	wrdreg $0x60  }
0xae: {  	[dreg:$0x2] =	wrdreg s24  }
0xaf: {  	[dreg:$0x3] =	wrdreg s2  }
0xb0: {  	[dreg:$0x4] =	wrdreg $0x9  }
0xb1: {  	_ =	task.clear_ibuf [dreg:s7], $0x5FFFF;
	_ =	strace $0x90000046  }
0xb2: {  	s29 =	simm.s32 $0x9;
	_ =	strace $0x80000048  }
0xb3: {  	_ =	swait.ge [sflag:s29], $0x1  }
0xb4: {  	[sflag:s29] =	ssyncadd.s32 $0xFFFFFFFF  }
0xb5: {  	_ =	strace $0x90000048  }
0xb6: {  	_ =	sfence  }
0xb7: {  	s30 =	sld [smem:$0x0];
	_ =	sdelay $0x2  }
0xb8: {  	s31 =	sshll.u32 s1, $0xD;
	s1 =	sshrl.u32 s1, $0x2  }
0xb9: {  	s3 =	sand.u32 $0x4000, s31;
	s1 =	sadd.s32 s1, s30  }
0xba: {  	s0 =	sor.u32 s3, s0;
	s1 =	sshll.u32 s1, $0x11  }
0xbb: {  	s0 =	sor.u32 s1, s0  }
0xbc: {  	s0 =	sadd.s32 $0x8F2B, s0  }
0xbd: {  	[sflag:s0] =	ssyncadd.remote.s32 $0x1  }
0xbe: {  	_ =	sfence.sel $0xFFFF  }
0xbf: {  	[dreg:$0x0] =	wrdreg $0xFFFFFFFF;
	(pc) =	sbr.abs _section_cstart, $3  }
0xc0: {  	[dreg:$0x1] =	wrdreg $0xFFFFFFFF  }
0xc1: {  	_ =	task.clear_ibuf [dreg:s7], $0x2FFFF;
	_ =	strace $0x9FFFFFFF  }
0xc2: {  	(tm) =	ssettm $0x7FFFFFFF  }
0xc3: {  	_ =	shalt  }
tec
execute0_lowered:
.L_overlay_start_1:
0x0: {  	(tag) =	ssettag $0x1  }
0x1: {  	s1 =	srdreg.scid;
	s9 =	stileid.u32  }
0x2: {  	s1 =	sand.u32 $0x1, s1;
	s19 =	smul.u32 $0x320000, s9  }
0x3: {  	s2 =	sshll.u32 s9, $0x1;
	s13 =	smul.u32 $0x6400, s1  }
0x4: {  	s2 =	sor.u32 s1, s2;
	s5 =	ssub.s32 $0x2, s1;
	s1 =	smul.u32 $0x190000, s1  }
0x5: {  	s0 =	rddreg [dreg:$0x0];
	s3 =	simm.s32 $0x0;
	s4 =	smul.u32 $0x6400, s2  }
0x6: {  	[smem:$0x7FF] =	sst s3;
	s7 =	smul.u32 $0x32000, s2  }
0x7: {  	s28 =	rddreg [dreg:$0x1];
	_ =	strace $0x80000047;
	s6 =	sshrl.u32 s5, $0x1  }
0x8: {  	s1 =	sadd.s32 s1, s19;
	s4 =	sshrl.u32 s4, $0x3;
	s7 =	sadd.s32 s28, s7  }
0x9: {  	s1 =	sadd.s32 $0x10000, s1;
	s8 =	sadd.s32 s4, s0;
	[dreg:$0xb] =	wrdreg s7  }
0xa: {  	s4 =	sadd.s32 $0xF42E00, s0;
	s31 =	sadd.s32 $0x400, s7;
	[dreg:$0x1c] =	wrdreg s1  }
0xb: {  	s0 =	ssub.s32 s5, s6;
	s6 =	sadd.s32 $0x800, s7;
	[dreg:$0xc] =	wrdreg s31  }
0xc: {  	s10 =	sadd.s32 $0x1000, s7;
	[dreg:$0xd] =	wrdreg s6  }
0xd: {  	s12 =	sadd.s32 $0x1400, s7;
	[dreg:$0xf] =	wrdreg s10  }
0xe: {  	s2 =	smul.u32 $0x190000, s2;
	s14 =	sadd.s32 $0x1800, s7;
	[dreg:$0x10] =	wrdreg s12  }
0xf: {  	s11 =	smul.u32 $0xC800, s9;
	s30 =	sadd.s32 $0xA00, s8;
	[dreg:$0x11] =	wrdreg s14  }
0x10: {  	s2 =	sshrl.u32 s2, $0x3;
	s8 =	sadd.s32 $0xC00, s7;
	[dreg:$0xa] =	wrdreg s30  }
0x11: {  	s2 =	sadd.s32 s28, s2;
	s7 =	sadd.s32 $0x1C00, s7;
	[dreg:$0xe] =	wrdreg s8  }
0x12: {  	s9 =	simm.s32 $0x4;
	s15 =	sadd.s32 $0x30000, s2;
	[dreg:$0x12] =	wrdreg s7  }
0x13: {  	s19 =	simm.s32 $0xD;
	s16 =	sadd.s32 $0x30400, s2;
	[dreg:$0x13] =	wrdreg s15  }
0x14: {  	s5 =	sadd.s32 s13, s11;
	s17 =	sadd.s32 $0x30800, s2;
	[dreg:$0x14] =	wrdreg s16  }
0x15: {  	s11 =	simm.s32 $0x5;
	s18 =	sadd.s32 $0x30C00, s2;
	[dreg:$0x15] =	wrdreg s17  }
0x16: {  	s13 =	simm.s32 $0x6;
	s20 =	sadd.s32 $0x31000, s2;
	[dreg:$0x16] =	wrdreg s18  }
0x17: {  	s5 =	sshll.u32 s5, $0x3;
	s22 =	sadd.s32 $0x31400, s2;
	[dreg:$0x17] =	wrdreg s20  }
0x18: {  	s25 =	sadd.s32 $0x31800, s2;
	s2 =	sadd.s32 $0x31C00, s2;
	[dreg:$0x18] =	wrdreg s22  }
0x19: {  	s0 =	smax.u32 s0, $0x1;
	s12 =	simm.s32 $0x9;
	[dreg:$0x19] =	wrdreg s25  }
0x1a: {  	s14 =	simm.s32 $0xA;
	s21 =	sadd.s32 $0x2C00, s5;
	[dreg:$0x1a] =	wrdreg s2  }
0x1b: {  	s23 =	sadd.s32 $0x2800, s5;
	s24 =	sadd.s32 $0x2400, s5;
	[dreg:$0x1b] =	wrdreg s0  }
0x1c: {  	s26 =	sadd.s32 $0x3C00, s5;
	s29 =	sadd.s32 $0x3800, s5;
	[dreg:$0x3] =	wrdreg s21  }
0x1d: {  	s30 =	sadd.s32 $0x3400, s5;
	s31 =	sadd.s32 $0x3000, s5;
	[dreg:$0x4] =	wrdreg s23  }
0x1e: {  	s25 =	simm.s32 $0x80;
	s7 =	simm.s32 $0x3;
	[dreg:$0x5] =	wrdreg s24  }
0x1f: {  	s15 =	simm.s32 $0x7;
	s16 =	simm.s32 $0xB;
	[dreg:$0x6] =	wrdreg s26  }
0x20: {  	s17 =	simm.s32 $0x8;
	s18 =	simm.s32 $0xC;
	[dreg:$0x7] =	wrdreg s29  }
0x21: {  	s20 =	simm.s32 $0xE;
	s22 =	simm.s32 $0x10;
	[dreg:$0x8] =	wrdreg s30  }
0x22: {  	s0 =	simm.s32 $0x0;
	[dreg:$0x9] =	wrdreg s31;
	s21 =	simm.s32 $0xF  }
.LBB2_1:
0x23: {  	[dreg:$0x1d] =	wrdreg s0  }
0x24: {  	s2 =	rddreg [dreg:$0xa];
	s8 =	simm.s32 $0x11  }
0x25: {  	[tilespmem:s3], [sflag:$0x11] =	stream.linear.gather [hbm4b:s2+s3], $0x6400, $0x38;
	[tilespmem:$0x16400] =	vst v63  }
0x26: {  	_ =	swait.ge [sflag:s8], $0x6400  }
0x27: {  	[sflag:s8] =	ssyncset.done $0x0  }
0x28: {  	s23 =	simm.s32 $0x6400;
	[sflag:s8] =	ssyncadd.s32 $0xFFFF9C00  }
0x29: {  	[tilespmem:s23], [sflag:$0x1] =	stream.indirect.gather [hbm4b:s4+s25], $0x40, s3, s25, $0xb8;
	[tilespmem:$0x16400] =	vst v63  }
0x2a: {  	s1 =	simm.s32 $0x8400  }
0x2b: {  	[tilespmem:s1], [sflag:$0x2] =	stream.indirect.gather [hbm4b:s4+s25], $0x40, s25, s25, $0xb8;
	[tilespmem:$0x16400] =	vst v63  }
0x2c: {  	s10 =	simm.s32 $0x100;
	s24 =	simm.s32 $0xA400  }
0x2d: {  	[tilespmem:s24], [sflag:$0x3] =	stream.indirect.gather [hbm4b:s4+s25], $0x40, s10, s25, $0xb8;
	[tilespmem:$0x16400] =	vst v63  }
0x2e: {  	s26 =	simm.s32 $0x180;
	s5 =	simm.s32 $0xC400;
	s0 =	simm.s32 $0x1  }
0x2f: {  	[tilespmem:s5], [sflag:$0x4] =	stream.indirect.gather [hbm4b:s4+s25], $0x40, s26, s25, $0xb8;
	[tilespmem:$0x16400] =	vst v63  }
0x30: {  	_ =	swait.ge [sflag:s0], $0x2000  }
0x31: {  	[sflag:s0] =	ssyncset.done $0x0  }
0x32: {  	s29 =	rddreg [dreg:$0xb];
	[sflag:s0] =	ssyncadd.s32 $0xFFFFE000  }
0x33: {  	[hbm4b:s29+s3] =	stream.linear.scatter [tilespmem:s23], [sflag:$0x9], $0x2000, $0x38;
	[tilespmem:$0x16400] =	vst v63  }
0x34: {  	s30 =	simm.s32 $0x200;
	s26 =	simm.s32 $0xE400;
	s29 =	simm.s32 $0x2  }
0x35: {  	[tilespmem:s26], [sflag:$0x5] =	stream.indirect.gather [hbm4b:s4+s25], $0x40, s30, s25, $0xb8;
	[tilespmem:$0x16400] =	vst v63  }
0x36: {  	_ =	swait.ge [sflag:s29], $0x2000  }
0x37: {  	[sflag:s29] =	ssyncset.done $0x0  }
0x38: {  	s31 =	rddreg [dreg:$0xc];
	[sflag:s29] =	ssyncadd.s32 $0xFFFFE000  }
0x39: {  	[hbm4b:s31+s3] =	stream.linear.scatter [tilespmem:s1], [sflag:$0xA], $0x2000, $0x38;
	[tilespmem:$0x16400] =	vst v63  }
0x3a: {  	s6 =	simm.s32 $0x280;
	s8 =	simm.s32 $0x10400  }
0x3b: {  	[tilespmem:s8], [sflag:$0x6] =	stream.indirect.gather [hbm4b:s4+s25], $0x40, s6, s25, $0xb8;
	[tilespmem:$0x16400] =	vst v63  }
0x3c: {  	_ =	swait.ge [sflag:s7], $0x2000  }
0x3d: {  	[sflag:s7] =	ssyncset.done $0x0  }
0x3e: {  	s10 =	rddreg [dreg:$0xd];
	[sflag:s7] =	ssyncadd.s32 $0xFFFFE000  }
0x3f: {  	[hbm4b:s10+s3] =	stream.linear.scatter [tilespmem:s24], [sflag:$0xB], $0x2000, $0x38;
	[tilespmem:$0x16400] =	vst v63  }
0x40: {  	s30 =	simm.s32 $0x300;
	s10 =	simm.s32 $0x12400  }
0x41: {  	[tilespmem:s10], [sflag:$0x7] =	stream.indirect.gather [hbm4b:s4+s25], $0x40, s30, s25, $0xb8;
	[tilespmem:$0x16400] =	vst v63  }
0x42: {  	_ =	swait.ge [sflag:s9], $0x2000  }
0x43: {  	[sflag:s9] =	ssyncset.done $0x0  }
0x44: {  	s31 =	rddreg [dreg:$0xe];
	[sflag:s9] =	ssyncadd.s32 $0xFFFFE000  }
0x45: {  	[hbm4b:s31+s3] =	stream.linear.scatter [tilespmem:s5], [sflag:$0xC], $0x2000, $0x38;
	[tilespmem:$0x16400] =	vst v63  }
0x46: {  	s6 =	simm.s32 $0x380;
	s30 =	simm.s32 $0x14400  }
0x47: {  	[tilespmem:s30], [sflag:$0x8] =	stream.indirect.gather [hbm4b:s4+s25], $0x40, s6, s25, $0xb8;
	[tilespmem:$0x16400] =	vst v63  }
0x48: {  	_ =	swait.ge [sflag:s11], $0x2000  }
0x49: {  	[sflag:s11] =	ssyncset.done $0x0  }
0x4a: {  	s31 =	rddreg [dreg:$0xf];
	[sflag:s11] =	ssyncadd.s32 $0xFFFFE000  }
0x4b: {  	[hbm4b:s31+s3] =	stream.linear.scatter [tilespmem:s26], [sflag:$0xD], $0x2000, $0x38;
	[tilespmem:$0x16400] =	vst v63  }
0x4c: {  	_ =	swait.ge [sflag:s12], $0x2000  }
0x4d: {  	[sflag:s12] =	ssyncset.done $0x0  }
0x4e: {  	s6 =	simm.s32 $0x400;
	[sflag:s12] =	ssyncadd.s32 $0xFFFFE000  }
0x4f: {  	[tilespmem:s23], [sflag:$0x1] =	stream.indirect.gather [hbm4b:s4+s25], $0x40, s6, s25, $0xb8;
	[tilespmem:$0x16400] =	vst v63  }
0x50: {  	_ =	swait.ge [sflag:s13], $0x2000  }
0x51: {  	[sflag:s13] =	ssyncset.done $0x0  }
0x52: {  	s31 =	rddreg [dreg:$0x10];
	[sflag:s13] =	ssyncadd.s32 $0xFFFFE000  }
0x53: {  	[hbm4b:s31+s3] =	stream.linear.scatter [tilespmem:s8], [sflag:$0xE], $0x2000, $0x38;
	[tilespmem:$0x16400] =	vst v63  }
0x54: {  	_ =	swait.ge [sflag:s14], $0x2000  }
0x55: {  	[sflag:s14] =	ssyncset.done $0x0  }
0x56: {  	s6 =	simm.s32 $0x480;
	[sflag:s14] =	ssyncadd.s32 $0xFFFFE000  }
0x57: {  	[tilespmem:s1], [sflag:$0x2] =	stream.indirect.gather [hbm4b:s4+s25], $0x40, s6, s25, $0xb8;
	[tilespmem:$0x16400] =	vst v63  }
0x58: {  	_ =	swait.ge [sflag:s15], $0x2000  }
0x59: {  	[sflag:s15] =	ssyncset.done $0x0  }
0x5a: {  	s31 =	rddreg [dreg:$0x11];
	[sflag:s15] =	ssyncadd.s32 $0xFFFFE000  }
0x5b: {  	[hbm4b:s31+s3] =	stream.linear.scatter [tilespmem:s10], [sflag:$0xF], $0x2000, $0x38;
	[tilespmem:$0x16400] =	vst v63  }
0x5c: {  	_ =	swait.ge [sflag:s16], $0x2000  }
0x5d: {  	[sflag:s16] =	ssyncset.done $0x0  }
0x5e: {  	s6 =	simm.s32 $0x500;
	[sflag:s16] =	ssyncadd.s32 $0xFFFFE000  }
0x5f: {  	[tilespmem:s24], [sflag:$0x3] =	stream.indirect.gather [hbm4b:s4+s25], $0x40, s6, s25, $0xb8;
	[tilespmem:$0x16400] =	vst v63  }
0x60: {  	_ =	swait.ge [sflag:s17], $0x2000  }
0x61: {  	[sflag:s17] =	ssyncset.done $0x0  }
0x62: {  	s31 =	rddreg [dreg:$0x12];
	[sflag:s17] =	ssyncadd.s32 $0xFFFFE000  }
0x63: {  	[hbm4b:s31+s3] =	stream.linear.scatter [tilespmem:s30], [sflag:$0x10], $0x2000, $0x38;
	[tilespmem:$0x16400] =	vst v63  }
0x64: {  	_ =	swait.ge [sflag:s18], $0x2000  }
0x65: {  	[sflag:s18] =	ssyncset.done $0x0  }
0x66: {  	s6 =	simm.s32 $0x580;
	[sflag:s18] =	ssyncadd.s32 $0xFFFFE000  }
0x67: {  	[tilespmem:s5], [sflag:$0x4] =	stream.indirect.gather [hbm4b:s4+s25], $0x40, s6, s25, $0xb8;
	[tilespmem:$0x16400] =	vst v63  }
0x68: {  	_ =	swait.ge [sflag:s0], $0x2000  }
0x69: {  	s6 =	rddreg [dreg:$0x1c]  }
0x6a: {  	[sflag:s0] =	ssyncset.done $0x0;
	s31 =	sshrl.u32 s6, $0x3  }
0x6b: {  	[sflag:s0] =	ssyncadd.s32 $0xFFFFE000;
	s2 =	sadd.s32 s28, s31  }
0x6c: {  	[hbm4b:s2+s3] =	stream.linear.scatter [tilespmem:s23], [sflag:$0x9], $0x2000, $0x38;
	[tilespmem:$0x16400] =	vst v63  }
0x6d: {  	_ =	swait.ge [sflag:s19], $0x2000  }
0x6e: {  	[sflag:s19] =	ssyncset.done $0x0  }
0x6f: {  	s0 =	simm.s32 $0x600;
	[sflag:s19] =	ssyncadd.s32 $0xFFFFE000  }
0x70: {  	[tilespmem:s26], [sflag:$0x5] =	stream.indirect.gather [hbm4b:s4+s25], $0x40, s0, s25, $0xb8;
	[tilespmem:$0x16400] =	vst v63  }
0x71: {  	_ =	swait.ge [sflag:s29], $0x2000  }
0x72: {  	s31 =	rddreg [dreg:$0x5];
	[sflag:s29] =	ssyncset.done $0x0  }
0x73: {  	[sflag:s29] =	ssyncadd.s32 $0xFFFFE000;
	s2 =	sadd.s32 s28, s31  }
0x74: {  	[hbm4b:s2+s3] =	stream.linear.scatter [tilespmem:s1], [sflag:$0xA], $0x2000, $0x38;
	[tilespmem:$0x16400] =	vst v63  }
0x75: {  	_ =	swait.ge [sflag:s20], $0x2000  }
0x76: {  	[sflag:s20] =	ssyncset.done $0x0  }
0x77: {  	s0 =	simm.s32 $0x680;
	[sflag:s20] =	ssyncadd.s32 $0xFFFFE000  }
0x78: {  	[tilespmem:s8], [sflag:$0x6] =	stream.indirect.gather [hbm4b:s4+s25], $0x40, s0, s25, $0xb8;
	[tilespmem:$0x16400] =	vst v63  }
0x79: {  	_ =	swait.ge [sflag:s7], $0x2000  }
0x7a: {  	s29 =	rddreg [dreg:$0x4];
	[sflag:s7] =	ssyncset.done $0x0  }
0x7b: {  	[sflag:s7] =	ssyncadd.s32 $0xFFFFE000;
	s2 =	sadd.s32 s28, s29  }
0x7c: {  	[hbm4b:s2+s3] =	stream.linear.scatter [tilespmem:s24], [sflag:$0xB], $0x2000, $0x38;
	[tilespmem:$0x16400] =	vst v63  }
0x7d: {  	_ =	swait.ge [sflag:s21], $0x2000  }
0x7e: {  	[sflag:s21] =	ssyncset.done $0x0  }
0x7f: {  	s31 =	simm.s32 $0x700;
	[sflag:s21] =	ssyncadd.s32 $0xFFFFE000  }
0x80: {  	[tilespmem:s10], [sflag:$0x7] =	stream.indirect.gather [hbm4b:s4+s25], $0x40, s31, s25, $0xb8;
	[tilespmem:$0x16400] =	vst v63  }
0x81: {  	_ =	swait.ge [sflag:s9], $0x2000  }
0x82: {  	s0 =	rddreg [dreg:$0x3];
	[sflag:s9] =	ssyncset.done $0x0  }
0x83: {  	[sflag:s9] =	ssyncadd.s32 $0xFFFFE000;
	s2 =	sadd.s32 s28, s0  }
0x84: {  	[hbm4b:s2+s3] =	stream.linear.scatter [tilespmem:s5], [sflag:$0xC], $0x2000, $0x38;
	[tilespmem:$0x16400] =	vst v63  }
0x85: {  	_ =	swait.ge [sflag:s22], $0x2000  }
0x86: {  	[sflag:s22] =	ssyncset.done $0x0  }
0x87: {  	s29 =	simm.s32 $0x780;
	[sflag:s22] =	ssyncadd.s32 $0xFFFFE000  }
0x88: {  	[tilespmem:s30], [sflag:$0x8] =	stream.indirect.gather [hbm4b:s4+s25], $0x40, s29, s25, $0xb8;
	[tilespmem:$0x16400] =	vst v63  }
0x89: {  	_ =	swait.ge [sflag:s11], $0x2000  }
0x8a: {  	s31 =	rddreg [dreg:$0x9];
	[sflag:s11] =	ssyncset.done $0x0  }
0x8b: {  	[sflag:s11] =	ssyncadd.s32 $0xFFFFE000;
	s2 =	sadd.s32 s28, s31  }
0x8c: {  	[hbm4b:s2+s3] =	stream.linear.scatter [tilespmem:s26], [sflag:$0xD], $0x2000, $0x38;
	[tilespmem:$0x16400] =	vst v63  }
0x8d: {  	_ =	swait.ge [sflag:s12], $0x2000  }
0x8e: {  	[sflag:s12] =	ssyncset.done $0x0  }
0x8f: {  	s0 =	simm.s32 $0x800;
	[sflag:s12] =	ssyncadd.s32 $0xFFFFE000  }
0x90: {  	[tilespmem:s23], [sflag:$0x1] =	stream.indirect.gather [hbm4b:s4+s25], $0x40, s0, s25, $0xb8;
	[tilespmem:$0x16400] =	vst v63  }
0x91: {  	_ =	swait.ge [sflag:s13], $0x2000  }
0x92: {  	s5 =	rddreg [dreg:$0x8];
	[sflag:s13] =	ssyncset.done $0x0  }
0x93: {  	[sflag:s13] =	ssyncadd.s32 $0xFFFFE000;
	s2 =	sadd.s32 s28, s5  }
0x94: {  	[hbm4b:s2+s3] =	stream.linear.scatter [tilespmem:s8], [sflag:$0xE], $0x2000, $0x38;
	[tilespmem:$0x16400] =	vst v63  }
0x95: {  	_ =	swait.ge [sflag:s14], $0x2000  }
0x96: {  	[sflag:s14] =	ssyncset.done $0x0  }
0x97: {  	s23 =	simm.s32 $0x880;
	[sflag:s14] =	ssyncadd.s32 $0xFFFFE000  }
0x98: {  	[tilespmem:s1], [sflag:$0x2] =	stream.indirect.gather [hbm4b:s4+s25], $0x40, s23, s25, $0xb8;
	[tilespmem:$0x16400] =	vst v63  }
0x99: {  	_ =	swait.ge [sflag:s15], $0x2000  }
0x9a: {  	s26 =	rddreg [dreg:$0x7];
	[sflag:s15] =	ssyncset.done $0x0  }
0x9b: {  	[sflag:s15] =	ssyncadd.s32 $0xFFFFE000;
	s2 =	sadd.s32 s28, s26  }
0x9c: {  	[hbm4b:s2+s3] =	stream.linear.scatter [tilespmem:s10], [sflag:$0xF], $0x2000, $0x38;
	[tilespmem:$0x16400] =	vst v63  }
0x9d: {  	_ =	swait.ge [sflag:s16], $0x2000  }
0x9e: {  	[sflag:s16] =	ssyncset.done $0x0  }
0x9f: {  	s29 =	simm.s32 $0x900;
	[sflag:s16] =	ssyncadd.s32 $0xFFFFE000  }
0xa0: {  	[tilespmem:s24], [sflag:$0x3] =	stream.indirect.gather [hbm4b:s4+s25], $0x40, s29, s25, $0xb8;
	[tilespmem:$0x16400] =	vst v63  }
0xa1: {  	_ =	swait.ge [sflag:s17], $0x2000  }
0xa2: {  	s31 =	rddreg [dreg:$0x6];
	[sflag:s17] =	ssyncset.done $0x0  }
0xa3: {  	[sflag:s17] =	ssyncadd.s32 $0xFFFFE000;
	s2 =	sadd.s32 s28, s31  }
0xa4: {  	[hbm4b:s2+s3] =	stream.linear.scatter [tilespmem:s30], [sflag:$0x10], $0x2000, $0x38;
	[tilespmem:$0x16400] =	vst v63  }
0xa5: {  	_ =	swait.ge [sflag:s18], $0x2000  }
0xa6: {  	s6 =	sadd.s32 $0x10000, s6;
	s23 =	sadd.s32 $0x2000, s28;
	[sflag:s18] =	ssyncset.done $0x0  }
0xa7: {  	s24 =	simm.s32 $0x1000;
	s2 =	simm.s32 $0x980;
	[sflag:s18] =	ssyncadd.s32 $0xFFFFE000  }
.LBB2_2:
0xa8: {  	s1 =	simm.s32 $0xC400;
	s0 =	simm.s32 $0x1  }
0xa9: {  	[tilespmem:s1], [sflag:$0x4] =	stream.indirect.gather [hbm4b:s4+s25], $0x40, s2, s25, $0xb8;
	[tilespmem:$0x16400] =	vst v63  }
0xaa: {  	_ =	swait.ge [sflag:s0], $0x2000  }
0xab: {  	s26 =	sshrl.u32 s6, $0x3;
	[sflag:s0] =	ssyncset.done $0x0  }
0xac: {  	s30 =	simm.s32 $0x6400;
	s26 =	sadd.s32 s28, s26;
	[sflag:s0] =	ssyncadd.s32 $0xFFFFE000  }
0xad: {  	[hbm4b:s26+s3] =	stream.linear.scatter [tilespmem:s30], [sflag:$0x9], $0x2000, $0x38;
	[tilespmem:$0x16400] =	vst v63  }
0xae: {  	s8 =	smov.u32 s24;
	_ =	swait.ge [sflag:s19], $0x2000  }
0xaf: {  	s2 =	sshra.s32 s8, $0x2;
	s8 =	simm.s32 $0xE400;
	[sflag:s19] =	ssyncset.done $0x0  }
0xb0: {  	s10 =	sadd.s32 $0x600, s2;
	s26 =	simm.s32 $0x2;
	[sflag:s19] =	ssyncadd.s32 $0xFFFFE000  }
0xb1: {  	[tilespmem:s8], [sflag:$0x5] =	stream.indirect.gather [hbm4b:s4+s25], $0x40, s10, s25, $0xb8;
	[tilespmem:$0x16400] =	vst v63  }
0xb2: {  	_ =	swait.ge [sflag:s26], $0x2000  }
0xb3: {  	s29 =	rddreg [dreg:$0x5];
	[sflag:s26] =	ssyncset.done $0x0  }
0xb4: {  	s31 =	simm.s32 $0x8400;
	[sflag:s26] =	ssyncadd.s32 $0xFFFFE000;
	s26 =	sadd.s32 s23, s29  }
0xb5: {  	[hbm4b:s26+s3] =	stream.linear.scatter [tilespmem:s31], [sflag:$0xA], $0x2000, $0x38;
	[tilespmem:$0x16400] =	vst v63  }
0xb6: {  	_ =	swait.ge [sflag:s20], $0x2000  }
0xb7: {  	[sflag:s20] =	ssyncset.done $0x0  }
0xb8: {  	s0 =	sadd.s32 $0x680, s2;
	s10 =	simm.s32 $0x10400;
	[sflag:s20] =	ssyncadd.s32 $0xFFFFE000  }
0xb9: {  	[tilespmem:s10], [sflag:$0x6] =	stream.indirect.gather [hbm4b:s4+s25], $0x40, s0, s25, $0xb8;
	[tilespmem:$0x16400] =	vst v63  }
0xba: {  	_ =	swait.ge [sflag:s7], $0x2000  }
0xbb: {  	s5 =	rddreg [dreg:$0x4];
	[sflag:s7] =	ssyncset.done $0x0  }
0xbc: {  	[sflag:s7] =	ssyncadd.s32 $0xFFFFE000;
	s26 =	sadd.s32 s23, s5;
	s5 =	simm.s32 $0xA400  }
0xbd: {  	[hbm4b:s26+s3] =	stream.linear.scatter [tilespmem:s5], [sflag:$0xB], $0x2000, $0x38;
	[tilespmem:$0x16400] =	vst v63  }
0xbe: {  	_ =	swait.ge [sflag:s21], $0x2000  }
0xbf: {  	[sflag:s21] =	ssyncset.done $0x0  }
0xc0: {  	s29 =	sadd.s32 $0x700, s2;
	s0 =	simm.s32 $0x12400;
	[sflag:s21] =	ssyncadd.s32 $0xFFFFE000  }
0xc1: {  	[tilespmem:s0], [sflag:$0x7] =	stream.indirect.gather [hbm4b:s4+s25], $0x40, s29, s25, $0xb8;
	[tilespmem:$0x16400] =	vst v63  }
0xc2: {  	_ =	swait.ge [sflag:s9], $0x2000  }
0xc3: {  	s29 =	rddreg [dreg:$0x3];
	[sflag:s9] =	ssyncset.done $0x0  }
0xc4: {  	[sflag:s9] =	ssyncadd.s32 $0xFFFFE000;
	s26 =	sadd.s32 s23, s29  }
0xc5: {  	[hbm4b:s26+s3] =	stream.linear.scatter [tilespmem:s1], [sflag:$0xC], $0x2000, $0x38;
	[tilespmem:$0x16400] =	vst v63  }
0xc6: {  	_ =	swait.ge [sflag:s22], $0x2000  }
0xc7: {  	[sflag:s22] =	ssyncset.done $0x0  }
0xc8: {  	s29 =	simm.s32 $0x14400;
	s1 =	sadd.s32 $0x780, s2;
	[sflag:s22] =	ssyncadd.s32 $0xFFFFE000  }
0xc9: {  	[tilespmem:s29], [sflag:$0x8] =	stream.indirect.gather [hbm4b:s4+s25], $0x40, s1, s25, $0xb8;
	[tilespmem:$0x16400] =	vst v63  }
0xca: {  	_ =	swait.ge [sflag:s11], $0x2000  }
0xcb: {  	s1 =	rddreg [dreg:$0x9];
	[sflag:s11] =	ssyncset.done $0x0  }
0xcc: {  	[sflag:s11] =	ssyncadd.s32 $0xFFFFE000;
	s26 =	sadd.s32 s23, s1  }
0xcd: {  	[hbm4b:s26+s3] =	stream.linear.scatter [tilespmem:s8], [sflag:$0xD], $0x2000, $0x38;
	[tilespmem:$0x16400] =	vst v63  }
0xce: {  	_ =	swait.ge [sflag:s12], $0x2000  }
0xcf: {  	[sflag:s12] =	ssyncset.done $0x0  }
0xd0: {  	s8 =	sadd.s32 $0x800, s2;
	[sflag:s12] =	ssyncadd.s32 $0xFFFFE000  }
0xd1: {  	[tilespmem:s30], [sflag:$0x1] =	stream.indirect.gather [hbm4b:s4+s25], $0x40, s8, s25, $0xb8;
	[tilespmem:$0x16400] =	vst v63  }
0xd2: {  	_ =	swait.ge [sflag:s13], $0x2000  }
0xd3: {  	s8 =	rddreg [dreg:$0x8];
	[sflag:s13] =	ssyncset.done $0x0  }
0xd4: {  	[sflag:s13] =	ssyncadd.s32 $0xFFFFE000;
	s26 =	sadd.s32 s23, s8  }
0xd5: {  	[hbm4b:s26+s3] =	stream.linear.scatter [tilespmem:s10], [sflag:$0xE], $0x2000, $0x38;
	[tilespmem:$0x16400] =	vst v63  }
0xd6: {  	_ =	swait.ge [sflag:s14], $0x2000  }
0xd7: {  	[sflag:s14] =	ssyncset.done $0x0  }
0xd8: {  	s8 =	sadd.s32 $0x880, s2;
	[sflag:s14] =	ssyncadd.s32 $0xFFFFE000  }
0xd9: {  	[tilespmem:s31], [sflag:$0x2] =	stream.indirect.gather [hbm4b:s4+s25], $0x40, s8, s25, $0xb8;
	[tilespmem:$0x16400] =	vst v63  }
0xda: {  	_ =	swait.ge [sflag:s15], $0x2000  }
0xdb: {  	s10 =	rddreg [dreg:$0x7];
	[sflag:s15] =	ssyncset.done $0x0  }
0xdc: {  	[sflag:s15] =	ssyncadd.s32 $0xFFFFE000;
	s26 =	sadd.s32 s23, s10  }
0xdd: {  	[hbm4b:s26+s3] =	stream.linear.scatter [tilespmem:s0], [sflag:$0xF], $0x2000, $0x38;
	[tilespmem:$0x16400] =	vst v63  }
0xde: {  	_ =	swait.ge [sflag:s16], $0x2000  }
0xdf: {  	[sflag:s16] =	ssyncset.done $0x0  }
0xe0: {  	s8 =	sadd.s32 $0x900, s2;
	[sflag:s16] =	ssyncadd.s32 $0xFFFFE000  }
0xe1: {  	[tilespmem:s5], [sflag:$0x3] =	stream.indirect.gather [hbm4b:s4+s25], $0x40, s8, s25, $0xb8;
	[tilespmem:$0x16400] =	vst v63  }
0xe2: {  	p0 =	sne.s32 s24, $0x16000;
	_ =	swait.ge [sflag:s17], $0x2000  }
0xe3: {  	s24 =	sadd.s32 $0x1000, s24;
	s10 =	rddreg [dreg:$0x6];
	[sflag:s17] =	ssyncset.done $0x0  }
.Ltmp0:
0xe4: {  	[sflag:s17] =	ssyncadd.s32 $0xFFFFE000;
	s26 =	sadd.s32 s23, s10;
	(pc) =	sbr.rel @p0 .LBB2_2-.Ltmp0, $4  }
0xe5: {  	[hbm4b:s26+s3] =	stream.linear.scatter [tilespmem:s29], [sflag:$0x10], $0x2000, $0x38;
	[tilespmem:$0x16400] =	vst v63  }
0xe6: {  	s6 =	sadd.s32 $0x10000, s6;
	s1 =	simm.s32 $0x6400;
	_ =	swait.ge [sflag:s18], $0x2000  }
0xe7: {  	s30 =	simm.s32 $0x8400;
	s31 =	simm.s32 $0xA400;
	[sflag:s18] =	ssyncset.done $0x0  }
0xe8: {  	s2 =	sadd.s32 $0x980, s2;
	s23 =	sadd.s32 $0x2000, s23;
	[sflag:s18] =	ssyncadd.s32 $0xFFFFE000  }
0xe9: {  	s5 =	simm.s32 $0xC400;
	s0 =	simm.s32 $0x1  }
0xea: {  	[tilespmem:s5], [sflag:$0x4] =	stream.indirect.gather [hbm4b:s4+s25], $0x40, s2, s25, $0xb8;
	[tilespmem:$0x16400] =	vst v63  }
0xeb: {  	_ =	swait.ge [sflag:s0], $0x2000  }
0xec: {  	[sflag:s0] =	ssyncset.done $0x0  }
0xed: {  	s6 =	rddreg [dreg:$0x13];
	[sflag:s0] =	ssyncadd.s32 $0xFFFFE000  }
0xee: {  	[hbm4b:s6+s3] =	stream.linear.scatter [tilespmem:s1], [sflag:$0x9], $0x2000, $0x38;
	[tilespmem:$0x16400] =	vst v63  }
0xef: {  	_ =	swait.ge [sflag:s19], $0x2000  }
0xf0: {  	s8 =	simm.s32 $0x6200;
	[sflag:s19] =	ssyncset.done $0x0  }
0xf1: {  	s10 =	simm.s32 $0x2;
	s1 =	simm.s32 $0xE400;
	[sflag:s19] =	ssyncadd.s32 $0xFFFFE000  }
0xf2: {  	[tilespmem:s1], [sflag:$0x5] =	stream.indirect.gather [hbm4b:s4+s25], $0x40, s8, s25, $0xb8;
	[tilespmem:$0x16400] =	vst v63  }
0xf3: {  	_ =	swait.ge [sflag:s10], $0x2000  }
0xf4: {  	[sflag:s10] =	ssyncset.done $0x0  }
0xf5: {  	s23 =	rddreg [dreg:$0x14];
	[sflag:s10] =	ssyncadd.s32 $0xFFFFE000  }
0xf6: {  	[hbm4b:s23+s3] =	stream.linear.scatter [tilespmem:s30], [sflag:$0xA], $0x2000, $0x38;
	[tilespmem:$0x16400] =	vst v63  }
0xf7: {  	_ =	swait.ge [sflag:s20], $0x2000  }
0xf8: {  	[sflag:s20] =	ssyncset.done $0x0  }
0xf9: {  	s24 =	simm.s32 $0x6280;
	s6 =	simm.s32 $0x10400;
	[sflag:s20] =	ssyncadd.s32 $0xFFFFE000  }
0xfa: {  	[tilespmem:s6], [sflag:$0x6] =	stream.indirect.gather [hbm4b:s4+s25], $0x40, s24, s25, $0xb8;
	[tilespmem:$0x16400] =	vst v63  }
0xfb: {  	_ =	swait.ge [sflag:s7], $0x2000  }
0xfc: {  	[sflag:s7] =	ssyncset.done $0x0  }
0xfd: {  	s26 =	rddreg [dreg:$0x15];
	[sflag:s7] =	ssyncadd.s32 $0xFFFFE000  }
0xfe: {  	[hbm4b:s26+s3] =	stream.linear.scatter [tilespmem:s31], [sflag:$0xB], $0x2000, $0x38;
	[tilespmem:$0x16400] =	vst v63  }
0xff: {  	_ =	swait.ge [sflag:s21], $0x2000  }
0x100: {  	[sflag:s21] =	ssyncset.done $0x0  }
0x101: {  	s29 =	simm.s32 $0x12400;
	s30 =	simm.s32 $0x6300;
	[sflag:s21] =	ssyncadd.s32 $0xFFFFE000  }
0x102: {  	[tilespmem:s29], [sflag:$0x7] =	stream.indirect.gather [hbm4b:s4+s25], $0x40, s30, s25, $0xb8;
	[tilespmem:$0x16400] =	vst v63  }
0x103: {  	_ =	swait.ge [sflag:s9], $0x2000  }
0x104: {  	[sflag:s9] =	ssyncset.done $0x0  }
0x105: {  	s31 =	rddreg [dreg:$0x16];
	[sflag:s9] =	ssyncadd.s32 $0xFFFFE000  }
0x106: {  	[hbm4b:s31+s3] =	stream.linear.scatter [tilespmem:s5], [sflag:$0xC], $0x2000, $0x38;
	[tilespmem:$0x16400] =	vst v63  }
0x107: {  	_ =	swait.ge [sflag:s22], $0x2000  }
0x108: {  	[sflag:s22] =	ssyncset.done $0x0  }
0x109: {  	s8 =	simm.s32 $0x14400;
	s10 =	simm.s32 $0x6380;
	[sflag:s22] =	ssyncadd.s32 $0xFFFFE000  }
0x10a: {  	[tilespmem:s8], [sflag:$0x8] =	stream.indirect.gather [hbm4b:s4+s25], $0x40, s10, s25, $0xb8;
	[tilespmem:$0x16400] =	vst v63  }
0x10b: {  	_ =	swait.ge [sflag:s11], $0x2000  }
0x10c: {  	[sflag:s11] =	ssyncset.done $0x0  }
0x10d: {  	s23 =	rddreg [dreg:$0x17];
	[sflag:s11] =	ssyncadd.s32 $0xFFFFE000  }
0x10e: {  	[hbm4b:s23+s3] =	stream.linear.scatter [tilespmem:s1], [sflag:$0xD], $0x2000, $0x38;
	[tilespmem:$0x16400] =	vst v63  }
0x10f: {  	_ =	swait.ge [sflag:s13], $0x2000  }
0x110: {  	[sflag:s13] =	ssyncset.done $0x0  }
0x111: {  	s24 =	rddreg [dreg:$0x18];
	[sflag:s13] =	ssyncadd.s32 $0xFFFFE000  }
0x112: {  	[hbm4b:s24+s3] =	stream.linear.scatter [tilespmem:s6], [sflag:$0xE], $0x2000, $0x38;
	[tilespmem:$0x16400] =	vst v63  }
0x113: {  	_ =	swait.ge [sflag:s15], $0x2000  }
0x114: {  	[sflag:s15] =	ssyncset.done $0x0  }
0x115: {  	s26 =	rddreg [dreg:$0x19];
	[sflag:s15] =	ssyncadd.s32 $0xFFFFE000  }
0x116: {  	[hbm4b:s26+s3] =	stream.linear.scatter [tilespmem:s29], [sflag:$0xF], $0x2000, $0x38;
	[tilespmem:$0x16400] =	vst v63  }
0x117: {  	_ =	swait.ge [sflag:s17], $0x2000  }
0x118: {  	[sflag:s17] =	ssyncset.done $0x0  }
0x119: {  	s29 =	rddreg [dreg:$0x1a];
	[sflag:s17] =	ssyncadd.s32 $0xFFFFE000  }
0x11a: {  	[hbm4b:s29+s3] =	stream.linear.scatter [tilespmem:s8], [sflag:$0x10], $0x2000, $0x38;
	[tilespmem:$0x16400] =	vst v63  }
0x11b: {  	_ =	swait.ge [sflag:s12], $0x2000  }
0x11c: {  	[sflag:s12] =	ssyncset.done $0x0  }
0x11d: {  	[sflag:s12] =	ssyncadd.s32 $0xFFFFE000  }
0x11e: {  	_ =	swait.ge [sflag:s14], $0x2000  }
0x11f: {  	[sflag:s14] =	ssyncset.done $0x0  }
0x120: {  	[sflag:s14] =	ssyncadd.s32 $0xFFFFE000  }
0x121: {  	_ =	swait.ge [sflag:s16], $0x2000  }
0x122: {  	[sflag:s16] =	ssyncset.done $0x0  }
0x123: {  	[sflag:s16] =	ssyncadd.s32 $0xFFFFE000  }
0x124: {  	_ =	swait.ge [sflag:s18], $0x2000  }
0x125: {  	[sflag:s18] =	ssyncset.done $0x0  }
0x126: {  	[sflag:s18] =	ssyncadd.s32 $0xFFFFE000  }
0x127: {  	_ =	swait.ge [sflag:s19], $0x2000  }
0x128: {  	[sflag:s19] =	ssyncset.done $0x0  }
0x129: {  	[sflag:s19] =	ssyncadd.s32 $0xFFFFE000  }
0x12a: {  	_ =	swait.ge [sflag:s20], $0x2000  }
0x12b: {  	[sflag:s20] =	ssyncset.done $0x0  }
0x12c: {  	[sflag:s20] =	ssyncadd.s32 $0xFFFFE000  }
0x12d: {  	_ =	swait.ge [sflag:s21], $0x2000  }
0x12e: {  	[sflag:s21] =	ssyncset.done $0x0  }
0x12f: {  	[sflag:s21] =	ssyncadd.s32 $0xFFFFE000  }
0x130: {  	_ =	swait.ge [sflag:s22], $0x2000  }
0x131: {  	s30 =	rddreg [dreg:$0x1d]  }
0x132: {  	s31 =	rddreg [dreg:$0x1b];
	s0 =	sadd.s32 $0x1, s30  }
0x133: {  	p0 =	sne.s32 s0, s31  }
.Ltmp1:
0x134: {  	_ = 	snop;
	(pc) =	sbr.rel @p0 .LBB2_1-.Ltmp1, $3  }
0x135: {  	_ =	sdelay $0x1  }
0x136: {  	[sflag:s22] =	ssyncset.done $0x0  }
0x137: {  	[sflag:s22] =	ssyncadd.s32 $0xFFFFE000  }
0x138: {  	_ =	sfence.sel $0x180000  }
0x139: {  	[bflag:$0x0] =	sbarrier.arrive $0xFFFF  }
0x13a: {  	_ =	strace $0x90000047  }
0x13b: {  	s0 =	stileid.u32;
	[bflag:$0x2] =	sbarrier.arrive $0xFFFF  }
0x13c: {  	p0 =	sne.s32 s0, $0x0;
	s0 =	rddreg [dreg:$0x2]  }
0x13d: {  	s0 =	sadd.s32 @!p0 $0x100000, s0  }
0x13e: {  	[sflag:s0] =	ssyncadd.tile.s32 @!p0 $0x1;
	_ =	shalt  }
.Lfunc_end2:
_tile_overlayer_lowered:
.L_overlay_start_2:
0x13f: {  	(tag) =	ssettag $0x2  }
0x140: {  	s0 =	rddreg [dreg:$0x0];
	s2 =	stileid.u32  }
0x141: {  	s1 =	rddreg [dreg:$0x1];
	p0 =	sne.s32 s2, $0x0  }
0x142: {  	s3 =	rddreg [dreg:$0x2];
	[bflag:$0x3] =	sbarrier.arrive $0xFFFF;
	s2 =	simm.s32 @!p0 $0x1C11  }
0x143: {  	[timem:s3], [sflag:s2] =	dma.local @!p0 [hbm:s0], s1  }
0x144: {  	s0 =	simm.s32 @!p0 $0x11  }
0x145: {  	_ =	swait.ge @!p0 [sflag:s0], s1  }
0x146: {  	s1 =	ssub.s32 @!p0 $0x0, s1;
	[sflag:s0] =	ssyncset.done @!p0 $0x0  }
0x147: {  	[sflag:s0] =	ssyncadd.s32 @!p0 s1  }
0x148: {  	[bflag:$0x3] =	sbarrier.arrive $0xFFFF  }
0x149: {  	_ =	shalt  }

// kernel: sparse-core-data-format-call.cloned.1.call-start
scs
called_computation_lowered:
.L_overlay_start_0:
0x0: {  	s2 =	sld [smem:$0x3FD9]  }
0x1: {  	s3 =	sld [smem:$0x3FFE];
	_ =	sdelay $0x1  }
0x2: {  	s1 =	srdreg.scid  }
0x3: {  	s0 =	sand.u32 $0x1, s1  }
0x4: {  	s18 =	sshll.u32 s0, $0xA;
	s2 =	sadd.s32 s3, s2  }
0x5: {  	s2 =	sadd.s32 s2, s18  }
0x6: {  	[smem:$0x3FC6] =	sst s2  }
0x7: {  	_ = 	snop  }
0x8: {  	s2 =	sld [smem:$0x3FD0];
	(tm) =	ssettm $0x1  }
0x9: {  	s19 =	sld [smem:$0x3FFB];
	_ =	sdelay $0x3  }
0xa: {  	_ =	strace s19  }
0xb: {  	s3 =	sld [smem:$0x3FFC];
	_ =	sdelay $0x3  }
0xc: {  	_ =	strace s3  }
0xd: {  	s3 =	sld [smem:$0x3FFD];
	_ =	sdelay $0x3  }
0xe: {  	_ =	strace s3  }
0xf: {  	_ =	strace $0x8FFFFFFF  }
0x10: {  	s20 =	sld [smem:$0x3FDB];
	_ =	sdelay $0x1  }
0x11: {  	s4 =	simm.s32 $_scs_section_size  }
0x12: {  	s5 =	simm.s32 $_size__tile_overlayer_lowered;
	s6 =	simm.s32 $_tile_overlayer_lowered  }
0x13: {  	s23 =	simm.s32 $0x1BFF;
	s22 =	sshll.u32 s6, $0x1;
	s3 =	sadd.s32 s4, s20  }
0x14: {  	s7 =	simm.s32 $0x0;
	s21 =	sshll.u32 s5, $0x1;
	s5 =	sadd.s32 s22, s3  }
0x15: {  	[timem:s7], [sflag:s23] =	dma.local [hbm:s5], s21  }
0x16: {  	_ =	swait.ge [sflag:s23], s21  }
0x17: {  	s4 =	ssub.s32 $0x0, s21;
	[sflag:s23] =	ssyncset.done $0x0  }
0x18: {  	[sflag:s23] =	ssyncadd.s32 s4;
	_ =	sdelay $0x1  }
0x19: {  	s24 =	simm.s32 $0x1B8B  }
0x1a: {  	_ =	swait.ge [sflag:s24], $0x1  }
0x1b: {  	[sflag:s24] =	ssyncset.done $0x0  }
0x1c: {  	s26 =	simm.s32 $0x1B8E;
	s25 =	sld [smem:$0x3FFE];
	[sflag:s24] =	ssyncadd.s32 $0xFFFFFFFF  }
0x1d: {  	s27 =	simm.s32 $execute0_lowered;
	[smem:$0x3FD2] =	sst s26  }
0x1e: {  	s5 =	sshll.u32 s27, $0x1;
	_ =	strace $0x80000049;
	[dreg:$0x1] =	wrdreg $0xFFFFFFFF  }
0x1f: {  	s28 =	simm.s32 $_size_execute0_lowered;
	s3 =	sadd.s32 s3, s5;
	[dreg:$0x0] =	wrdreg $0x0  }
0x20: {  	s5 =	sshll.u32 s28, $0x1;
	[dreg:$0x2] =	wrdreg s3  }
0x21: {  	[dreg:$0x3] =	wrdreg s5  }
0x22: {  	[dreg:$0x4] =	wrdreg $0xC0  }
0x23: {  	_ =	task [dreg:s7], $0x5FFFF  }
0x24: {  	[dreg:$0x1] =	wrdreg $0xFFFFFFFF  }
0x25: {  	[dreg:$0x0] =	wrdreg $0x60  }
0x26: {  	[dreg:$0x2] =	wrdreg s25  }
0x27: {  	[dreg:$0x3] =	wrdreg s2  }
0x28: {  	[dreg:$0x4] =	wrdreg $0x9  }
0x29: {  	_ =	task.clear_ibuf [dreg:s7], $0x5FFFF;
	_ =	strace $0x90000049  }
0x2a: {  	s29 =	simm.s32 $0x9;
	_ =	strace $0x8000004B  }
0x2b: {  	_ =	swait.ge [sflag:s29], $0x1  }
0x2c: {  	[sflag:s29] =	ssyncadd.s32 $0xFFFFFFFF  }
0x2d: {  	_ =	strace $0x9000004B  }
0x2e: {  	_ =	sfence  }
0x2f: {  	s30 =	sld [smem:$0x0];
	_ =	sdelay $0x2  }
0x30: {  	s31 =	sshll.u32 s1, $0xD;
	s1 =	sshrl.u32 s1, $0x2  }
0x31: {  	s3 =	sand.u32 $0x4000, s31;
	s1 =	sadd.s32 s1, s30  }
0x32: {  	s0 =	sor.u32 s3, s0;
	s1 =	sshll.u32 s1, $0x11  }
0x33: {  	s0 =	sor.u32 s1, s0  }
0x34: {  	s0 =	sadd.s32 $0x8F2B, s0  }
0x35: {  	[sflag:s0] =	ssyncadd.remote.s32 $0x1  }
0x36: {  	_ =	sfence.sel $0xFFFF  }
0x37: {  	[dreg:$0x0] =	wrdreg $0xFFFFFFFF;
	(pc) =	sbr.abs _section_cstart, $3  }
0x38: {  	[dreg:$0x1] =	wrdreg $0xFFFFFFFF  }
0x39: {  	_ =	task.clear_ibuf [dreg:s7], $0x2FFFF;
	_ =	strace $0x9FFFFFFF  }
0x3a: {  	(tm) =	ssettm $0x7FFFFFFF  }
0x3b: {  	_ =	shalt  }
tec
execute0_lowered:
.L_overlay_start_1:
0x0: {  	(tag) =	ssettag $0x1  }
0x1: {  	s0 =	srdreg.scid  }
0x2: {  	s1 =	sshll.u32 s0, $0x4  }
0x3: {  	s0 =	stileid.u32;
	s1 =	sand.u32 $0x10, s1  }
0x4: {  	s1 =	sor.u32 s0, s1  }
0x5: {  	s6 =	rddreg [dreg:$0x0];
	s4 =	simm.s32 $0x1;
	s2 =	sshll.u32 s1, $0x7  }
0x6: {  	s7 =	simm.s32 $0x2;
	s12 =	simm.s32 $0x0;
	s1 =	ssub.s32 $0x4000, s2  }
0x7: {  	s8 =	simm.s32 $0x20000;
	s13 =	simm.s32 $0x0;
	s3 =	sand.u32 $0xF80, s1  }
0x8: {  	s9 =	simm.s32 $0x0;
	s5 =	sshrl.u32 s1, $0xC;
	p0 =	sne.s32 s3, $0x0  }
.Ltmp0:
0x9: {  	s1 =	rddreg [dreg:$0x2];
	s4 =	simm.s32 @!p0 $0x0;
	(pc) =	sbr.rel .LBB1_1-.Ltmp0, $4  }
0xa: {  	s11 =	simm.s32 $0x0;
	s3 =	rddreg [dreg:$0x1];
	s5 =	sadd.s32 s4, s5  }
0xb: {  	_ =	strace $0x8000004A;
	s4 =	simm.s32 $0x1;
	s5 =	smul.u32 $0x32, s5  }
0xc: {  	s6 =	sadd.s32 $0xA00, s6;
	s10 =	smov.u32 s2;
	[sflag:s4] =	ssyncpa.u1 $0x0  }
0xd: {  	p0 =	por $0x0, $0x0;
	[sflag:s7] =	ssyncpa.u1 $0x0;
	s7 =	sor.u32 $0x1, s5  }
.LBB1_4:
0xe: {  	s16 =	sshll.u32 s13, $0x3;
	s17 =	sand.u32 $0x78, s13  }
0xf: {  	s30 =	sand.u32 $0x1F800, s13;
	s12 =	sshll.u32 s12, $0x11;
	s16 =	sand.u32 $0x3C00, s16  }
0x10: {  	[tilespmem:s15+$0x810 ss:$0x81] =	vst.msk $0xffff, v2;
	s31 =	sand.u32 $0x7, s13;
	s16 =	sor.u32 s17, s16;
	s17 =	sadd.s32 s3, s30  }
0x11: {  	[tilespmem:s15+$0x1020 ss:$0x81] =	vst.msk $0xffff, v0;
	s13 =	sshll.u32 s31, $0x12;
	s12 =	sadd.s32 s12, s17;
	s16 =	sshrl.u32 s16, $0x3  }
0x12: {  	[tilespmem:s15+$0x0 ss:$0x81] =	vst.msk $0xffff, v1;
	s13 =	sor.u32 $0x400, s13;
	s12 =	sadd.s32 s16, s12  }
0x13: {  	[hbm4b:s12+s13] =	stream.strided.scatter [tilespmem:s14], [sflag:$0x2], $0x2000, s8, s13, $0x20;
	[tilespmem:$0x8080] =	vst v63  }
.LBB1_5:
0x14: {  	s14 =	sadd.s32 $0x1, s9  }
0x15: {  	s12 =	sadd.s32 $0x1000, s10;
	s16 =	smov.u32 s10;
	p2 =	sgt.s32 s14, $0x31  }
0x16: {  	s16 =	smov.u32 @p2 s12  }
0x17: {  	s14 =	simm.s32 @p2 $0x0;
	p2 =	sgt.s32 s16, $0x3FFF  }
0x18: {  	s16 =	smov.u32 @p2 s2;
	p2 =	sne.s32 s11, s7  }
.Ltmp1:
0x19: {  	p1 =	slt.u32 s11, $0x2;
	(pc) =	sbr.rel @!p2 .LBB1_6-.Ltmp1, $4  }
0x1a: {  	s15 =	simm.s32 @!p1 $0x2  }
0x1b: {  	s13 =	smov.u32 s10;
	p0 =	por !p0, !p0;
	_ =	swait.ge @!p1 [sflag:s15], $0x2000  }
0x1c: {  	s12 =	smov.u32 s9;
	[sflag:s15] =	ssyncset.done @!p1 $0x0;
	s9 =	smov.u32 s14  }
0x1d: {  	s11 =	sadd.s32 $0x1, s11;
	[sflag:s15] =	ssyncadd.s32 @!p1 $0xFFFFE000;
	s10 =	smov.u32 s16  }
.LBB1_1:
0x1e: {  	p1 =	sge.u32 s11, s5  }
0x1f: {  	s14 =	sand.u32 @!p1 $0x1FFFFFF, s9  }
0x20: {  	s15 =	smulhi.u32 @!p1 $0x4924925, s14;
	_ =	sdelay $0x1  }
0x21: {  	s15 =	smul.u32 @!p1 $0x38, s15  }
0x22: {  	s16 =	sxor.u32 @!p1 $0xFFFFFFFF, s11;
	s17 =	smul.u32 @!p1 $0x380, s10  }
0x23: {  	s31 =	sadd.s32 $0xFFFFFFFF, s11;
	s16 =	sshll.u32 @!p1 s16, $0xD;
	s14 =	ssub.s32 @!p1 s14, s15  }
0x24: {  	s15 =	sand.u32 @!p1 $0x2000, s16;
	s16 =	sadd.s32 @!p1 s6, s17;
	s14 =	sshll.u32 @!p1 s14, $0x4  }
0x25: {  	s17 =	simm.s32 @!p1 $0x1C00;
	s14 =	sadd.s32 @!p1 s14, s16;
	s16 =	simm.s32 @!p1 $0x40  }
0x26: {  	[tilespmem:s15], [sflag:$0x1] =	stream.strided.gather @!p1 [hbm4b:s14+s16], $0x2000, s17, s16, $0x38;
	[tilespmem:$0x8080] =	vst v63  }
0x27: {  	p1 =	sge.u32 s31, s5  }
.Ltmp2:
0x28: {  	_ = 	snop;
	(pc) =	sbr.rel @p1 .LBB1_5-.Ltmp2, $1  }
0x29: {  	_ =	sdelay $0x3  }
0x2a: {  	s14 =	simm.s32 $0x1  }
0x2b: {  	_ =	swait.ge [sflag:s4], $0x2000;
	s14 =	simm.s32 @!p0 $0x0  }
0x2c: {  	[sflag:s4] =	ssyncset.done $0x0;
	s15 =	sshll.u32 s14, $0xD  }
0x2d: {  	[sflag:s4] =	ssyncadd.s32 $0xFFFFE000;
	s18 =	sor.u32 $0x20, s15  }
0x2e: {  	s14 =	smul.u32 $0x8100, s14;
	v3 =	vld [tilespmem:s18+$0x10]  }
0x2f: {  	s30 =	sand.u32 $0x1, s11;
	v2 =	vld [tilespmem:s18+$0xFFFFFFF0]  }
0x30: {  	s15 =	smul.u32 $0x8100, s30;
	s14 =	sshrl.u32 s14, $0x2;
	v0 =	vld [tilespmem:s18+$0x0]  }
0x31: {  	v1 =	vld [tilespmem:s18+$0xFFFFFFE0];
	s16 =	sor.u32 $0x4000, s14  }
0x32: {  	s31 =	sshrl.u32 s15, $0x2;
	s15 =	sadd.s32 $0x0, s16  }
0x33: {  	s17 =	simm.s32 $0x4;
	s18 =	sadd.s32 $0x40, s18;
	s14 =	sor.u32 $0x4000, s31;
	[tilespmem:s15+$0x1830 ss:$0x81] =	vst.msk $0xffff, v3  }
.LBB1_3:
0x34: {  	v3 =	vld [tilespmem:s18+$0x10];
	p1 =	sne.s32 s17, $0x1FC;
	[tilespmem:s15+$0x810 ss:$0x81] =	vst.msk $0xffff, v2;
	s19 =	smov.u32 s17;
	s17 =	sadd.s32 $0x4, s17  }
.Ltmp3:
0x35: {  	v2 =	vld [tilespmem:s18+$0xFFFFFFF0];
	[tilespmem:s15+$0x1020 ss:$0x81] =	vst.msk $0xffff, v0;
	(pc) =	sbr.rel @p1 .LBB1_3-.Ltmp3, $4  }
0x36: {  	v0 =	vld [tilespmem:s18+$0x0];
	[tilespmem:s15+$0x0 ss:$0x81] =	vst.msk $0xffff, v1  }
0x37: {  	s15 =	sshra.s32 s19, $0x2;
	v1 =	vld [tilespmem:s18+$0xFFFFFFE0]  }
0x38: {  	s15 =	sadd.s32 s15, s16  }
0x39: {  	s18 =	sadd.s32 $0x40, s18;
	[tilespmem:s15+$0x1830 ss:$0x81] =	vst.msk $0xffff, v3  }
.Ltmp4:
0x3a: {  	_ = 	snop;
	(pc) =	sbr.rel .LBB1_4-.Ltmp4, $1  }
0x3b: {  	_ =	sdelay $0x3  }
.LBB1_6:
0x3c: {  	_ =	sfence.sel $0x180000  }
0x3d: {  	s2 =	simm.s32 $0x1;
	[bflag:$0x0] =	sbarrier.arrive $0xFFFF  }
0x3e: {  	s31 =	simm.s32 $0x2;
	[sflag:s2] =	ssyncpa.u1 $0x1  }
0x3f: {  	[sflag:s31] =	ssyncpa.u1 $0x1  }
0x40: {  	p0 =	sne.s32 s0, $0x0;
	_ =	strace $0x9000004A  }
0x41: {  	s0 =	sadd.s32 @!p0 $0x100000, s1;
	[bflag:$0x2] =	sbarrier.arrive $0xFFFF  }
0x42: {  	[sflag:s0] =	ssyncadd.tile.s32 @!p0 $0x1;
	_ =	shalt  }
.Lfunc_end1:
_tile_overlayer_lowered:
.L_overlay_start_2:
0x43: {  	(tag) =	ssettag $0x2  }
0x44: {  	s0 =	rddreg [dreg:$0x0];
	s2 =	stileid.u32  }
0x45: {  	s1 =	rddreg [dreg:$0x1];
	p0 =	sne.s32 s2, $0x0  }
0x46: {  	s3 =	rddreg [dreg:$0x2];
	[bflag:$0x3] =	sbarrier.arrive $0xFFFF;
	s2 =	simm.s32 @!p0 $0x1C01  }
0x47: {  	[timem:s3], [sflag:s2] =	dma.local @!p0 [hbm:s0], s1  }
0x48: {  	s0 =	simm.s32 @!p0 $0x1  }
0x49: {  	_ =	swait.ge @!p0 [sflag:s0], s1  }
0x4a: {  	s1 =	ssub.s32 @!p0 $0x0, s1;
	[sflag:s0] =	ssyncset.done @!p0 $0x0  }
0x4b: {  	[sflag:s0] =	ssyncadd.s32 @!p0 s1  }
0x4c: {  	[bflag:$0x3] =	sbarrier.arrive $0xFFFF  }
0x4d: {  	_ =	shalt  }

</sc_bundles>
